<compile_context>
chip_gen: v7x
topology: tpu7x:2x2x1
jax: 0.10.2.dev20260603
libtpu: 0.0.44.dev20260713+nightly
codegen_flags: <defaults>
</compile_context>

<pallas_src>
import functools

import jax
import jax.numpy as jnp
from jax import lax
from jax.experimental import pallas as pl
from jax.experimental.pallas import tpu as pltpu
from jax.experimental.pallas import tpu_sc as plsc

_N = 10000
_E = 320000
_H = 128
_G = 64
_C = 10

_NC = 2
_NS = 16
_NW = _NC * _NS
_EPT = _E // _NW
_EBATCH = 125
_NCH = _EPT // _EBATCH
_HCH = _NCH // 2
_ZR = _N // _NS
_FR = 632
_FL = _N - (_NS - 1) * _FR

_mesh = plsc.VectorSubcoreMesh(
    core_axis_name="c", subcore_axis_name="s", num_cores=_NC, num_subcores=_NS
)


@functools.partial(
    pl.kernel,
    out_type=jax.ShapeDtypeStruct((_NC, _N, _H), jnp.float32),
    mesh=_mesh,
    scratch_types=[
        pltpu.VMEM((2 * _HCH, _EBATCH), jnp.int32),
        pltpu.VMEM((2, _EBATCH, _H), jnp.float32),
        pltpu.VMEM_SHARED((_N, _H), jnp.float32),
        pltpu.SemaphoreType.DMA((2,)),
        pltpu.SemaphoreType.DMA((2,)),
    ],
)
def _seg_sum(h, src, dst, zeros, out, idx_v, rows_v, acc, gsem, ssem):
    c = lax.axis_index("c")
    s = lax.axis_index("s")
    wid = c * _NS + s
    pltpu.sync_copy(src.at[0].at[wid], idx_v.at[pl.ds(0, _HCH)])
    pltpu.sync_copy(dst.at[0].at[wid], idx_v.at[pl.ds(_HCH, _HCH)])
    pltpu.async_copy(h.at[idx_v.at[0]], rows_v.at[0], gsem.at[0])
    pltpu.sync_copy(zeros, acc.at[pl.ds(s * _ZR, _ZR)])
    plsc.subcore_barrier()

    for half in range(2):
        if half == 1:
            pltpu.sync_copy(src.at[1].at[wid], idx_v.at[pl.ds(0, _HCH)])
            pltpu.sync_copy(dst.at[1].at[wid], idx_v.at[pl.ds(_HCH, _HCH)])
            pltpu.async_copy(h.at[idx_v.at[0]], rows_v.at[0], gsem.at[0])

        def body(j, carry):
            nxt = j + 1
            jb = lax.rem(j, 2)

            @pl.when(nxt < _HCH)
            def _():
                nb = lax.rem(nxt, 2)

                @pl.when(nxt >= 2)
                def _():
                    pltpu.make_async_copy(
                        rows_v.at[nb],
                        acc.at[idx_v.at[_HCH + nxt - 2]],
                        ssem.at[nb],
                    ).wait()

                pltpu.async_copy(h.at[idx_v.at[nxt]], rows_v.at[nb], gsem.at[nb])

            pltpu.make_async_copy(
                h.at[idx_v.at[j]], rows_v.at[jb], gsem.at[jb]
            ).wait()
            pltpu.async_copy(
                rows_v.at[jb], acc.at[idx_v.at[_HCH + j]], ssem.at[jb], add=True
            )
            return carry

        lax.fori_loop(0, _HCH, body, 0)
        for jj in (_HCH - 2, _HCH - 1):
            pltpu.make_async_copy(
                rows_v.at[jj % 2], acc.at[idx_v.at[_HCH + jj]], ssem.at[jj % 2]
            ).wait()
    plsc.subcore_barrier()

    @pl.when(s < _NS - 1)
    def _():
        pltpu.sync_copy(
            acc.at[pl.ds(s * _FR, _FR)], out.at[c].at[pl.ds(s * _FR, _FR)]
        )

    @pl.when(s == _NS - 1)
    def _():
        pltpu.sync_copy(
            acc.at[pl.ds((_NS - 1) * _FR, _FL)],
            out.at[c].at[pl.ds((_NS - 1) * _FR, _FL)],
        )


_BR = 5000


def _lin_body(a0, a1, x, wr, ws, b, o):
    y = jnp.dot(a0[0] + a1[0], wr[...], preferred_element_type=jnp.float32)
    y = y + jnp.dot(x[...], ws[...], preferred_element_type=jnp.float32)
    o[...] = jnp.maximum(y + b[...], 0.0)


def _fused_linear_relu(accs, x, wr, ws, b):
    return pl.pallas_call(
        _lin_body,
        grid=(_N // _BR,),
        in_specs=[
            pl.BlockSpec((1, _BR, _H), lambda i: (0, i, 0)),
            pl.BlockSpec((1, _BR, _H), lambda i: (1, i, 0)),
            pl.BlockSpec((_BR, _H), lambda i: (i, 0)),
            pl.BlockSpec((_H, _H), lambda i: (0, 0)),
            pl.BlockSpec((_H, _H), lambda i: (0, 0)),
            pl.BlockSpec((1, _H), lambda i: (0, 0)),
        ],
        out_specs=pl.BlockSpec((_BR, _H), lambda i: (i, 0)),
        out_shape=jax.ShapeDtypeStruct((_N, _H), jnp.float32),
    )(accs, accs, x, wr, ws, b)


def _last_body(a0, a1, x, wr, ws, b, batch, wlin, blin, o, sums, counts):
    i = pl.program_id(0)

    @pl.when(i == 0)
    def _():
        sums[...] = jnp.zeros_like(sums)
        counts[...] = jnp.zeros_like(counts)

    y = jnp.dot(a0[0] + a1[0], wr[...], preferred_element_type=jnp.float32)
    y = y + jnp.dot(x[...], ws[...], preferred_element_type=jnp.float32)
    y = y + b[...]
    oh = (lax.broadcasted_iota(jnp.int32, (_BR, _G), 1) == batch[...]).astype(
        jnp.float32
    )
    sums[...] += lax.dot_general(
        oh, y, (((0,), (0,)), ((), ())), preferred_element_type=jnp.float32
    )
    counts[...] += lax.dot_general(
        oh,
        jnp.ones((_BR, 1), jnp.float32),
        (((0,), (0,)), ((), ())),
        preferred_element_type=jnp.float32,
    )

    @pl.when(i == pl.num_programs(0) - 1)
    def _():
        pooled = sums[...] / jnp.maximum(counts[...], 1.0)
        o[...] = (
            jnp.dot(pooled, wlin[...], preferred_element_type=jnp.float32) + blin[...]
        )


def _last_layer_pool(accs, x, wr, ws, b, batch2d, wlin, blin):
    return pl.pallas_call(
        _last_body,
        grid=(_N // _BR,),
        in_specs=[
            pl.BlockSpec((1, _BR, _H), lambda i: (0, i, 0)),
            pl.BlockSpec((1, _BR, _H), lambda i: (1, i, 0)),
            pl.BlockSpec((_BR, _H), lambda i: (i, 0)),
            pl.BlockSpec((_H, _H), lambda i: (0, 0)),
            pl.BlockSpec((_H, _H), lambda i: (0, 0)),
            pl.BlockSpec((1, _H), lambda i: (0, 0)),
            pl.BlockSpec((_BR, 1), lambda i: (i, 0)),
            pl.BlockSpec((_H, _C), lambda i: (0, 0)),
            pl.BlockSpec((1, _C), lambda i: (0, 0)),
        ],
        out_specs=pl.BlockSpec((_G, _C), lambda i: (0, 0)),
        out_shape=jax.ShapeDtypeStruct((_G, _C), jnp.float32),
        scratch_shapes=[
            pltpu.VMEM((_G, _H), jnp.float32),
            pltpu.VMEM((_G, 1), jnp.float32),
        ],
    )(accs, accs, x, wr, ws, b, batch2d, wlin, blin)


def kernel(x, edge_index, batch, W1r, W1s, b1, W2r, W2s, b2, W3r, W3s, b3, Wlin, blin):
    src4 = edge_index[0].reshape(2, _NW, _HCH, _EBATCH)
    dst4 = edge_index[1].reshape(2, _NW, _HCH, _EBATCH)
    zeros = jnp.zeros((_ZR, _H), jnp.float32)
    batch2d = batch.reshape(_N, 1).astype(jnp.int32)

    h = x
    for wr, ws, b in ((W1r, W1s, b1), (W2r, W2s, b2)):
        accs = _seg_sum(h, src4, dst4, zeros)
        h = _fused_linear_relu(accs, h, wr, ws, b.reshape(1, _H))
    accs = _seg_sum(h, src4, dst4, zeros)
    return _last_layer_pool(
        accs, h, W3r, W3s, b3.reshape(1, _H), batch2d, Wlin, blin.reshape(1, _C)
    )

# --- scband reference (transcript-rebuilt; emitter-appended) ---
"""Pipeline reference for scband-gcn-16621523435856 (READ-ONLY COPY).

The authoritative reference and input builder live on the scoring server;
editing this copy changes nothing except your own understanding.
"""

import jax, jax.numpy as jnp
import numpy as np

N = 10000
E = 320000
D = 128
H = 128
C = 10
G = 64


def setup_inputs(seed: int = 0) -> dict:
    key = jax.random.key(seed)
    ks = jax.random.split(key, 16)
    x = jax.random.normal(ks[0], (N, D), dtype=jnp.float32)
    edge_index = jax.random.randint(ks[1], (2, E), 0, N)
    batch = jnp.sort(jax.random.randint(ks[2], (N,), 0, G))
    s1 = 1.0 / np.sqrt(D)
    s2 = 1.0 / np.sqrt(H)
    W1r = jax.random.normal(ks[3], (D, H), dtype=jnp.float32) * s1
    W1s = jax.random.normal(ks[4], (D, H), dtype=jnp.float32) * s1
    b1 = jnp.zeros((H,), dtype=jnp.float32)
    W2r = jax.random.normal(ks[5], (H, H), dtype=jnp.float32) * s2
    W2s = jax.random.normal(ks[6], (H, H), dtype=jnp.float32) * s2
    b2 = jnp.zeros((H,), dtype=jnp.float32)
    W3r = jax.random.normal(ks[7], (H, H), dtype=jnp.float32) * s2
    W3s = jax.random.normal(ks[8], (H, H), dtype=jnp.float32) * s2
    b3 = jnp.zeros((H,), dtype=jnp.float32)
    Wlin = jax.random.normal(ks[9], (H, C), dtype=jnp.float32) * s2
    blin = jnp.zeros((C,), dtype=jnp.float32)
    return {"x": x, "edge_index": edge_index, "batch": batch,
            "W1r": W1r, "W1s": W1s, "b1": b1,
            "W2r": W2r, "W2s": W2s, "b2": b2,
            "W3r": W3r, "W3s": W3s, "b3": b3,
            "Wlin": Wlin, "blin": blin}


def _graph_conv(x, edge_index, Wr, Ws, b):
    # PyG GraphConv: out_i = lin_root(x_i) + lin_rel(sum_{j in N(i)} x_j)
    src = edge_index[0]
    dst = edge_index[1]
    agg = jax.ops.segment_sum(x[src], dst, num_segments=x.shape[0])
    return agg @ Wr + x @ Ws + b


def reference(x, edge_index, batch, W1r, W1s, b1, W2r, W2s, b2, W3r, W3s, b3, Wlin, blin):
    h = jax.nn.relu(_graph_conv(x, edge_index, W1r, W1s, b1))
    h = jax.nn.relu(_graph_conv(h, edge_index, W2r, W2s, b2))
    h = _graph_conv(h, edge_index, W3r, W3s, b3)
    # global_mean_pool over graph ids in `batch`
    sums = jax.ops.segment_sum(h, batch, num_segments=G)
    counts = jax.ops.segment_sum(jnp.ones((h.shape[0], 1), dtype=h.dtype), batch, num_segments=G)
    pooled = sums / jnp.maximum(counts, 1.0)
    # dropout is identity in eval mode
    return pooled @ Wlin + blin

if __name__ == "__main__":
    import jax
    _d = setup_inputs()
    print(jax.jit(kernel)(*tuple(_d.values())))

</pallas_src>

<mosaic_0001>
#map = affine_map<(d0, d1) -> (0, 0)>
#map1 = affine_map<(d0, d1) -> (0, 0, 0, 0)>
#map2 = affine_map<(d0, d1) -> (0, 0, 0)>
module attributes {stable_mosaic.version = 14 : i64} {
  func.func @_seg_sum(%arg0: i32, %arg1: i32, %arg2: memref<10000x128xf32, #tpu.memory_space<hbm>>, %arg3: memref<2x32x40x125xi32, #tpu.memory_space<hbm>>, %arg4: memref<2x32x40x125xi32, #tpu.memory_space<hbm>>, %arg5: memref<625x128xf32, #tpu.memory_space<hbm>>, %arg6: memref<2x10000x128xf32, #tpu.memory_space<hbm>>, %arg7: memref<80x125xi32, #tpu.memory_space<vmem>>, %arg8: memref<2x125x128xf32, #tpu.memory_space<vmem>>, %arg9: memref<10000x128xf32, #tpu.memory_space<vmem_shared>>, %arg10: memref<2x!tpu.dma_semaphore, #tpu.memory_space<semaphore_mem>>, %arg11: memref<2x!tpu.dma_semaphore, #tpu.memory_space<semaphore_mem>>) attributes {dimension_semantics = [#tpu.dimension_semantics<core_parallel>, #tpu.dimension_semantics<subcore_parallel>], iteration_bounds = array<i64: 2, 16>, scalar_prefetch = 0 : i64, scratch_operands = 5 : i64, tpu.core_type = #tpu.core_type<sc_vector_subcore>, window_params = [{transform_indices = #map}, {transform_indices = #map1}, {transform_indices = #map1}, {transform_indices = #map}, {transform_indices = #map2}]} {
    %mul3A = arith.constant 16 : i32
    %mul3A_0 = arith.muli %arg0, %mul3A : i32
    %add3A = arith.addi %mul3A_0, %arg1 : i32
    %run_scoped3A = arith.constant 0 : i32
    "tpu.region"() ({
      %run_scoped3A_112 = tpu.sem_alloc : memref<!tpu.dma_semaphore, #tpu.memory_space<semaphore_mem>>
      %dma_start3A_113 = arith.constant 0 : i32
      %dma_start3A_114 = arith.constant 0 : i32
      %dma_start3A_115 = tpu.memref_slice %arg7[%dma_start3A_113, %dma_start3A_114] : memref<80x125xi32, #tpu.memory_space<vmem>> -> memref<40x125xi32, #tpu.memory_space<vmem>>
      %dma_start3A_116 = arith.constant 0 : i32
      %dma_start3A_117 = arith.constant 0 : i32
      %dma_start3A_118 = arith.constant 0 : i32
      %dma_start3A_119 = tpu.memref_slice %arg3[%run_scoped3A, %dma_start3A_116, %dma_start3A_117, %dma_start3A_118] : memref<2x32x40x125xi32, #tpu.memory_space<hbm>> -> memref<1x32x40x125xi32, #tpu.memory_space<hbm>>
      %dma_start3A_120 = tpu.memref_squeeze %dma_start3A_119 : memref<1x32x40x125xi32, #tpu.memory_space<hbm>> -> memref<32x40x125xi32, #tpu.memory_space<hbm>>
      %dma_start3A_121 = arith.constant 0 : i32
      %dma_start3A_122 = arith.constant 0 : i32
      %dma_start3A_123 = tpu.memref_slice %dma_start3A_120[%add3A, %dma_start3A_121, %dma_start3A_122] : memref<32x40x125xi32, #tpu.memory_space<hbm>> -> memref<1x40x125xi32, #tpu.memory_space<hbm>>
      %dma_start3A_124 = tpu.memref_squeeze %dma_start3A_123 : memref<1x40x125xi32, #tpu.memory_space<hbm>> -> memref<40x125xi32, #tpu.memory_space<hbm>>
      %dma_start3A_125 = arith.constant 0 : i32
      %dma_start3A_126 = arith.constant 0 : i32
      %dma_start3A_127 = tpu.memref_slice %arg7[%dma_start3A_125, %dma_start3A_126] : memref<80x125xi32, #tpu.memory_space<vmem>> -> memref<40x125xi32, #tpu.memory_space<vmem>>
      %dma_start3A_128 = arith.constant 0 : i32
      %dma_start3A_129 = arith.constant 0 : i32
      %dma_start3A_130 = arith.constant 0 : i32
      %dma_start3A_131 = tpu.memref_slice %arg3[%run_scoped3A, %dma_start3A_128, %dma_start3A_129, %dma_start3A_130] : memref<2x32x40x125xi32, #tpu.memory_space<hbm>> -> memref<1x32x40x125xi32, #tpu.memory_space<hbm>>
      %dma_start3A_132 = tpu.memref_squeeze %dma_start3A_131 : memref<1x32x40x125xi32, #tpu.memory_space<hbm>> -> memref<32x40x125xi32, #tpu.memory_space<hbm>>
      %dma_start3A_133 = arith.constant 0 : i32
      %dma_start3A_134 = arith.constant 0 : i32
      %dma_start3A_135 = tpu.memref_slice %dma_start3A_132[%add3A, %dma_start3A_133, %dma_start3A_134] : memref<32x40x125xi32, #tpu.memory_space<hbm>> -> memref<1x40x125xi32, #tpu.memory_space<hbm>>
      %dma_start3A_136 = tpu.memref_squeeze %dma_start3A_135 : memref<1x40x125xi32, #tpu.memory_space<hbm>> -> memref<40x125xi32, #tpu.memory_space<hbm>>
      tpu.enqueue_dma source(%dma_start3A_136 : memref<40x125xi32, #tpu.memory_space<hbm>>) target(%dma_start3A_127 : memref<40x125xi32, #tpu.memory_space<vmem>>) target_semaphore(%run_scoped3A_112 : memref<!tpu.dma_semaphore, #tpu.memory_space<semaphore_mem>>)
      %dma_wait3A_137 = arith.constant 0 : i32
      %dma_wait3A_138 = arith.constant 0 : i32
      %dma_wait3A_139 = tpu.memref_slice %arg7[%dma_wait3A_137, %dma_wait3A_138] : memref<80x125xi32, #tpu.memory_space<vmem>> -> memref<40x125xi32, #tpu.memory_space<vmem>>
      %dma_wait3A_140 = arith.constant 0 : i32
      %dma_wait3A_141 = arith.constant 0 : i32
      %dma_wait3A_142 = arith.constant 0 : i32
      %dma_wait3A_143 = tpu.memref_slice %arg3[%run_scoped3A, %dma_wait3A_140, %dma_wait3A_141, %dma_wait3A_142] : memref<2x32x40x125xi32, #tpu.memory_space<hbm>> -> memref<1x32x40x125xi32, #tpu.memory_space<hbm>>
      %dma_wait3A_144 = tpu.memref_squeeze %dma_wait3A_143 : memref<1x32x40x125xi32, #tpu.memory_space<hbm>> -> memref<32x40x125xi32, #tpu.memory_space<hbm>>
      %dma_wait3A_145 = arith.constant 0 : i32
      %dma_wait3A_146 = arith.constant 0 : i32
      %dma_wait3A_147 = tpu.memref_slice %dma_wait3A_144[%add3A, %dma_wait3A_145, %dma_wait3A_146] : memref<32x40x125xi32, #tpu.memory_space<hbm>> -> memref<1x40x125xi32, #tpu.memory_space<hbm>>
      %dma_wait3A_148 = tpu.memref_squeeze %dma_wait3A_147 : memref<1x40x125xi32, #tpu.memory_space<hbm>> -> memref<40x125xi32, #tpu.memory_space<hbm>>
      %dma_wait3A_149 = arith.constant 0 : i32
      %dma_wait3A_150 = arith.constant 0 : i32
      %dma_wait3A_151 = tpu.memref_slice %arg7[%dma_wait3A_149, %dma_wait3A_150] : memref<80x125xi32, #tpu.memory_space<vmem>> -> memref<40x125xi32, #tpu.memory_space<vmem>>
      %dma_wait3A_152 = arith.constant 0 : i32
      %dma_wait3A_153 = arith.constant 0 : i32
      %dma_wait3A_154 = arith.constant 0 : i32
      %dma_wait3A_155 = tpu.memref_slice %arg3[%run_scoped3A, %dma_wait3A_152, %dma_wait3A_153, %dma_wait3A_154] : memref<2x32x40x125xi32, #tpu.memory_space<hbm>> -> memref<1x32x40x125xi32, #tpu.memory_space<hbm>>
      %dma_wait3A_156 = tpu.memref_squeeze %dma_wait3A_155 : memref<1x32x40x125xi32, #tpu.memory_space<hbm>> -> memref<32x40x125xi32, #tpu.memory_space<hbm>>
      %dma_wait3A_157 = arith.constant 0 : i32
      %dma_wait3A_158 = arith.constant 0 : i32
      %dma_wait3A_159 = tpu.memref_slice %dma_wait3A_156[%add3A, %dma_wait3A_157, %dma_wait3A_158] : memref<32x40x125xi32, #tpu.memory_space<hbm>> -> memref<1x40x125xi32, #tpu.memory_space<hbm>>
      %dma_wait3A_160 = tpu.memref_squeeze %dma_wait3A_159 : memref<1x40x125xi32, #tpu.memory_space<hbm>> -> memref<40x125xi32, #tpu.memory_space<hbm>>
      tpu.wait_dma2 semaphore(%run_scoped3A_112 : memref<!tpu.dma_semaphore, #tpu.memory_space<semaphore_mem>>) src(%dma_wait3A_160 : memref<40x125xi32, #tpu.memory_space<hbm>>) dst(%dma_wait3A_151 : memref<40x125xi32, #tpu.memory_space<vmem>>)
      tpu.yield
    }) : () -> ()
    %run_scoped3A_1 = arith.constant 0 : i32
    "tpu.region"() ({
      %run_scoped3A_112 = tpu.sem_alloc : memref<!tpu.dma_semaphore, #tpu.memory_space<semaphore_mem>>
      %dma_start3A_113 = arith.constant 40 : i32
      %dma_start3A_114 = arith.constant 0 : i32
      %dma_start3A_115 = tpu.memref_slice %arg7[%dma_start3A_113, %dma_start3A_114] : memref<80x125xi32, #tpu.memory_space<vmem>> -> memref<40x125xi32, #tpu.memory_space<vmem>>
      %dma_start3A_116 = arith.constant 0 : i32
      %dma_start3A_117 = arith.constant 0 : i32
      %dma_start3A_118 = arith.constant 0 : i32
      %dma_start3A_119 = tpu.memref_slice %arg4[%run_scoped3A_1, %dma_start3A_116, %dma_start3A_117, %dma_start3A_118] : memref<2x32x40x125xi32, #tpu.memory_space<hbm>> -> memref<1x32x40x125xi32, #tpu.memory_space<hbm>>
      %dma_start3A_120 = tpu.memref_squeeze %dma_start3A_119 : memref<1x32x40x125xi32, #tpu.memory_space<hbm>> -> memref<32x40x125xi32, #tpu.memory_space<hbm>>
      %dma_start3A_121 = arith.constant 0 : i32
      %dma_start3A_122 = arith.constant 0 : i32
      %dma_start3A_123 = tpu.memref_slice %dma_start3A_120[%add3A, %dma_start3A_121, %dma_start3A_122] : memref<32x40x125xi32, #tpu.memory_space<hbm>> -> memref<1x40x125xi32, #tpu.memory_space<hbm>>
      %dma_start3A_124 = tpu.memref_squeeze %dma_start3A_123 : memref<1x40x125xi32, #tpu.memory_space<hbm>> -> memref<40x125xi32, #tpu.memory_space<hbm>>
      %dma_start3A_125 = arith.constant 40 : i32
      %dma_start3A_126 = arith.constant 0 : i32
      %dma_start3A_127 = tpu.memref_slice %arg7[%dma_start3A_125, %dma_start3A_126] : memref<80x125xi32, #tpu.memory_space<vmem>> -> memref<40x125xi32, #tpu.memory_space<vmem>>
      %dma_start3A_128 = arith.constant 0 : i32
      %dma_start3A_129 = arith.constant 0 : i32
      %dma_start3A_130 = arith.constant 0 : i32
      %dma_start3A_131 = tpu.memref_slice %arg4[%run_scoped3A_1, %dma_start3A_128, %dma_start3A_129, %dma_start3A_130] : memref<2x32x40x125xi32, #tpu.memory_space<hbm>> -> memref<1x32x40x125xi32, #tpu.memory_space<hbm>>
      %dma_start3A_132 = tpu.memref_squeeze %dma_start3A_131 : memref<1x32x40x125xi32, #tpu.memory_space<hbm>> -> memref<32x40x125xi32, #tpu.memory_space<hbm>>
      %dma_start3A_133 = arith.constant 0 : i32
      %dma_start3A_134 = arith.constant 0 : i32
      %dma_start3A_135 = tpu.memref_slice %dma_start3A_132[%add3A, %dma_start3A_133, %dma_start3A_134] : memref<32x40x125xi32, #tpu.memory_space<hbm>> -> memref<1x40x125xi32, #tpu.memory_space<hbm>>
      %dma_start3A_136 = tpu.memref_squeeze %dma_start3A_135 : memref<1x40x125xi32, #tpu.memory_space<hbm>> -> memref<40x125xi32, #tpu.memory_space<hbm>>
      tpu.enqueue_dma source(%dma_start3A_136 : memref<40x125xi32, #tpu.memory_space<hbm>>) target(%dma_start3A_127 : memref<40x125xi32, #tpu.memory_space<vmem>>) target_semaphore(%run_scoped3A_112 : memref<!tpu.dma_semaphore, #tpu.memory_space<semaphore_mem>>)
      %dma_wait3A_137 = arith.constant 40 : i32
      %dma_wait3A_138 = arith.constant 0 : i32
      %dma_wait3A_139 = tpu.memref_slice %arg7[%dma_wait3A_137, %dma_wait3A_138] : memref<80x125xi32, #tpu.memory_space<vmem>> -> memref<40x125xi32, #tpu.memory_space<vmem>>
      %dma_wait3A_140 = arith.constant 0 : i32
      %dma_wait3A_141 = arith.constant 0 : i32
      %dma_wait3A_142 = arith.constant 0 : i32
      %dma_wait3A_143 = tpu.memref_slice %arg4[%run_scoped3A_1, %dma_wait3A_140, %dma_wait3A_141, %dma_wait3A_142] : memref<2x32x40x125xi32, #tpu.memory_space<hbm>> -> memref<1x32x40x125xi32, #tpu.memory_space<hbm>>
      %dma_wait3A_144 = tpu.memref_squeeze %dma_wait3A_143 : memref<1x32x40x125xi32, #tpu.memory_space<hbm>> -> memref<32x40x125xi32, #tpu.memory_space<hbm>>
      %dma_wait3A_145 = arith.constant 0 : i32
      %dma_wait3A_146 = arith.constant 0 : i32
      %dma_wait3A_147 = tpu.memref_slice %dma_wait3A_144[%add3A, %dma_wait3A_145, %dma_wait3A_146] : memref<32x40x125xi32, #tpu.memory_space<hbm>> -> memref<1x40x125xi32, #tpu.memory_space<hbm>>
      %dma_wait3A_148 = tpu.memref_squeeze %dma_wait3A_147 : memref<1x40x125xi32, #tpu.memory_space<hbm>> -> memref<40x125xi32, #tpu.memory_space<hbm>>
      %dma_wait3A_149 = arith.constant 40 : i32
      %dma_wait3A_150 = arith.constant 0 : i32
      %dma_wait3A_151 = tpu.memref_slice %arg7[%dma_wait3A_149, %dma_wait3A_150] : memref<80x125xi32, #tpu.memory_space<vmem>> -> memref<40x125xi32, #tpu.memory_space<vmem>>
      %dma_wait3A_152 = arith.constant 0 : i32
      %dma_wait3A_153 = arith.constant 0 : i32
      %dma_wait3A_154 = arith.constant 0 : i32
      %dma_wait3A_155 = tpu.memref_slice %arg4[%run_scoped3A_1, %dma_wait3A_152, %dma_wait3A_153, %dma_wait3A_154] : memref<2x32x40x125xi32, #tpu.memory_space<hbm>> -> memref<1x32x40x125xi32, #tpu.memory_space<hbm>>
      %dma_wait3A_156 = tpu.memref_squeeze %dma_wait3A_155 : memref<1x32x40x125xi32, #tpu.memory_space<hbm>> -> memref<32x40x125xi32, #tpu.memory_space<hbm>>
      %dma_wait3A_157 = arith.constant 0 : i32
      %dma_wait3A_158 = arith.constant 0 : i32
      %dma_wait3A_159 = tpu.memref_slice %dma_wait3A_156[%add3A, %dma_wait3A_157, %dma_wait3A_158] : memref<32x40x125xi32, #tpu.memory_space<hbm>> -> memref<1x40x125xi32, #tpu.memory_space<hbm>>
      %dma_wait3A_160 = tpu.memref_squeeze %dma_wait3A_159 : memref<1x40x125xi32, #tpu.memory_space<hbm>> -> memref<40x125xi32, #tpu.memory_space<hbm>>
      tpu.wait_dma2 semaphore(%run_scoped3A_112 : memref<!tpu.dma_semaphore, #tpu.memory_space<semaphore_mem>>) src(%dma_wait3A_160 : memref<40x125xi32, #tpu.memory_space<hbm>>) dst(%dma_wait3A_151 : memref<40x125xi32, #tpu.memory_space<vmem>>)
      tpu.yield
    }) : () -> ()
    %dma_start3A = arith.constant 0 : i32
    %dma_start3A_2 = arith.constant 0 : i32
    %dma_start3A_3 = arith.constant 0 : i32
    %dma_start3A_4 = arith.constant 0 : i32
    %dma_start3A_5 = arith.constant 0 : i32
    %dma_start3A_6 = tpu.memref_slice %arg8[%dma_start3A_2, %dma_start3A_4, %dma_start3A_5] : memref<2x125x128xf32, #tpu.memory_space<vmem>> -> memref<1x125x128xf32, #tpu.memory_space<vmem>>
    %dma_start3A_7 = tpu.memref_squeeze %dma_start3A_6 : memref<1x125x128xf32, #tpu.memory_space<vmem>> -> memref<125x128xf32, #tpu.memory_space<vmem>>
    %dma_start3A_8 = arith.constant 0 : i32
    %dma_start3A_9 = tpu.memref_slice %arg7[%dma_start3A, %dma_start3A_8] : memref<80x125xi32, #tpu.memory_space<vmem>> -> memref<1x125xi32, #tpu.memory_space<vmem>>
    %dma_start3A_10 = tpu.memref_squeeze %dma_start3A_9 : memref<1x125xi32, #tpu.memory_space<vmem>> -> memref<125xi32, #tpu.memory_space<vmem>>
    %dma_start3A_11 = arith.constant 0 : i32
    %dma_start3A_12 = arith.constant 0 : i32
    %dma_start3A_13 = tpu.memref_slice %arg2[%dma_start3A_11, %dma_start3A_12] : memref<10000x128xf32, #tpu.memory_space<hbm>> -> memref<10000x128xf32, #tpu.memory_space<hbm>>
    %dma_start3A_14 = tpu.memref_slice %arg10[%dma_start3A_3] : memref<2x!tpu.dma_semaphore, #tpu.memory_space<semaphore_mem>> -> memref<1x!tpu.dma_semaphore, #tpu.memory_space<semaphore_mem>>
    %dma_start3A_15 = tpu.memref_squeeze %dma_start3A_14 : memref<1x!tpu.dma_semaphore, #tpu.memory_space<semaphore_mem>> -> memref<!tpu.dma_semaphore, #tpu.memory_space<semaphore_mem>>
    tpu.enqueue_indirect_dma source(%dma_start3A_13 : memref<10000x128xf32, #tpu.memory_space<hbm>>) target(%dma_start3A_7 : memref<125x128xf32, #tpu.memory_space<vmem>>) offsets(%dma_start3A_10 : memref<125xi32, #tpu.memory_space<vmem>>) semaphore(%dma_start3A_15 : memref<!tpu.dma_semaphore, #tpu.memory_space<semaphore_mem>>)
    %mul3A_16 = arith.constant 625 : i32
    %mul3A_17 = arith.muli %arg1, %mul3A_16 : i32
    "tpu.region"() ({
      %run_scoped3A_112 = tpu.sem_alloc : memref<!tpu.dma_semaphore, #tpu.memory_space<semaphore_mem>>
      %dma_start3A_113 = arith.constant 0 : i32
      %dma_start3A_114 = tpu.memref_slice %arg9[%mul3A_17, %dma_start3A_113] : memref<10000x128xf32, #tpu.memory_space<vmem_shared>> -> memref<625x128xf32, #tpu.memory_space<vmem_shared>>
      tpu.enqueue_dma source(%arg5 : memref<625x128xf32, #tpu.memory_space<hbm>>) target(%dma_start3A_114 : memref<625x128xf32, #tpu.memory_space<vmem_shared>>) target_semaphore(%run_scoped3A_112 : memref<!tpu.dma_semaphore, #tpu.memory_space<semaphore_mem>>)
      %dma_wait3A_115 = arith.constant 0 : i32
      %dma_wait3A_116 = tpu.memref_slice %arg9[%mul3A_17, %dma_wait3A_115] : memref<10000x128xf32, #tpu.memory_space<vmem_shared>> -> memref<625x128xf32, #tpu.memory_space<vmem_shared>>
      tpu.wait_dma2 semaphore(%run_scoped3A_112 : memref<!tpu.dma_semaphore, #tpu.memory_space<semaphore_mem>>) src(%arg5 : memref<625x128xf32, #tpu.memory_space<hbm>>) dst(%dma_wait3A_116 : memref<625x128xf32, #tpu.memory_space<vmem_shared>>)
      tpu.yield
    }) : () -> ()
    %barrier3A = arith.constant 0 : index
    tpu.barrier barrier_id(%barrier3A)
    %scan3A = arith.constant 0 : i32
    %scan3A_18 = arith.constant 0 : i32
    %scan3A_19 = arith.constant 40 : i32
    %scan3A_20 = arith.addi %scan3A_18, %scan3A_19 : i32
    %scan3A_21 = arith.constant 1 : i32
    scf.for %scan3A_112 = %scan3A_18 to %scan3A_20 step %scan3A_21  : i32 {
      %add3A_113 = arith.constant 1 : i32
      %add3A_114 = arith.addi %scan3A_112, %add3A_113 : i32
      %rem3A = arith.constant 2 : i32
      %rem3A_115 = arith.remsi %scan3A_112, %rem3A : i32
      %lt3A_116 = arith.constant 40 : i32
      %lt3A_117 = arith.cmpi slt, %add3A_114, %lt3A_116 : i32
      %convert_element_type3A_118 = arith.extui %lt3A_117 : i1 to i32
      %cond3A_119 = arith.constant 0 : i32
      %cond3A_120 = arith.cmpi ne, %convert_element_type3A_118, %cond3A_119 : i32
      scf.if %cond3A_120 {
        %rem3A_147 = arith.constant 2 : i32
        %rem3A_148 = arith.remsi %add3A_114, %rem3A_147 : i32
        %ge3A = arith.constant 2 : i32
        %ge3A_149 = arith.cmpi sge, %add3A_114, %ge3A : i32
        %convert_element_type3A_150 = arith.extui %ge3A_149 : i1 to i32
        %cond3A_151 = arith.constant 0 : i32
        %cond3A_152 = arith.cmpi ne, %convert_element_type3A_150, %cond3A_151 : i32
        scf.if %cond3A_152 {
          %add3A_165 = arith.constant 40 : i32
          %add3A_166 = arith.addi %add3A_165, %add3A_114 : i32
          %sub3A = arith.constant 2 : i32
          %sub3A_167 = arith.subi %add3A_166, %sub3A : i32
          %dma_wait3A_168 = arith.constant 0 : i32
          %dma_wait3A_169 = arith.constant 0 : i32
          %dma_wait3A_170 = tpu.memref_slice %arg8[%rem3A_148, %dma_wait3A_168, %dma_wait3A_169] : memref<2x125x128xf32, #tpu.memory_space<vmem>> -> memref<1x125x128xf32, #tpu.memory_space<vmem>>
          %dma_wait3A_171 = tpu.memref_squeeze %dma_wait3A_170 : memref<1x125x128xf32, #tpu.memory_space<vmem>> -> memref<125x128xf32, #tpu.memory_space<vmem>>
          %dma_wait3A_172 = arith.constant 0 : i32
          %dma_wait3A_173 = tpu.memref_slice %arg7[%sub3A_167, %dma_wait3A_172] : memref<80x125xi32, #tpu.memory_space<vmem>> -> memref<1x125xi32, #tpu.memory_space<vmem>>
          %dma_wait3A_174 = tpu.memref_squeeze %dma_wait3A_173 : memref<1x125xi32, #tpu.memory_space<vmem>> -> memref<125xi32, #tpu.memory_space<vmem>>
          %dma_wait3A_175 = arith.constant 0 : i32
          %dma_wait3A_176 = arith.constant 0 : i32
          %dma_wait3A_177 = tpu.memref_slice %arg9[%dma_wait3A_175, %dma_wait3A_176] : memref<10000x128xf32, #tpu.memory_space<vmem_shared>> -> memref<10000x128xf32, #tpu.memory_space<vmem_shared>>
          %dma_wait3A_178 = tpu.memref_slice %arg11[%rem3A_148] : memref<2x!tpu.dma_semaphore, #tpu.memory_space<semaphore_mem>> -> memref<1x!tpu.dma_semaphore, #tpu.memory_space<semaphore_mem>>
          %dma_wait3A_179 = tpu.memref_squeeze %dma_wait3A_178 : memref<1x!tpu.dma_semaphore, #tpu.memory_space<semaphore_mem>> -> memref<!tpu.dma_semaphore, #tpu.memory_space<semaphore_mem>>
          tpu.wait_indirect_dma semaphore(%dma_wait3A_179 : memref<!tpu.dma_semaphore, #tpu.memory_space<semaphore_mem>>) src(%dma_wait3A_171 : memref<125x128xf32, #tpu.memory_space<vmem>>) dst(%dma_wait3A_177 : memref<10000x128xf32, #tpu.memory_space<vmem_shared>>)
        } else {
        }
        %dma_start3A_153 = arith.constant 0 : i32
        %dma_start3A_154 = arith.constant 0 : i32
        %dma_start3A_155 = tpu.memref_slice %arg8[%rem3A_148, %dma_start3A_153, %dma_start3A_154] : memref<2x125x128xf32, #tpu.memory_space<vmem>> -> memref<1x125x128xf32, #tpu.memory_space<vmem>>
        %dma_start3A_156 = tpu.memref_squeeze %dma_start3A_155 : memref<1x125x128xf32, #tpu.memory_space<vmem>> -> memref<125x128xf32, #tpu.memory_space<vmem>>
        %dma_start3A_157 = arith.constant 0 : i32
        %dma_start3A_158 = tpu.memref_slice %arg7[%add3A_114, %dma_start3A_157] : memref<80x125xi32, #tpu.memory_space<vmem>> -> memref<1x125xi32, #tpu.memory_space<vmem>>
        %dma_start3A_159 = tpu.memref_squeeze %dma_start3A_158 : memref<1x125xi32, #tpu.memory_space<vmem>> -> memref<125xi32, #tpu.memory_space<vmem>>
        %dma_start3A_160 = arith.constant 0 : i32
        %dma_start3A_161 = arith.constant 0 : i32
        %dma_start3A_162 = tpu.memref_slice %arg2[%dma_start3A_160, %dma_start3A_161] : memref<10000x128xf32, #tpu.memory_space<hbm>> -> memref<10000x128xf32, #tpu.memory_space<hbm>>
        %dma_start3A_163 = tpu.memref_slice %arg10[%rem3A_148] : memref<2x!tpu.dma_semaphore, #tpu.memory_space<semaphore_mem>> -> memref<1x!tpu.dma_semaphore, #tpu.memory_space<semaphore_mem>>
        %dma_start3A_164 = tpu.memref_squeeze %dma_start3A_163 : memref<1x!tpu.dma_semaphore, #tpu.memory_space<semaphore_mem>> -> memref<!tpu.dma_semaphore, #tpu.memory_space<semaphore_mem>>
        tpu.enqueue_indirect_dma source(%dma_start3A_162 : memref<10000x128xf32, #tpu.memory_space<hbm>>) target(%dma_start3A_156 : memref<125x128xf32, #tpu.memory_space<vmem>>) offsets(%dma_start3A_159 : memref<125xi32, #tpu.memory_space<vmem>>) semaphore(%dma_start3A_164 : memref<!tpu.dma_semaphore, #tpu.memory_space<semaphore_mem>>)
      } else {
      }
      %dma_wait3A_121 = arith.constant 0 : i32
      %dma_wait3A_122 = arith.constant 0 : i32
      %dma_wait3A_123 = tpu.memref_slice %arg8[%rem3A_115, %dma_wait3A_121, %dma_wait3A_122] : memref<2x125x128xf32, #tpu.memory_space<vmem>> -> memref<1x125x128xf32, #tpu.memory_space<vmem>>
      %dma_wait3A_124 = tpu.memref_squeeze %dma_wait3A_123 : memref<1x125x128xf32, #tpu.memory_space<vmem>> -> memref<125x128xf32, #tpu.memory_space<vmem>>
      %dma_wait3A_125 = arith.constant 0 : i32
      %dma_wait3A_126 = tpu.memref_slice %arg7[%scan3A_112, %dma_wait3A_125] : memref<80x125xi32, #tpu.memory_space<vmem>> -> memref<1x125xi32, #tpu.memory_space<vmem>>
      %dma_wait3A_127 = tpu.memref_squeeze %dma_wait3A_126 : memref<1x125xi32, #tpu.memory_space<vmem>> -> memref<125xi32, #tpu.memory_space<vmem>>
      %dma_wait3A_128 = arith.constant 0 : i32
      %dma_wait3A_129 = arith.constant 0 : i32
      %dma_wait3A_130 = tpu.memref_slice %arg2[%dma_wait3A_128, %dma_wait3A_129] : memref<10000x128xf32, #tpu.memory_space<hbm>> -> memref<10000x128xf32, #tpu.memory_space<hbm>>
      %dma_wait3A_131 = tpu.memref_slice %arg10[%rem3A_115] : memref<2x!tpu.dma_semaphore, #tpu.memory_space<semaphore_mem>> -> memref<1x!tpu.dma_semaphore, #tpu.memory_space<semaphore_mem>>
      %dma_wait3A_132 = tpu.memref_squeeze %dma_wait3A_131 : memref<1x!tpu.dma_semaphore, #tpu.memory_space<semaphore_mem>> -> memref<!tpu.dma_semaphore, #tpu.memory_space<semaphore_mem>>
      tpu.wait_indirect_dma semaphore(%dma_wait3A_132 : memref<!tpu.dma_semaphore, #tpu.memory_space<semaphore_mem>>) src(%dma_wait3A_130 : memref<10000x128xf32, #tpu.memory_space<hbm>>) dst(%dma_wait3A_124 : memref<125x128xf32, #tpu.memory_space<vmem>>)
      %add3A_133 = arith.constant 40 : i32
      %add3A_134 = arith.addi %add3A_133, %scan3A_112 : i32
      %dma_start3A_135 = arith.constant 0 : i32
      %dma_start3A_136 = arith.constant 0 : i32
      %dma_start3A_137 = tpu.memref_slice %arg8[%rem3A_115, %dma_start3A_135, %dma_start3A_136] : memref<2x125x128xf32, #tpu.memory_space<vmem>> -> memref<1x125x128xf32, #tpu.memory_space<vmem>>
      %dma_start3A_138 = tpu.memref_squeeze %dma_start3A_137 : memref<1x125x128xf32, #tpu.memory_space<vmem>> -> memref<125x128xf32, #tpu.memory_space<vmem>>
      %dma_start3A_139 = arith.constant 0 : i32
      %dma_start3A_140 = tpu.memref_slice %arg7[%add3A_134, %dma_start3A_139] : memref<80x125xi32, #tpu.memory_space<vmem>> -> memref<1x125xi32, #tpu.memory_space<vmem>>
      %dma_start3A_141 = tpu.memref_squeeze %dma_start3A_140 : memref<1x125xi32, #tpu.memory_space<vmem>> -> memref<125xi32, #tpu.memory_space<vmem>>
      %dma_start3A_142 = arith.constant 0 : i32
      %dma_start3A_143 = arith.constant 0 : i32
      %dma_start3A_144 = tpu.memref_slice %arg9[%dma_start3A_142, %dma_start3A_143] : memref<10000x128xf32, #tpu.memory_space<vmem_shared>> -> memref<10000x128xf32, #tpu.memory_space<vmem_shared>>
      %dma_start3A_145 = tpu.memref_slice %arg11[%rem3A_115] : memref<2x!tpu.dma_semaphore, #tpu.memory_space<semaphore_mem>> -> memref<1x!tpu.dma_semaphore, #tpu.memory_space<semaphore_mem>>
      %dma_start3A_146 = tpu.memref_squeeze %dma_start3A_145 : memref<1x!tpu.dma_semaphore, #tpu.memory_space<semaphore_mem>> -> memref<!tpu.dma_semaphore, #tpu.memory_space<semaphore_mem>>
      tpu.enqueue_indirect_dma source(%dma_start3A_138 : memref<125x128xf32, #tpu.memory_space<vmem>>) target(%dma_start3A_144 : memref<10000x128xf32, #tpu.memory_space<vmem_shared>>) offsets(%dma_start3A_141 : memref<125xi32, #tpu.memory_space<vmem>>) semaphore(%dma_start3A_146 : memref<!tpu.dma_semaphore, #tpu.memory_space<semaphore_mem>>) {add = true}
    }
    %scan3A_22 = arith.constant 40 : i32
    %dma_wait3A = arith.constant 0 : i32
    %dma_wait3A_23 = arith.constant 78 : i32
    %dma_wait3A_24 = arith.constant 0 : i32
    %dma_wait3A_25 = arith.constant 0 : i32
    %dma_wait3A_26 = arith.constant 0 : i32
    %dma_wait3A_27 = tpu.memref_slice %arg8[%dma_wait3A, %dma_wait3A_25, %dma_wait3A_26] : memref<2x125x128xf32, #tpu.memory_space<vmem>> -> memref<1x125x128xf32, #tpu.memory_space<vmem>>
    %dma_wait3A_28 = tpu.memref_squeeze %dma_wait3A_27 : memref<1x125x128xf32, #tpu.memory_space<vmem>> -> memref<125x128xf32, #tpu.memory_space<vmem>>
    %dma_wait3A_29 = arith.constant 0 : i32
    %dma_wait3A_30 = tpu.memref_slice %arg7[%dma_wait3A_23, %dma_wait3A_29] : memref<80x125xi32, #tpu.memory_space<vmem>> -> memref<1x125xi32, #tpu.memory_space<vmem>>
    %dma_wait3A_31 = tpu.memref_squeeze %dma_wait3A_30 : memref<1x125xi32, #tpu.memory_space<vmem>> -> memref<125xi32, #tpu.memory_space<vmem>>
    %dma_wait3A_32 = arith.constant 0 : i32
    %dma_wait3A_33 = arith.constant 0 : i32
    %dma_wait3A_34 = tpu.memref_slice %arg9[%dma_wait3A_32, %dma_wait3A_33] : memref<10000x128xf32, #tpu.memory_space<vmem_shared>> -> memref<10000x128xf32, #tpu.memory_space<vmem_shared>>
    %dma_wait3A_35 = tpu.memref_slice %arg11[%dma_wait3A_24] : memref<2x!tpu.dma_semaphore, #tpu.memory_space<semaphore_mem>> -> memref<1x!tpu.dma_semaphore, #tpu.memory_space<semaphore_mem>>
    %dma_wait3A_36 = tpu.memref_squeeze %dma_wait3A_35 : memref<1x!tpu.dma_semaphore, #tpu.memory_space<semaphore_mem>> -> memref<!tpu.dma_semaphore, #tpu.memory_space<semaphore_mem>>
    tpu.wait_indirect_dma semaphore(%dma_wait3A_36 : memref<!tpu.dma_semaphore, #tpu.memory_space<semaphore_mem>>) src(%dma_wait3A_28 : memref<125x128xf32, #tpu.memory_space<vmem>>) dst(%dma_wait3A_34 : memref<10000x128xf32, #tpu.memory_space<vmem_shared>>)
    %dma_wait3A_37 = arith.constant 1 : i32
    %dma_wait3A_38 = arith.constant 79 : i32
    %dma_wait3A_39 = arith.constant 1 : i32
    %dma_wait3A_40 = arith.constant 0 : i32
    %dma_wait3A_41 = arith.constant 0 : i32
    %dma_wait3A_42 = tpu.memref_slice %arg8[%dma_wait3A_37, %dma_wait3A_40, %dma_wait3A_41] : memref<2x125x128xf32, #tpu.memory_space<vmem>> -> memref<1x125x128xf32, #tpu.memory_space<vmem>>
    %dma_wait3A_43 = tpu.memref_squeeze %dma_wait3A_42 : memref<1x125x128xf32, #tpu.memory_space<vmem>> -> memref<125x128xf32, #tpu.memory_space<vmem>>
    %dma_wait3A_44 = arith.constant 0 : i32
    %dma_wait3A_45 = tpu.memref_slice %arg7[%dma_wait3A_38, %dma_wait3A_44] : memref<80x125xi32, #tpu.memory_space<vmem>> -> memref<1x125xi32, #tpu.memory_space<vmem>>
    %dma_wait3A_46 = tpu.memref_squeeze %dma_wait3A_45 : memref<1x125xi32, #tpu.memory_space<vmem>> -> memref<125xi32, #tpu.memory_space<vmem>>
    %dma_wait3A_47 = arith.constant 0 : i32
    %dma_wait3A_48 = arith.constant 0 : i32
    %dma_wait3A_49 = tpu.memref_slice %arg9[%dma_wait3A_47, %dma_wait3A_48] : memref<10000x128xf32, #tpu.memory_space<vmem_shared>> -> memref<10000x128xf32, #tpu.memory_space<vmem_shared>>
    %dma_wait3A_50 = tpu.memref_slice %arg11[%dma_wait3A_39] : memref<2x!tpu.dma_semaphore, #tpu.memory_space<semaphore_mem>> -> memref<1x!tpu.dma_semaphore, #tpu.memory_space<semaphore_mem>>
    %dma_wait3A_51 = tpu.memref_squeeze %dma_wait3A_50 : memref<1x!tpu.dma_semaphore, #tpu.memory_space<semaphore_mem>> -> memref<!tpu.dma_semaphore, #tpu.memory_space<semaphore_mem>>
    tpu.wait_indirect_dma semaphore(%dma_wait3A_51 : memref<!tpu.dma_semaphore, #tpu.memory_space<semaphore_mem>>) src(%dma_wait3A_43 : memref<125x128xf32, #tpu.memory_space<vmem>>) dst(%dma_wait3A_49 : memref<10000x128xf32, #tpu.memory_space<vmem_shared>>)
    %run_scoped3A_52 = arith.constant 1 : i32
    "tpu.region"() ({
      %run_scoped3A_112 = tpu.sem_alloc : memref<!tpu.dma_semaphore, #tpu.memory_space<semaphore_mem>>
      %dma_start3A_113 = arith.constant 0 : i32
      %dma_start3A_114 = arith.constant 0 : i32
      %dma_start3A_115 = tpu.memref_slice %arg7[%dma_start3A_113, %dma_start3A_114] : memref<80x125xi32, #tpu.memory_space<vmem>> -> memref<40x125xi32, #tpu.memory_space<vmem>>
      %dma_start3A_116 = arith.constant 0 : i32
      %dma_start3A_117 = arith.constant 0 : i32
      %dma_start3A_118 = arith.constant 0 : i32
      %dma_start3A_119 = tpu.memref_slice %arg3[%run_scoped3A_52, %dma_start3A_116, %dma_start3A_117, %dma_start3A_118] : memref<2x32x40x125xi32, #tpu.memory_space<hbm>> -> memref<1x32x40x125xi32, #tpu.memory_space<hbm>>
      %dma_start3A_120 = tpu.memref_squeeze %dma_start3A_119 : memref<1x32x40x125xi32, #tpu.memory_space<hbm>> -> memref<32x40x125xi32, #tpu.memory_space<hbm>>
      %dma_start3A_121 = arith.constant 0 : i32
      %dma_start3A_122 = arith.constant 0 : i32
      %dma_start3A_123 = tpu.memref_slice %dma_start3A_120[%add3A, %dma_start3A_121, %dma_start3A_122] : memref<32x40x125xi32, #tpu.memory_space<hbm>> -> memref<1x40x125xi32, #tpu.memory_space<hbm>>
      %dma_start3A_124 = tpu.memref_squeeze %dma_start3A_123 : memref<1x40x125xi32, #tpu.memory_space<hbm>> -> memref<40x125xi32, #tpu.memory_space<hbm>>
      %dma_start3A_125 = arith.constant 0 : i32
      %dma_start3A_126 = arith.constant 0 : i32
      %dma_start3A_127 = tpu.memref_slice %arg7[%dma_start3A_125, %dma_start3A_126] : memref<80x125xi32, #tpu.memory_space<vmem>> -> memref<40x125xi32, #tpu.memory_space<vmem>>
      %dma_start3A_128 = arith.constant 0 : i32
      %dma_start3A_129 = arith.constant 0 : i32
      %dma_start3A_130 = arith.constant 0 : i32
      %dma_start3A_131 = tpu.memref_slice %arg3[%run_scoped3A_52, %dma_start3A_128, %dma_start3A_129, %dma_start3A_130] : memref<2x32x40x125xi32, #tpu.memory_space<hbm>> -> memref<1x32x40x125xi32, #tpu.memory_space<hbm>>
      %dma_start3A_132 = tpu.memref_squeeze %dma_start3A_131 : memref<1x32x40x125xi32, #tpu.memory_space<hbm>> -> memref<32x40x125xi32, #tpu.memory_space<hbm>>
      %dma_start3A_133 = arith.constant 0 : i32
      %dma_start3A_134 = arith.constant 0 : i32
      %dma_start3A_135 = tpu.memref_slice %dma_start3A_132[%add3A, %dma_start3A_133, %dma_start3A_134] : memref<32x40x125xi32, #tpu.memory_space<hbm>> -> memref<1x40x125xi32, #tpu.memory_space<hbm>>
      %dma_start3A_136 = tpu.memref_squeeze %dma_start3A_135 : memref<1x40x125xi32, #tpu.memory_space<hbm>> -> memref<40x125xi32, #tpu.memory_space<hbm>>
      tpu.enqueue_dma source(%dma_start3A_136 : memref<40x125xi32, #tpu.memory_space<hbm>>) target(%dma_start3A_127 : memref<40x125xi32, #tpu.memory_space<vmem>>) target_semaphore(%run_scoped3A_112 : memref<!tpu.dma_semaphore, #tpu.memory_space<semaphore_mem>>)
      %dma_wait3A_137 = arith.constant 0 : i32
      %dma_wait3A_138 = arith.constant 0 : i32
      %dma_wait3A_139 = tpu.memref_slice %arg7[%dma_wait3A_137, %dma_wait3A_138] : memref<80x125xi32, #tpu.memory_space<vmem>> -> memref<40x125xi32, #tpu.memory_space<vmem>>
      %dma_wait3A_140 = arith.constant 0 : i32
      %dma_wait3A_141 = arith.constant 0 : i32
      %dma_wait3A_142 = arith.constant 0 : i32
      %dma_wait3A_143 = tpu.memref_slice %arg3[%run_scoped3A_52, %dma_wait3A_140, %dma_wait3A_141, %dma_wait3A_142] : memref<2x32x40x125xi32, #tpu.memory_space<hbm>> -> memref<1x32x40x125xi32, #tpu.memory_space<hbm>>
      %dma_wait3A_144 = tpu.memref_squeeze %dma_wait3A_143 : memref<1x32x40x125xi32, #tpu.memory_space<hbm>> -> memref<32x40x125xi32, #tpu.memory_space<hbm>>
      %dma_wait3A_145 = arith.constant 0 : i32
      %dma_wait3A_146 = arith.constant 0 : i32
      %dma_wait3A_147 = tpu.memref_slice %dma_wait3A_144[%add3A, %dma_wait3A_145, %dma_wait3A_146] : memref<32x40x125xi32, #tpu.memory_space<hbm>> -> memref<1x40x125xi32, #tpu.memory_space<hbm>>
      %dma_wait3A_148 = tpu.memref_squeeze %dma_wait3A_147 : memref<1x40x125xi32, #tpu.memory_space<hbm>> -> memref<40x125xi32, #tpu.memory_space<hbm>>
      %dma_wait3A_149 = arith.constant 0 : i32
      %dma_wait3A_150 = arith.constant 0 : i32
      %dma_wait3A_151 = tpu.memref_slice %arg7[%dma_wait3A_149, %dma_wait3A_150] : memref<80x125xi32, #tpu.memory_space<vmem>> -> memref<40x125xi32, #tpu.memory_space<vmem>>
      %dma_wait3A_152 = arith.constant 0 : i32
      %dma_wait3A_153 = arith.constant 0 : i32
      %dma_wait3A_154 = arith.constant 0 : i32
      %dma_wait3A_155 = tpu.memref_slice %arg3[%run_scoped3A_52, %dma_wait3A_152, %dma_wait3A_153, %dma_wait3A_154] : memref<2x32x40x125xi32, #tpu.memory_space<hbm>> -> memref<1x32x40x125xi32, #tpu.memory_space<hbm>>
      %dma_wait3A_156 = tpu.memref_squeeze %dma_wait3A_155 : memref<1x32x40x125xi32, #tpu.memory_space<hbm>> -> memref<32x40x125xi32, #tpu.memory_space<hbm>>
      %dma_wait3A_157 = arith.constant 0 : i32
      %dma_wait3A_158 = arith.constant 0 : i32
      %dma_wait3A_159 = tpu.memref_slice %dma_wait3A_156[%add3A, %dma_wait3A_157, %dma_wait3A_158] : memref<32x40x125xi32, #tpu.memory_space<hbm>> -> memref<1x40x125xi32, #tpu.memory_space<hbm>>
      %dma_wait3A_160 = tpu.memref_squeeze %dma_wait3A_159 : memref<1x40x125xi32, #tpu.memory_space<hbm>> -> memref<40x125xi32, #tpu.memory_space<hbm>>
      tpu.wait_dma2 semaphore(%run_scoped3A_112 : memref<!tpu.dma_semaphore, #tpu.memory_space<semaphore_mem>>) src(%dma_wait3A_160 : memref<40x125xi32, #tpu.memory_space<hbm>>) dst(%dma_wait3A_151 : memref<40x125xi32, #tpu.memory_space<vmem>>)
      tpu.yield
    }) : () -> ()
    %run_scoped3A_53 = arith.constant 1 : i32
    "tpu.region"() ({
      %run_scoped3A_112 = tpu.sem_alloc : memref<!tpu.dma_semaphore, #tpu.memory_space<semaphore_mem>>
      %dma_start3A_113 = arith.constant 40 : i32
      %dma_start3A_114 = arith.constant 0 : i32
      %dma_start3A_115 = tpu.memref_slice %arg7[%dma_start3A_113, %dma_start3A_114] : memref<80x125xi32, #tpu.memory_space<vmem>> -> memref<40x125xi32, #tpu.memory_space<vmem>>
      %dma_start3A_116 = arith.constant 0 : i32
      %dma_start3A_117 = arith.constant 0 : i32
      %dma_start3A_118 = arith.constant 0 : i32
      %dma_start3A_119 = tpu.memref_slice %arg4[%run_scoped3A_53, %dma_start3A_116, %dma_start3A_117, %dma_start3A_118] : memref<2x32x40x125xi32, #tpu.memory_space<hbm>> -> memref<1x32x40x125xi32, #tpu.memory_space<hbm>>
      %dma_start3A_120 = tpu.memref_squeeze %dma_start3A_119 : memref<1x32x40x125xi32, #tpu.memory_space<hbm>> -> memref<32x40x125xi32, #tpu.memory_space<hbm>>
      %dma_start3A_121 = arith.constant 0 : i32
      %dma_start3A_122 = arith.constant 0 : i32
      %dma_start3A_123 = tpu.memref_slice %dma_start3A_120[%add3A, %dma_start3A_121, %dma_start3A_122] : memref<32x40x125xi32, #tpu.memory_space<hbm>> -> memref<1x40x125xi32, #tpu.memory_space<hbm>>
      %dma_start3A_124 = tpu.memref_squeeze %dma_start3A_123 : memref<1x40x125xi32, #tpu.memory_space<hbm>> -> memref<40x125xi32, #tpu.memory_space<hbm>>
      %dma_start3A_125 = arith.constant 40 : i32
      %dma_start3A_126 = arith.constant 0 : i32
      %dma_start3A_127 = tpu.memref_slice %arg7[%dma_start3A_125, %dma_start3A_126] : memref<80x125xi32, #tpu.memory_space<vmem>> -> memref<40x125xi32, #tpu.memory_space<vmem>>
      %dma_start3A_128 = arith.constant 0 : i32
      %dma_start3A_129 = arith.constant 0 : i32
      %dma_start3A_130 = arith.constant 0 : i32
      %dma_start3A_131 = tpu.memref_slice %arg4[%run_scoped3A_53, %dma_start3A_128, %dma_start3A_129, %dma_start3A_130] : memref<2x32x40x125xi32, #tpu.memory_space<hbm>> -> memref<1x32x40x125xi32, #tpu.memory_space<hbm>>
      %dma_start3A_132 = tpu.memref_squeeze %dma_start3A_131 : memref<1x32x40x125xi32, #tpu.memory_space<hbm>> -> memref<32x40x125xi32, #tpu.memory_space<hbm>>
      %dma_start3A_133 = arith.constant 0 : i32
      %dma_start3A_134 = arith.constant 0 : i32
      %dma_start3A_135 = tpu.memref_slice %dma_start3A_132[%add3A, %dma_start3A_133, %dma_start3A_134] : memref<32x40x125xi32, #tpu.memory_space<hbm>> -> memref<1x40x125xi32, #tpu.memory_space<hbm>>
      %dma_start3A_136 = tpu.memref_squeeze %dma_start3A_135 : memref<1x40x125xi32, #tpu.memory_space<hbm>> -> memref<40x125xi32, #tpu.memory_space<hbm>>
      tpu.enqueue_dma source(%dma_start3A_136 : memref<40x125xi32, #tpu.memory_space<hbm>>) target(%dma_start3A_127 : memref<40x125xi32, #tpu.memory_space<vmem>>) target_semaphore(%run_scoped3A_112 : memref<!tpu.dma_semaphore, #tpu.memory_space<semaphore_mem>>)
      %dma_wait3A_137 = arith.constant 40 : i32
      %dma_wait3A_138 = arith.constant 0 : i32
      %dma_wait3A_139 = tpu.memref_slice %arg7[%dma_wait3A_137, %dma_wait3A_138] : memref<80x125xi32, #tpu.memory_space<vmem>> -> memref<40x125xi32, #tpu.memory_space<vmem>>
      %dma_wait3A_140 = arith.constant 0 : i32
      %dma_wait3A_141 = arith.constant 0 : i32
      %dma_wait3A_142 = arith.constant 0 : i32
      %dma_wait3A_143 = tpu.memref_slice %arg4[%run_scoped3A_53, %dma_wait3A_140, %dma_wait3A_141, %dma_wait3A_142] : memref<2x32x40x125xi32, #tpu.memory_space<hbm>> -> memref<1x32x40x125xi32, #tpu.memory_space<hbm>>
      %dma_wait3A_144 = tpu.memref_squeeze %dma_wait3A_143 : memref<1x32x40x125xi32, #tpu.memory_space<hbm>> -> memref<32x40x125xi32, #tpu.memory_space<hbm>>
      %dma_wait3A_145 = arith.constant 0 : i32
      %dma_wait3A_146 = arith.constant 0 : i32
      %dma_wait3A_147 = tpu.memref_slice %dma_wait3A_144[%add3A, %dma_wait3A_145, %dma_wait3A_146] : memref<32x40x125xi32, #tpu.memory_space<hbm>> -> memref<1x40x125xi32, #tpu.memory_space<hbm>>
      %dma_wait3A_148 = tpu.memref_squeeze %dma_wait3A_147 : memref<1x40x125xi32, #tpu.memory_space<hbm>> -> memref<40x125xi32, #tpu.memory_space<hbm>>
      %dma_wait3A_149 = arith.constant 40 : i32
      %dma_wait3A_150 = arith.constant 0 : i32
      %dma_wait3A_151 = tpu.memref_slice %arg7[%dma_wait3A_149, %dma_wait3A_150] : memref<80x125xi32, #tpu.memory_space<vmem>> -> memref<40x125xi32, #tpu.memory_space<vmem>>
      %dma_wait3A_152 = arith.constant 0 : i32
      %dma_wait3A_153 = arith.constant 0 : i32
      %dma_wait3A_154 = arith.constant 0 : i32
      %dma_wait3A_155 = tpu.memref_slice %arg4[%run_scoped3A_53, %dma_wait3A_152, %dma_wait3A_153, %dma_wait3A_154] : memref<2x32x40x125xi32, #tpu.memory_space<hbm>> -> memref<1x32x40x125xi32, #tpu.memory_space<hbm>>
      %dma_wait3A_156 = tpu.memref_squeeze %dma_wait3A_155 : memref<1x32x40x125xi32, #tpu.memory_space<hbm>> -> memref<32x40x125xi32, #tpu.memory_space<hbm>>
      %dma_wait3A_157 = arith.constant 0 : i32
      %dma_wait3A_158 = arith.constant 0 : i32
      %dma_wait3A_159 = tpu.memref_slice %dma_wait3A_156[%add3A, %dma_wait3A_157, %dma_wait3A_158] : memref<32x40x125xi32, #tpu.memory_space<hbm>> -> memref<1x40x125xi32, #tpu.memory_space<hbm>>
      %dma_wait3A_160 = tpu.memref_squeeze %dma_wait3A_159 : memref<1x40x125xi32, #tpu.memory_space<hbm>> -> memref<40x125xi32, #tpu.memory_space<hbm>>
      tpu.wait_dma2 semaphore(%run_scoped3A_112 : memref<!tpu.dma_semaphore, #tpu.memory_space<semaphore_mem>>) src(%dma_wait3A_160 : memref<40x125xi32, #tpu.memory_space<hbm>>) dst(%dma_wait3A_151 : memref<40x125xi32, #tpu.memory_space<vmem>>)
      tpu.yield
    }) : () -> ()
    %dma_start3A_54 = arith.constant 0 : i32
    %dma_start3A_55 = arith.constant 0 : i32
    %dma_start3A_56 = arith.constant 0 : i32
    %dma_start3A_57 = arith.constant 0 : i32
    %dma_start3A_58 = arith.constant 0 : i32
    %dma_start3A_59 = tpu.memref_slice %arg8[%dma_start3A_55, %dma_start3A_57, %dma_start3A_58] : memref<2x125x128xf32, #tpu.memory_space<vmem>> -> memref<1x125x128xf32, #tpu.memory_space<vmem>>
    %dma_start3A_60 = tpu.memref_squeeze %dma_start3A_59 : memref<1x125x128xf32, #tpu.memory_space<vmem>> -> memref<125x128xf32, #tpu.memory_space<vmem>>
    %dma_start3A_61 = arith.constant 0 : i32
    %dma_start3A_62 = tpu.memref_slice %arg7[%dma_start3A_54, %dma_start3A_61] : memref<80x125xi32, #tpu.memory_space<vmem>> -> memref<1x125xi32, #tpu.memory_space<vmem>>
    %dma_start3A_63 = tpu.memref_squeeze %dma_start3A_62 : memref<1x125xi32, #tpu.memory_space<vmem>> -> memref<125xi32, #tpu.memory_space<vmem>>
    %dma_start3A_64 = arith.constant 0 : i32
    %dma_start3A_65 = arith.constant 0 : i32
    %dma_start3A_66 = tpu.memref_slice %arg2[%dma_start3A_64, %dma_start3A_65] : memref<10000x128xf32, #tpu.memory_space<hbm>> -> memref<10000x128xf32, #tpu.memory_space<hbm>>
    %dma_start3A_67 = tpu.memref_slice %arg10[%dma_start3A_56] : memref<2x!tpu.dma_semaphore, #tpu.memory_space<semaphore_mem>> -> memref<1x!tpu.dma_semaphore, #tpu.memory_space<semaphore_mem>>
    %dma_start3A_68 = tpu.memref_squeeze %dma_start3A_67 : memref<1x!tpu.dma_semaphore, #tpu.memory_space<semaphore_mem>> -> memref<!tpu.dma_semaphore, #tpu.memory_space<semaphore_mem>>
    tpu.enqueue_indirect_dma source(%dma_start3A_66 : memref<10000x128xf32, #tpu.memory_space<hbm>>) target(%dma_start3A_60 : memref<125x128xf32, #tpu.memory_space<vmem>>) offsets(%dma_start3A_63 : memref<125xi32, #tpu.memory_space<vmem>>) semaphore(%dma_start3A_68 : memref<!tpu.dma_semaphore, #tpu.memory_space<semaphore_mem>>)
    %scan3A_69 = arith.constant 0 : i32
    %scan3A_70 = arith.constant 0 : i32
    %scan3A_71 = arith.constant 40 : i32
    %scan3A_72 = arith.addi %scan3A_70, %scan3A_71 : i32
    %scan3A_73 = arith.constant 1 : i32
    scf.for %scan3A_112 = %scan3A_70 to %scan3A_72 step %scan3A_73  : i32 {
      %add3A_113 = arith.constant 1 : i32
      %add3A_114 = arith.addi %scan3A_112, %add3A_113 : i32
      %rem3A = arith.constant 2 : i32
      %rem3A_115 = arith.remsi %scan3A_112, %rem3A : i32
      %lt3A_116 = arith.constant 40 : i32
      %lt3A_117 = arith.cmpi slt, %add3A_114, %lt3A_116 : i32
      %convert_element_type3A_118 = arith.extui %lt3A_117 : i1 to i32
      %cond3A_119 = arith.constant 0 : i32
      %cond3A_120 = arith.cmpi ne, %convert_element_type3A_118, %cond3A_119 : i32
      scf.if %cond3A_120 {
        %rem3A_147 = arith.constant 2 : i32
        %rem3A_148 = arith.remsi %add3A_114, %rem3A_147 : i32
        %ge3A = arith.constant 2 : i32
        %ge3A_149 = arith.cmpi sge, %add3A_114, %ge3A : i32
        %convert_element_type3A_150 = arith.extui %ge3A_149 : i1 to i32
        %cond3A_151 = arith.constant 0 : i32
        %cond3A_152 = arith.cmpi ne, %convert_element_type3A_150, %cond3A_151 : i32
        scf.if %cond3A_152 {
          %add3A_165 = arith.constant 40 : i32
          %add3A_166 = arith.addi %add3A_165, %add3A_114 : i32
          %sub3A = arith.constant 2 : i32
          %sub3A_167 = arith.subi %add3A_166, %sub3A : i32
          %dma_wait3A_168 = arith.constant 0 : i32
          %dma_wait3A_169 = arith.constant 0 : i32
          %dma_wait3A_170 = tpu.memref_slice %arg8[%rem3A_148, %dma_wait3A_168, %dma_wait3A_169] : memref<2x125x128xf32, #tpu.memory_space<vmem>> -> memref<1x125x128xf32, #tpu.memory_space<vmem>>
          %dma_wait3A_171 = tpu.memref_squeeze %dma_wait3A_170 : memref<1x125x128xf32, #tpu.memory_space<vmem>> -> memref<125x128xf32, #tpu.memory_space<vmem>>
          %dma_wait3A_172 = arith.constant 0 : i32
          %dma_wait3A_173 = tpu.memref_slice %arg7[%sub3A_167, %dma_wait3A_172] : memref<80x125xi32, #tpu.memory_space<vmem>> -> memref<1x125xi32, #tpu.memory_space<vmem>>
          %dma_wait3A_174 = tpu.memref_squeeze %dma_wait3A_173 : memref<1x125xi32, #tpu.memory_space<vmem>> -> memref<125xi32, #tpu.memory_space<vmem>>
          %dma_wait3A_175 = arith.constant 0 : i32
          %dma_wait3A_176 = arith.constant 0 : i32
          %dma_wait3A_177 = tpu.memref_slice %arg9[%dma_wait3A_175, %dma_wait3A_176] : memref<10000x128xf32, #tpu.memory_space<vmem_shared>> -> memref<10000x128xf32, #tpu.memory_space<vmem_shared>>
          %dma_wait3A_178 = tpu.memref_slice %arg11[%rem3A_148] : memref<2x!tpu.dma_semaphore, #tpu.memory_space<semaphore_mem>> -> memref<1x!tpu.dma_semaphore, #tpu.memory_space<semaphore_mem>>
          %dma_wait3A_179 = tpu.memref_squeeze %dma_wait3A_178 : memref<1x!tpu.dma_semaphore, #tpu.memory_space<semaphore_mem>> -> memref<!tpu.dma_semaphore, #tpu.memory_space<semaphore_mem>>
          tpu.wait_indirect_dma semaphore(%dma_wait3A_179 : memref<!tpu.dma_semaphore, #tpu.memory_space<semaphore_mem>>) src(%dma_wait3A_171 : memref<125x128xf32, #tpu.memory_space<vmem>>) dst(%dma_wait3A_177 : memref<10000x128xf32, #tpu.memory_space<vmem_shared>>)
        } else {
        }
        %dma_start3A_153 = arith.constant 0 : i32
        %dma_start3A_154 = arith.constant 0 : i32
        %dma_start3A_155 = tpu.memref_slice %arg8[%rem3A_148, %dma_start3A_153, %dma_start3A_154] : memref<2x125x128xf32, #tpu.memory_space<vmem>> -> memref<1x125x128xf32, #tpu.memory_space<vmem>>
        %dma_start3A_156 = tpu.memref_squeeze %dma_start3A_155 : memref<1x125x128xf32, #tpu.memory_space<vmem>> -> memref<125x128xf32, #tpu.memory_space<vmem>>
        %dma_start3A_157 = arith.constant 0 : i32
        %dma_start3A_158 = tpu.memref_slice %arg7[%add3A_114, %dma_start3A_157] : memref<80x125xi32, #tpu.memory_space<vmem>> -> memref<1x125xi32, #tpu.memory_space<vmem>>
        %dma_start3A_159 = tpu.memref_squeeze %dma_start3A_158 : memref<1x125xi32, #tpu.memory_space<vmem>> -> memref<125xi32, #tpu.memory_space<vmem>>
        %dma_start3A_160 = arith.constant 0 : i32
        %dma_start3A_161 = arith.constant 0 : i32
        %dma_start3A_162 = tpu.memref_slice %arg2[%dma_start3A_160, %dma_start3A_161] : memref<10000x128xf32, #tpu.memory_space<hbm>> -> memref<10000x128xf32, #tpu.memory_space<hbm>>
        %dma_start3A_163 = tpu.memref_slice %arg10[%rem3A_148] : memref<2x!tpu.dma_semaphore, #tpu.memory_space<semaphore_mem>> -> memref<1x!tpu.dma_semaphore, #tpu.memory_space<semaphore_mem>>
        %dma_start3A_164 = tpu.memref_squeeze %dma_start3A_163 : memref<1x!tpu.dma_semaphore, #tpu.memory_space<semaphore_mem>> -> memref<!tpu.dma_semaphore, #tpu.memory_space<semaphore_mem>>
        tpu.enqueue_indirect_dma source(%dma_start3A_162 : memref<10000x128xf32, #tpu.memory_space<hbm>>) target(%dma_start3A_156 : memref<125x128xf32, #tpu.memory_space<vmem>>) offsets(%dma_start3A_159 : memref<125xi32, #tpu.memory_space<vmem>>) semaphore(%dma_start3A_164 : memref<!tpu.dma_semaphore, #tpu.memory_space<semaphore_mem>>)
      } else {
      }
      %dma_wait3A_121 = arith.constant 0 : i32
      %dma_wait3A_122 = arith.constant 0 : i32
      %dma_wait3A_123 = tpu.memref_slice %arg8[%rem3A_115, %dma_wait3A_121, %dma_wait3A_122] : memref<2x125x128xf32, #tpu.memory_space<vmem>> -> memref<1x125x128xf32, #tpu.memory_space<vmem>>
      %dma_wait3A_124 = tpu.memref_squeeze %dma_wait3A_123 : memref<1x125x128xf32, #tpu.memory_space<vmem>> -> memref<125x128xf32, #tpu.memory_space<vmem>>
      %dma_wait3A_125 = arith.constant 0 : i32
      %dma_wait3A_126 = tpu.memref_slice %arg7[%scan3A_112, %dma_wait3A_125] : memref<80x125xi32, #tpu.memory_space<vmem>> -> memref<1x125xi32, #tpu.memory_space<vmem>>
      %dma_wait3A_127 = tpu.memref_squeeze %dma_wait3A_126 : memref<1x125xi32, #tpu.memory_space<vmem>> -> memref<125xi32, #tpu.memory_space<vmem>>
      %dma_wait3A_128 = arith.constant 0 : i32
      %dma_wait3A_129 = arith.constant 0 : i32
      %dma_wait3A_130 = tpu.memref_slice %arg2[%dma_wait3A_128, %dma_wait3A_129] : memref<10000x128xf32, #tpu.memory_space<hbm>> -> memref<10000x128xf32, #tpu.memory_space<hbm>>
      %dma_wait3A_131 = tpu.memref_slice %arg10[%rem3A_115] : memref<2x!tpu.dma_semaphore, #tpu.memory_space<semaphore_mem>> -> memref<1x!tpu.dma_semaphore, #tpu.memory_space<semaphore_mem>>
      %dma_wait3A_132 = tpu.memref_squeeze %dma_wait3A_131 : memref<1x!tpu.dma_semaphore, #tpu.memory_space<semaphore_mem>> -> memref<!tpu.dma_semaphore, #tpu.memory_space<semaphore_mem>>
      tpu.wait_indirect_dma semaphore(%dma_wait3A_132 : memref<!tpu.dma_semaphore, #tpu.memory_space<semaphore_mem>>) src(%dma_wait3A_130 : memref<10000x128xf32, #tpu.memory_space<hbm>>) dst(%dma_wait3A_124 : memref<125x128xf32, #tpu.memory_space<vmem>>)
      %add3A_133 = arith.constant 40 : i32
      %add3A_134 = arith.addi %add3A_133, %scan3A_112 : i32
      %dma_start3A_135 = arith.constant 0 : i32
      %dma_start3A_136 = arith.constant 0 : i32
      %dma_start3A_137 = tpu.memref_slice %arg8[%rem3A_115, %dma_start3A_135, %dma_start3A_136] : memref<2x125x128xf32, #tpu.memory_space<vmem>> -> memref<1x125x128xf32, #tpu.memory_space<vmem>>
      %dma_start3A_138 = tpu.memref_squeeze %dma_start3A_137 : memref<1x125x128xf32, #tpu.memory_space<vmem>> -> memref<125x128xf32, #tpu.memory_space<vmem>>
      %dma_start3A_139 = arith.constant 0 : i32
      %dma_start3A_140 = tpu.memref_slice %arg7[%add3A_134, %dma_start3A_139] : memref<80x125xi32, #tpu.memory_space<vmem>> -> memref<1x125xi32, #tpu.memory_space<vmem>>
      %dma_start3A_141 = tpu.memref_squeeze %dma_start3A_140 : memref<1x125xi32, #tpu.memory_space<vmem>> -> memref<125xi32, #tpu.memory_space<vmem>>
      %dma_start3A_142 = arith.constant 0 : i32
      %dma_start3A_143 = arith.constant 0 : i32
      %dma_start3A_144 = tpu.memref_slice %arg9[%dma_start3A_142, %dma_start3A_143] : memref<10000x128xf32, #tpu.memory_space<vmem_shared>> -> memref<10000x128xf32, #tpu.memory_space<vmem_shared>>
      %dma_start3A_145 = tpu.memref_slice %arg11[%rem3A_115] : memref<2x!tpu.dma_semaphore, #tpu.memory_space<semaphore_mem>> -> memref<1x!tpu.dma_semaphore, #tpu.memory_space<semaphore_mem>>
      %dma_start3A_146 = tpu.memref_squeeze %dma_start3A_145 : memref<1x!tpu.dma_semaphore, #tpu.memory_space<semaphore_mem>> -> memref<!tpu.dma_semaphore, #tpu.memory_space<semaphore_mem>>
      tpu.enqueue_indirect_dma source(%dma_start3A_138 : memref<125x128xf32, #tpu.memory_space<vmem>>) target(%dma_start3A_144 : memref<10000x128xf32, #tpu.memory_space<vmem_shared>>) offsets(%dma_start3A_141 : memref<125xi32, #tpu.memory_space<vmem>>) semaphore(%dma_start3A_146 : memref<!tpu.dma_semaphore, #tpu.memory_space<semaphore_mem>>) {add = true}
    }
    %scan3A_74 = arith.constant 40 : i32
    %dma_wait3A_75 = arith.constant 0 : i32
    %dma_wait3A_76 = arith.constant 78 : i32
    %dma_wait3A_77 = arith.constant 0 : i32
    %dma_wait3A_78 = arith.constant 0 : i32
    %dma_wait3A_79 = arith.constant 0 : i32
    %dma_wait3A_80 = tpu.memref_slice %arg8[%dma_wait3A_75, %dma_wait3A_78, %dma_wait3A_79] : memref<2x125x128xf32, #tpu.memory_space<vmem>> -> memref<1x125x128xf32, #tpu.memory_space<vmem>>
    %dma_wait3A_81 = tpu.memref_squeeze %dma_wait3A_80 : memref<1x125x128xf32, #tpu.memory_space<vmem>> -> memref<125x128xf32, #tpu.memory_space<vmem>>
    %dma_wait3A_82 = arith.constant 0 : i32
    %dma_wait3A_83 = tpu.memref_slice %arg7[%dma_wait3A_76, %dma_wait3A_82] : memref<80x125xi32, #tpu.memory_space<vmem>> -> memref<1x125xi32, #tpu.memory_space<vmem>>
    %dma_wait3A_84 = tpu.memref_squeeze %dma_wait3A_83 : memref<1x125xi32, #tpu.memory_space<vmem>> -> memref<125xi32, #tpu.memory_space<vmem>>
    %dma_wait3A_85 = arith.constant 0 : i32
    %dma_wait3A_86 = arith.constant 0 : i32
    %dma_wait3A_87 = tpu.memref_slice %arg9[%dma_wait3A_85, %dma_wait3A_86] : memref<10000x128xf32, #tpu.memory_space<vmem_shared>> -> memref<10000x128xf32, #tpu.memory_space<vmem_shared>>
    %dma_wait3A_88 = tpu.memref_slice %arg11[%dma_wait3A_77] : memref<2x!tpu.dma_semaphore, #tpu.memory_space<semaphore_mem>> -> memref<1x!tpu.dma_semaphore, #tpu.memory_space<semaphore_mem>>
    %dma_wait3A_89 = tpu.memref_squeeze %dma_wait3A_88 : memref<1x!tpu.dma_semaphore, #tpu.memory_space<semaphore_mem>> -> memref<!tpu.dma_semaphore, #tpu.memory_space<semaphore_mem>>
    tpu.wait_indirect_dma semaphore(%dma_wait3A_89 : memref<!tpu.dma_semaphore, #tpu.memory_space<semaphore_mem>>) src(%dma_wait3A_81 : memref<125x128xf32, #tpu.memory_space<vmem>>) dst(%dma_wait3A_87 : memref<10000x128xf32, #tpu.memory_space<vmem_shared>>)
    %dma_wait3A_90 = arith.constant 1 : i32
    %dma_wait3A_91 = arith.constant 79 : i32
    %dma_wait3A_92 = arith.constant 1 : i32
    %dma_wait3A_93 = arith.constant 0 : i32
    %dma_wait3A_94 = arith.constant 0 : i32
    %dma_wait3A_95 = tpu.memref_slice %arg8[%dma_wait3A_90, %dma_wait3A_93, %dma_wait3A_94] : memref<2x125x128xf32, #tpu.memory_space<vmem>> -> memref<1x125x128xf32, #tpu.memory_space<vmem>>
    %dma_wait3A_96 = tpu.memref_squeeze %dma_wait3A_95 : memref<1x125x128xf32, #tpu.memory_space<vmem>> -> memref<125x128xf32, #tpu.memory_space<vmem>>
    %dma_wait3A_97 = arith.constant 0 : i32
    %dma_wait3A_98 = tpu.memref_slice %arg7[%dma_wait3A_91, %dma_wait3A_97] : memref<80x125xi32, #tpu.memory_space<vmem>> -> memref<1x125xi32, #tpu.memory_space<vmem>>
    %dma_wait3A_99 = tpu.memref_squeeze %dma_wait3A_98 : memref<1x125xi32, #tpu.memory_space<vmem>> -> memref<125xi32, #tpu.memory_space<vmem>>
    %dma_wait3A_100 = arith.constant 0 : i32
    %dma_wait3A_101 = arith.constant 0 : i32
    %dma_wait3A_102 = tpu.memref_slice %arg9[%dma_wait3A_100, %dma_wait3A_101] : memref<10000x128xf32, #tpu.memory_space<vmem_shared>> -> memref<10000x128xf32, #tpu.memory_space<vmem_shared>>
    %dma_wait3A_103 = tpu.memref_slice %arg11[%dma_wait3A_92] : memref<2x!tpu.dma_semaphore, #tpu.memory_space<semaphore_mem>> -> memref<1x!tpu.dma_semaphore, #tpu.memory_space<semaphore_mem>>
    %dma_wait3A_104 = tpu.memref_squeeze %dma_wait3A_103 : memref<1x!tpu.dma_semaphore, #tpu.memory_space<semaphore_mem>> -> memref<!tpu.dma_semaphore, #tpu.memory_space<semaphore_mem>>
    tpu.wait_indirect_dma semaphore(%dma_wait3A_104 : memref<!tpu.dma_semaphore, #tpu.memory_space<semaphore_mem>>) src(%dma_wait3A_96 : memref<125x128xf32, #tpu.memory_space<vmem>>) dst(%dma_wait3A_102 : memref<10000x128xf32, #tpu.memory_space<vmem_shared>>)
    %barrier3A_105 = arith.constant 0 : index
    tpu.barrier barrier_id(%barrier3A_105)
    %lt3A = arith.constant 15 : i32
    %lt3A_106 = arith.cmpi slt, %arg1, %lt3A : i32
    %convert_element_type3A = arith.extui %lt3A_106 : i1 to i32
    %cond3A = arith.constant 0 : i32
    %cond3A_107 = arith.cmpi ne, %convert_element_type3A, %cond3A : i32
    scf.if %cond3A_107 {
      %mul3A_112 = arith.constant 632 : i32
      %mul3A_113 = arith.muli %arg1, %mul3A_112 : i32
      %mul3A_114 = arith.constant 632 : i32
      %mul3A_115 = arith.muli %arg1, %mul3A_114 : i32
      "tpu.region"() ({
        %run_scoped3A_116 = tpu.sem_alloc : memref<!tpu.dma_semaphore, #tpu.memory_space<semaphore_mem>>
        %dma_start3A_117 = arith.constant 0 : i32
        %dma_start3A_118 = arith.constant 0 : i32
        %dma_start3A_119 = tpu.memref_slice %arg6[%arg0, %dma_start3A_117, %dma_start3A_118] : memref<2x10000x128xf32, #tpu.memory_space<hbm>> -> memref<1x10000x128xf32, #tpu.memory_space<hbm>>
        %dma_start3A_120 = tpu.memref_squeeze %dma_start3A_119 : memref<1x10000x128xf32, #tpu.memory_space<hbm>> -> memref<10000x128xf32, #tpu.memory_space<hbm>>
        %dma_start3A_121 = arith.constant 0 : i32
        %dma_start3A_122 = tpu.memref_slice %dma_start3A_120[%mul3A_115, %dma_start3A_121] : memref<10000x128xf32, #tpu.memory_space<hbm>> -> memref<632x128xf32, #tpu.memory_space<hbm>>
        %dma_start3A_123 = arith.constant 0 : i32
        %dma_start3A_124 = tpu.memref_slice %arg9[%mul3A_113, %dma_start3A_123] : memref<10000x128xf32, #tpu.memory_space<vmem_shared>> -> memref<632x128xf32, #tpu.memory_space<vmem_shared>>
        tpu.enqueue_dma source(%dma_start3A_124 : memref<632x128xf32, #tpu.memory_space<vmem_shared>>) target(%dma_start3A_122 : memref<632x128xf32, #tpu.memory_space<hbm>>) target_semaphore(%run_scoped3A_116 : memref<!tpu.dma_semaphore, #tpu.memory_space<semaphore_mem>>)
        %dma_wait3A_125 = arith.constant 0 : i32
        %dma_wait3A_126 = arith.constant 0 : i32
        %dma_wait3A_127 = tpu.memref_slice %arg6[%arg0, %dma_wait3A_125, %dma_wait3A_126] : memref<2x10000x128xf32, #tpu.memory_space<hbm>> -> memref<1x10000x128xf32, #tpu.memory_space<hbm>>
        %dma_wait3A_128 = tpu.memref_squeeze %dma_wait3A_127 : memref<1x10000x128xf32, #tpu.memory_space<hbm>> -> memref<10000x128xf32, #tpu.memory_space<hbm>>
        %dma_wait3A_129 = arith.constant 0 : i32
        %dma_wait3A_130 = tpu.memref_slice %dma_wait3A_128[%mul3A_115, %dma_wait3A_129] : memref<10000x128xf32, #tpu.memory_space<hbm>> -> memref<632x128xf32, #tpu.memory_space<hbm>>
        %dma_wait3A_131 = arith.constant 0 : i32
        %dma_wait3A_132 = tpu.memref_slice %arg9[%mul3A_113, %dma_wait3A_131] : memref<10000x128xf32, #tpu.memory_space<vmem_shared>> -> memref<632x128xf32, #tpu.memory_space<vmem_shared>>
        tpu.wait_dma2 semaphore(%run_scoped3A_116 : memref<!tpu.dma_semaphore, #tpu.memory_space<semaphore_mem>>) src(%dma_wait3A_132 : memref<632x128xf32, #tpu.memory_space<vmem_shared>>) dst(%dma_wait3A_130 : memref<632x128xf32, #tpu.memory_space<hbm>>)
        tpu.yield
      }) : () -> ()
    } else {
    }
    %eq3A = arith.constant 15 : i32
    %eq3A_108 = arith.cmpi eq, %arg1, %eq3A : i32
    %convert_element_type3A_109 = arith.extui %eq3A_108 : i1 to i32
    %cond3A_110 = arith.constant 0 : i32
    %cond3A_111 = arith.cmpi ne, %convert_element_type3A_109, %cond3A_110 : i32
    scf.if %cond3A_111 {
      "tpu.region"() ({
        %run_scoped3A_112 = tpu.sem_alloc : memref<!tpu.dma_semaphore, #tpu.memory_space<semaphore_mem>>
        %dma_start3A_113 = arith.constant 0 : i32
        %dma_start3A_114 = arith.constant 0 : i32
        %dma_start3A_115 = tpu.memref_slice %arg6[%arg0, %dma_start3A_113, %dma_start3A_114] : memref<2x10000x128xf32, #tpu.memory_space<hbm>> -> memref<1x10000x128xf32, #tpu.memory_space<hbm>>
        %dma_start3A_116 = tpu.memref_squeeze %dma_start3A_115 : memref<1x10000x128xf32, #tpu.memory_space<hbm>> -> memref<10000x128xf32, #tpu.memory_space<hbm>>
        %dma_start3A_117 = arith.constant 9480 : i32
        %dma_start3A_118 = arith.constant 0 : i32
        %dma_start3A_119 = tpu.memref_slice %dma_start3A_116[%dma_start3A_117, %dma_start3A_118] : memref<10000x128xf32, #tpu.memory_space<hbm>> -> memref<520x128xf32, #tpu.memory_space<hbm>>
        %dma_start3A_120 = arith.constant 9480 : i32
        %dma_start3A_121 = arith.constant 0 : i32
        %dma_start3A_122 = tpu.memref_slice %arg9[%dma_start3A_120, %dma_start3A_121] : memref<10000x128xf32, #tpu.memory_space<vmem_shared>> -> memref<520x128xf32, #tpu.memory_space<vmem_shared>>
        tpu.enqueue_dma source(%dma_start3A_122 : memref<520x128xf32, #tpu.memory_space<vmem_shared>>) target(%dma_start3A_119 : memref<520x128xf32, #tpu.memory_space<hbm>>) target_semaphore(%run_scoped3A_112 : memref<!tpu.dma_semaphore, #tpu.memory_space<semaphore_mem>>)
        %dma_wait3A_123 = arith.constant 0 : i32
        %dma_wait3A_124 = arith.constant 0 : i32
        %dma_wait3A_125 = tpu.memref_slice %arg6[%arg0, %dma_wait3A_123, %dma_wait3A_124] : memref<2x10000x128xf32, #tpu.memory_space<hbm>> -> memref<1x10000x128xf32, #tpu.memory_space<hbm>>
        %dma_wait3A_126 = tpu.memref_squeeze %dma_wait3A_125 : memref<1x10000x128xf32, #tpu.memory_space<hbm>> -> memref<10000x128xf32, #tpu.memory_space<hbm>>
        %dma_wait3A_127 = arith.constant 9480 : i32
        %dma_wait3A_128 = arith.constant 0 : i32
        %dma_wait3A_129 = tpu.memref_slice %dma_wait3A_126[%dma_wait3A_127, %dma_wait3A_128] : memref<10000x128xf32, #tpu.memory_space<hbm>> -> memref<520x128xf32, #tpu.memory_space<hbm>>
        %dma_wait3A_130 = arith.constant 9480 : i32
        %dma_wait3A_131 = arith.constant 0 : i32
        %dma_wait3A_132 = tpu.memref_slice %arg9[%dma_wait3A_130, %dma_wait3A_131] : memref<10000x128xf32, #tpu.memory_space<vmem_shared>> -> memref<520x128xf32, #tpu.memory_space<vmem_shared>>
        tpu.wait_dma2 semaphore(%run_scoped3A_112 : memref<!tpu.dma_semaphore, #tpu.memory_space<semaphore_mem>>) src(%dma_wait3A_132 : memref<520x128xf32, #tpu.memory_space<vmem_shared>>) dst(%dma_wait3A_129 : memref<520x128xf32, #tpu.memory_space<hbm>>)
        tpu.yield
      }) : () -> ()
    } else {
    }
    return
  }
}

#map = affine_map<(d0, d1) -> (0, 0)>
#map1 = affine_map<(d0, d1) -> (0, 0, 0, 0)>
#map2 = affine_map<(d0, d1) -> (0, 0, 0)>
module attributes {stable_mosaic.version = 14 : i64} {
  func.func @_seg_sum(%arg0: i32, %arg1: i32, %arg2: memref<10000x128xf32, #tpu.memory_space<hbm>>, %arg3: memref<2x32x40x125xi32, #tpu.memory_space<hbm>>, %arg4: memref<2x32x40x125xi32, #tpu.memory_space<hbm>>, %arg5: memref<625x128xf32, #tpu.memory_space<hbm>>, %arg6: memref<2x10000x128xf32, #tpu.memory_space<hbm>>, %arg7: memref<80x125xi32, #tpu.memory_space<vmem>>, %arg8: memref<2x125x128xf32, #tpu.memory_space<vmem>>, %arg9: memref<10000x128xf32, #tpu.memory_space<vmem_shared>>, %arg10: memref<2x!tpu.dma_semaphore, #tpu.memory_space<semaphore_mem>>, %arg11: memref<2x!tpu.dma_semaphore, #tpu.memory_space<semaphore_mem>>) attributes {dimension_semantics = [#tpu.dimension_semantics<core_parallel>, #tpu.dimension_semantics<subcore_parallel>], iteration_bounds = array<i64: 2, 16>, scalar_prefetch = 0 : i64, scratch_operands = 5 : i64, tpu.core_type = #tpu.core_type<sc_vector_subcore>, window_params = [{transform_indices = #map}, {transform_indices = #map1}, {transform_indices = #map1}, {transform_indices = #map}, {transform_indices = #map2}]} {
    %mul3A = arith.constant 16 : i32
    %mul3A_0 = arith.muli %arg0, %mul3A : i32
    %add3A = arith.addi %mul3A_0, %arg1 : i32
    %run_scoped3A = arith.constant 0 : i32
    "tpu.region"() ({
      %run_scoped3A_112 = tpu.sem_alloc : memref<!tpu.dma_semaphore, #tpu.memory_space<semaphore_mem>>
      %dma_start3A_113 = arith.constant 0 : i32
      %dma_start3A_114 = arith.constant 0 : i32
      %dma_start3A_115 = tpu.memref_slice %arg7[%dma_start3A_113, %dma_start3A_114] : memref<80x125xi32, #tpu.memory_space<vmem>> -> memref<40x125xi32, #tpu.memory_space<vmem>>
      %dma_start3A_116 = arith.constant 0 : i32
      %dma_start3A_117 = arith.constant 0 : i32
      %dma_start3A_118 = arith.constant 0 : i32
      %dma_start3A_119 = tpu.memref_slice %arg3[%run_scoped3A, %dma_start3A_116, %dma_start3A_117, %dma_start3A_118] : memref<2x32x40x125xi32, #tpu.memory_space<hbm>> -> memref<1x32x40x125xi32, #tpu.memory_space<hbm>>
      %dma_start3A_120 = tpu.memref_squeeze %dma_start3A_119 : memref<1x32x40x125xi32, #tpu.memory_space<hbm>> -> memref<32x40x125xi32, #tpu.memory_space<hbm>>
      %dma_start3A_121 = arith.constant 0 : i32
      %dma_start3A_122 = arith.constant 0 : i32
      %dma_start3A_123 = tpu.memref_slice %dma_start3A_120[%add3A, %dma_start3A_121, %dma_start3A_122] : memref<32x40x125xi32, #tpu.memory_space<hbm>> -> memref<1x40x125xi32, #tpu.memory_space<hbm>>
      %dma_start3A_124 = tpu.memref_squeeze %dma_start3A_123 : memref<1x40x125xi32, #tpu.memory_space<hbm>> -> memref<40x125xi32, #tpu.memory_space<hbm>>
      %dma_start3A_125 = arith.constant 0 : i32
      %dma_start3A_126 = arith.constant 0 : i32
      %dma_start3A_127 = tpu.memref_slice %arg7[%dma_start3A_125, %dma_start3A_126] : memref<80x125xi32, #tpu.memory_space<vmem>> -> memref<40x125xi32, #tpu.memory_space<vmem>>
      %dma_start3A_128 = arith.constant 0 : i32
      %dma_start3A_129 = arith.constant 0 : i32
      %dma_start3A_130 = arith.constant 0 : i32
      %dma_start3A_131 = tpu.memref_slice %arg3[%run_scoped3A, %dma_start3A_128, %dma_start3A_129, %dma_start3A_130] : memref<2x32x40x125xi32, #tpu.memory_space<hbm>> -> memref<1x32x40x125xi32, #tpu.memory_space<hbm>>
      %dma_start3A_132 = tpu.memref_squeeze %dma_start3A_131 : memref<1x32x40x125xi32, #tpu.memory_space<hbm>> -> memref<32x40x125xi32, #tpu.memory_space<hbm>>
      %dma_start3A_133 = arith.constant 0 : i32
      %dma_start3A_134 = arith.constant 0 : i32
      %dma_start3A_135 = tpu.memref_slice %dma_start3A_132[%add3A, %dma_start3A_133, %dma_start3A_134] : memref<32x40x125xi32, #tpu.memory_space<hbm>> -> memref<1x40x125xi32, #tpu.memory_space<hbm>>
      %dma_start3A_136 = tpu.memref_squeeze %dma_start3A_135 : memref<1x40x125xi32, #tpu.memory_space<hbm>> -> memref<40x125xi32, #tpu.memory_space<hbm>>
      tpu.enqueue_dma source(%dma_start3A_136 : memref<40x125xi32, #tpu.memory_space<hbm>>) target(%dma_start3A_127 : memref<40x125xi32, #tpu.memory_space<vmem>>) target_semaphore(%run_scoped3A_112 : memref<!tpu.dma_semaphore, #tpu.memory_space<semaphore_mem>>)
      %dma_wait3A_137 = arith.constant 0 : i32
      %dma_wait3A_138 = arith.constant 0 : i32
      %dma_wait3A_139 = tpu.memref_slice %arg7[%dma_wait3A_137, %dma_wait3A_138] : memref<80x125xi32, #tpu.memory_space<vmem>> -> memref<40x125xi32, #tpu.memory_space<vmem>>
      %dma_wait3A_140 = arith.constant 0 : i32
      %dma_wait3A_141 = arith.constant 0 : i32
      %dma_wait3A_142 = arith.constant 0 : i32
      %dma_wait3A_143 = tpu.memref_slice %arg3[%run_scoped3A, %dma_wait3A_140, %dma_wait3A_141, %dma_wait3A_142] : memref<2x32x40x125xi32, #tpu.memory_space<hbm>> -> memref<1x32x40x125xi32, #tpu.memory_space<hbm>>
      %dma_wait3A_144 = tpu.memref_squeeze %dma_wait3A_143 : memref<1x32x40x125xi32, #tpu.memory_space<hbm>> -> memref<32x40x125xi32, #tpu.memory_space<hbm>>
      %dma_wait3A_145 = arith.constant 0 : i32
      %dma_wait3A_146 = arith.constant 0 : i32
      %dma_wait3A_147 = tpu.memref_slice %dma_wait3A_144[%add3A, %dma_wait3A_145, %dma_wait3A_146] : memref<32x40x125xi32, #tpu.memory_space<hbm>> -> memref<1x40x125xi32, #tpu.memory_space<hbm>>
      %dma_wait3A_148 = tpu.memref_squeeze %dma_wait3A_147 : memref<1x40x125xi32, #tpu.memory_space<hbm>> -> memref<40x125xi32, #tpu.memory_space<hbm>>
      %dma_wait3A_149 = arith.constant 0 : i32
      %dma_wait3A_150 = arith.constant 0 : i32
      %dma_wait3A_151 = tpu.memref_slice %arg7[%dma_wait3A_149, %dma_wait3A_150] : memref<80x125xi32, #tpu.memory_space<vmem>> -> memref<40x125xi32, #tpu.memory_space<vmem>>
      %dma_wait3A_152 = arith.constant 0 : i32
      %dma_wait3A_153 = arith.constant 0 : i32
      %dma_wait3A_154 = arith.constant 0 : i32
      %dma_wait3A_155 = tpu.memref_slice %arg3[%run_scoped3A, %dma_wait3A_152, %dma_wait3A_153, %dma_wait3A_154] : memref<2x32x40x125xi32, #tpu.memory_space<hbm>> -> memref<1x32x40x125xi32, #tpu.memory_space<hbm>>
      %dma_wait3A_156 = tpu.memref_squeeze %dma_wait3A_155 : memref<1x32x40x125xi32, #tpu.memory_space<hbm>> -> memref<32x40x125xi32, #tpu.memory_space<hbm>>
      %dma_wait3A_157 = arith.constant 0 : i32
      %dma_wait3A_158 = arith.constant 0 : i32
      %dma_wait3A_159 = tpu.memref_slice %dma_wait3A_156[%add3A, %dma_wait3A_157, %dma_wait3A_158] : memref<32x40x125xi32, #tpu.memory_space<hbm>> -> memref<1x40x125xi32, #tpu.memory_space<hbm>>
      %dma_wait3A_160 = tpu.memref_squeeze %dma_wait3A_159 : memref<1x40x125xi32, #tpu.memory_space<hbm>> -> memref<40x125xi32, #tpu.memory_space<hbm>>
      tpu.wait_dma2 semaphore(%run_scoped3A_112 : memref<!tpu.dma_semaphore, #tpu.memory_space<semaphore_mem>>) src(%dma_wait3A_160 : memref<40x125xi32, #tpu.memory_space<hbm>>) dst(%dma_wait3A_151 : memref<40x125xi32, #tpu.memory_space<vmem>>)
      tpu.yield
    }) : () -> ()
    %run_scoped3A_1 = arith.constant 0 : i32
    "tpu.region"() ({
      %run_scoped3A_112 = tpu.sem_alloc : memref<!tpu.dma_semaphore, #tpu.memory_space<semaphore_mem>>
      %dma_start3A_113 = arith.constant 40 : i32
      %dma_start3A_114 = arith.constant 0 : i32
      %dma_start3A_115 = tpu.memref_slice %arg7[%dma_start3A_113, %dma_start3A_114] : memref<80x125xi32, #tpu.memory_space<vmem>> -> memref<40x125xi32, #tpu.memory_space<vmem>>
      %dma_start3A_116 = arith.constant 0 : i32
      %dma_start3A_117 = arith.constant 0 : i32
      %dma_start3A_118 = arith.constant 0 : i32
      %dma_start3A_119 = tpu.memref_slice %arg4[%run_scoped3A_1, %dma_start3A_116, %dma_start3A_117, %dma_start3A_118] : memref<2x32x40x125xi32, #tpu.memory_space<hbm>> -> memref<1x32x40x125xi32, #tpu.memory_space<hbm>>
      %dma_start3A_120 = tpu.memref_squeeze %dma_start3A_119 : memref<1x32x40x125xi32, #tpu.memory_space<hbm>> -> memref<32x40x125xi32, #tpu.memory_space<hbm>>
      %dma_start3A_121 = arith.constant 0 : i32
      %dma_start3A_122 = arith.constant 0 : i32
      %dma_start3A_123 = tpu.memref_slice %dma_start3A_120[%add3A, %dma_start3A_121, %dma_start3A_122] : memref<32x40x125xi32, #tpu.memory_space<hbm>> -> memref<1x40x125xi32, #tpu.memory_space<hbm>>
      %dma_start3A_124 = tpu.memref_squeeze %dma_start3A_123 : memref<1x40x125xi32, #tpu.memory_space<hbm>> -> memref<40x125xi32, #tpu.memory_space<hbm>>
      %dma_start3A_125 = arith.constant 40 : i32
      %dma_start3A_126 = arith.constant 0 : i32
      %dma_start3A_127 = tpu.memref_slice %arg7[%dma_start3A_125, %dma_start3A_126] : memref<80x125xi32, #tpu.memory_space<vmem>> -> memref<40x125xi32, #tpu.memory_space<vmem>>
      %dma_start3A_128 = arith.constant 0 : i32
      %dma_start3A_129 = arith.constant 0 : i32
      %dma_start3A_130 = arith.constant 0 : i32
      %dma_start3A_131 = tpu.memref_slice %arg4[%run_scoped3A_1, %dma_start3A_128, %dma_start3A_129, %dma_start3A_130] : memref<2x32x40x125xi32, #tpu.memory_space<hbm>> -> memref<1x32x40x125xi32, #tpu.memory_space<hbm>>
      %dma_start3A_132 = tpu.memref_squeeze %dma_start3A_131 : memref<1x32x40x125xi32, #tpu.memory_space<hbm>> -> memref<32x40x125xi32, #tpu.memory_space<hbm>>
      %dma_start3A_133 = arith.constant 0 : i32
      %dma_start3A_134 = arith.constant 0 : i32
      %dma_start3A_135 = tpu.memref_slice %dma_start3A_132[%add3A, %dma_start3A_133, %dma_start3A_134] : memref<32x40x125xi32, #tpu.memory_space<hbm>> -> memref<1x40x125xi32, #tpu.memory_space<hbm>>
      %dma_start3A_136 = tpu.memref_squeeze %dma_start3A_135 : memref<1x40x125xi32, #tpu.memory_space<hbm>> -> memref<40x125xi32, #tpu.memory_space<hbm>>
      tpu.enqueue_dma source(%dma_start3A_136 : memref<40x125xi32, #tpu.memory_space<hbm>>) target(%dma_start3A_127 : memref<40x125xi32, #tpu.memory_space<vmem>>) target_semaphore(%run_scoped3A_112 : memref<!tpu.dma_semaphore, #tpu.memory_space<semaphore_mem>>)
      %dma_wait3A_137 = arith.constant 40 : i32
      %dma_wait3A_138 = arith.constant 0 : i32
      %dma_wait3A_139 = tpu.memref_slice %arg7[%dma_wait3A_137, %dma_wait3A_138] : memref<80x125xi32, #tpu.memory_space<vmem>> -> memref<40x125xi32, #tpu.memory_space<vmem>>
      %dma_wait3A_140 = arith.constant 0 : i32
      %dma_wait3A_141 = arith.constant 0 : i32
      %dma_wait3A_142 = arith.constant 0 : i32
      %dma_wait3A_143 = tpu.memref_slice %arg4[%run_scoped3A_1, %dma_wait3A_140, %dma_wait3A_141, %dma_wait3A_142] : memref<2x32x40x125xi32, #tpu.memory_space<hbm>> -> memref<1x32x40x125xi32, #tpu.memory_space<hbm>>
      %dma_wait3A_144 = tpu.memref_squeeze %dma_wait3A_143 : memref<1x32x40x125xi32, #tpu.memory_space<hbm>> -> memref<32x40x125xi32, #tpu.memory_space<hbm>>
      %dma_wait3A_145 = arith.constant 0 : i32
      %dma_wait3A_146 = arith.constant 0 : i32
      %dma_wait3A_147 = tpu.memref_slice %dma_wait3A_144[%add3A, %dma_wait3A_145, %dma_wait3A_146] : memref<32x40x125xi32, #tpu.memory_space<hbm>> -> memref<1x40x125xi32, #tpu.memory_space<hbm>>
      %dma_wait3A_148 = tpu.memref_squeeze %dma_wait3A_147 : memref<1x40x125xi32, #tpu.memory_space<hbm>> -> memref<40x125xi32, #tpu.memory_space<hbm>>
      %dma_wait3A_149 = arith.constant 40 : i32
      %dma_wait3A_150 = arith.constant 0 : i32
      %dma_wait3A_151 = tpu.memref_slice %arg7[%dma_wait3A_149, %dma_wait3A_150] : memref<80x125xi32, #tpu.memory_space<vmem>> -> memref<40x125xi32, #tpu.memory_space<vmem>>
      %dma_wait3A_152 = arith.constant 0 : i32
      %dma_wait3A_153 = arith.constant 0 : i32
      %dma_wait3A_154 = arith.constant 0 : i32
      %dma_wait3A_155 = tpu.memref_slice %arg4[%run_scoped3A_1, %dma_wait3A_152, %dma_wait3A_153, %dma_wait3A_154] : memref<2x32x40x125xi32, #tpu.memory_space<hbm>> -> memref<1x32x40x125xi32, #tpu.memory_space<hbm>>
      %dma_wait3A_156 = tpu.memref_squeeze %dma_wait3A_155 : memref<1x32x40x125xi32, #tpu.memory_space<hbm>> -> memref<32x40x125xi32, #tpu.memory_space<hbm>>
      %dma_wait3A_157 = arith.constant 0 : i32
      %dma_wait3A_158 = arith.constant 0 : i32
      %dma_wait3A_159 = tpu.memref_slice %dma_wait3A_156[%add3A, %dma_wait3A_157, %dma_wait3A_158] : memref<32x40x125xi32, #tpu.memory_space<hbm>> -> memref<1x40x125xi32, #tpu.memory_space<hbm>>
      %dma_wait3A_160 = tpu.memref_squeeze %dma_wait3A_159 : memref<1x40x125xi32, #tpu.memory_space<hbm>> -> memref<40x125xi32, #tpu.memory_space<hbm>>
      tpu.wait_dma2 semaphore(%run_scoped3A_112 : memref<!tpu.dma_semaphore, #tpu.memory_space<semaphore_mem>>) src(%dma_wait3A_160 : memref<40x125xi32, #tpu.memory_space<hbm>>) dst(%dma_wait3A_151 : memref<40x125xi32, #tpu.memory_space<vmem>>)
      tpu.yield
    }) : () -> ()
    %dma_start3A = arith.constant 0 : i32
    %dma_start3A_2 = arith.constant 0 : i32
    %dma_start3A_3 = arith.constant 0 : i32
    %dma_start3A_4 = arith.constant 0 : i32
    %dma_start3A_5 = arith.constant 0 : i32
    %dma_start3A_6 = tpu.memref_slice %arg8[%dma_start3A_2, %dma_start3A_4, %dma_start3A_5] : memref<2x125x128xf32, #tpu.memory_space<vmem>> -> memref<1x125x128xf32, #tpu.memory_space<vmem>>
    %dma_start3A_7 = tpu.memref_squeeze %dma_start3A_6 : memref<1x125x128xf32, #tpu.memory_space<vmem>> -> memref<125x128xf32, #tpu.memory_space<vmem>>
    %dma_start3A_8 = arith.constant 0 : i32
    %dma_start3A_9 = tpu.memref_slice %arg7[%dma_start3A, %dma_start3A_8] : memref<80x125xi32, #tpu.memory_space<vmem>> -> memref<1x125xi32, #tpu.memory_space<vmem>>
    %dma_start3A_10 = tpu.memref_squeeze %dma_start3A_9 : memref<1x125xi32, #tpu.memory_space<vmem>> -> memref<125xi32, #tpu.memory_space<vmem>>
    %dma_start3A_11 = arith.constant 0 : i32
    %dma_start3A_12 = arith.constant 0 : i32
    %dma_start3A_13 = tpu.memref_slice %arg2[%dma_start3A_11, %dma_start3A_12] : memref<10000x128xf32, #tpu.memory_space<hbm>> -> memref<10000x128xf32, #tpu.memory_space<hbm>>
    %dma_start3A_14 = tpu.memref_slice %arg10[%dma_start3A_3] : memref<2x!tpu.dma_semaphore, #tpu.memory_space<semaphore_mem>> -> memref<1x!tpu.dma_semaphore, #tpu.memory_space<semaphore_mem>>
    %dma_start3A_15 = tpu.memref_squeeze %dma_start3A_14 : memref<1x!tpu.dma_semaphore, #tpu.memory_space<semaphore_mem>> -> memref<!tpu.dma_semaphore, #tpu.memory_space<semaphore_mem>>
    tpu.enqueue_indirect_dma source(%dma_start3A_13 : memref<10000x128xf32, #tpu.memory_space<hbm>>) target(%dma_start3A_7 : memref<125x128xf32, #tpu.memory_space<vmem>>) offsets(%dma_start3A_10 : memref<125xi32, #tpu.memory_space<vmem>>) semaphore(%dma_start3A_15 : memref<!tpu.dma_semaphore, #tpu.memory_space<semaphore_mem>>)
    %mul3A_16 = arith.constant 625 : i32
    %mul3A_17 = arith.muli %arg1, %mul3A_16 : i32
    "tpu.region"() ({
      %run_scoped3A_112 = tpu.sem_alloc : memref<!tpu.dma_semaphore, #tpu.memory_space<semaphore_mem>>
      %dma_start3A_113 = arith.constant 0 : i32
      %dma_start3A_114 = tpu.memref_slice %arg9[%mul3A_17, %dma_start3A_113] : memref<10000x128xf32, #tpu.memory_space<vmem_shared>> -> memref<625x128xf32, #tpu.memory_space<vmem_shared>>
      tpu.enqueue_dma source(%arg5 : memref<625x128xf32, #tpu.memory_space<hbm>>) target(%dma_start3A_114 : memref<625x128xf32, #tpu.memory_space<vmem_shared>>) target_semaphore(%run_scoped3A_112 : memref<!tpu.dma_semaphore, #tpu.memory_space<semaphore_mem>>)
      %dma_wait3A_115 = arith.constant 0 : i32
      %dma_wait3A_116 = tpu.memref_slice %arg9[%mul3A_17, %dma_wait3A_115] : memref<10000x128xf32, #tpu.memory_space<vmem_shared>> -> memref<625x128xf32, #tpu.memory_space<vmem_shared>>
      tpu.wait_dma2 semaphore(%run_scoped3A_112 : memref<!tpu.dma_semaphore, #tpu.memory_space<semaphore_mem>>) src(%arg5 : memref<625x128xf32, #tpu.memory_space<hbm>>) dst(%dma_wait3A_116 : memref<625x128xf32, #tpu.memory_space<vmem_shared>>)
      tpu.yield
    }) : () -> ()
    %barrier3A = arith.constant 0 : index
    tpu.barrier barrier_id(%barrier3A)
    %scan3A = arith.constant 0 : i32
    %scan3A_18 = arith.constant 0 : i32
    %scan3A_19 = arith.constant 40 : i32
    %scan3A_20 = arith.addi %scan3A_18, %scan3A_19 : i32
    %scan3A_21 = arith.constant 1 : i32
    scf.for %scan3A_112 = %scan3A_18 to %scan3A_20 step %scan3A_21  : i32 {
      %add3A_113 = arith.constant 1 : i32
      %add3A_114 = arith.addi %scan3A_112, %add3A_113 : i32
      %rem3A = arith.constant 2 : i32
      %rem3A_115 = arith.remsi %scan3A_112, %rem3A : i32
      %lt3A_116 = arith.constant 40 : i32
      %lt3A_117 = arith.cmpi slt, %add3A_114, %lt3A_116 : i32
      %convert_element_type3A_118 = arith.extui %lt3A_117 : i1 to i32
      %cond3A_119 = arith.constant 0 : i32
      %cond3A_120 = arith.cmpi ne, %convert_element_type3A_118, %cond3A_119 : i32
      scf.if %cond3A_120 {
        %rem3A_147 = arith.constant 2 : i32
        %rem3A_148 = arith.remsi %add3A_114, %rem3A_147 : i32
        %ge3A = arith.constant 2 : i32
        %ge3A_149 = arith.cmpi sge, %add3A_114, %ge3A : i32
        %convert_element_type3A_150 = arith.extui %ge3A_149 : i1 to i32
        %cond3A_151 = arith.constant 0 : i32
        %cond3A_152 = arith.cmpi ne, %convert_element_type3A_150, %cond3A_151 : i32
        scf.if %cond3A_152 {
          %add3A_165 = arith.constant 40 : i32
          %add3A_166 = arith.addi %add3A_165, %add3A_114 : i32
          %sub3A = arith.constant 2 : i32
          %sub3A_167 = arith.subi %add3A_166, %sub3A : i32
          %dma_wait3A_168 = arith.constant 0 : i32
          %dma_wait3A_169 = arith.constant 0 : i32
          %dma_wait3A_170 = tpu.memref_slice %arg8[%rem3A_148, %dma_wait3A_168, %dma_wait3A_169] : memref<2x125x128xf32, #tpu.memory_space<vmem>> -> memref<1x125x128xf32, #tpu.memory_space<vmem>>
          %dma_wait3A_171 = tpu.memref_squeeze %dma_wait3A_170 : memref<1x125x128xf32, #tpu.memory_space<vmem>> -> memref<125x128xf32, #tpu.memory_space<vmem>>
          %dma_wait3A_172 = arith.constant 0 : i32
          %dma_wait3A_173 = tpu.memref_slice %arg7[%sub3A_167, %dma_wait3A_172] : memref<80x125xi32, #tpu.memory_space<vmem>> -> memref<1x125xi32, #tpu.memory_space<vmem>>
          %dma_wait3A_174 = tpu.memref_squeeze %dma_wait3A_173 : memref<1x125xi32, #tpu.memory_space<vmem>> -> memref<125xi32, #tpu.memory_space<vmem>>
          %dma_wait3A_175 = arith.constant 0 : i32
          %dma_wait3A_176 = arith.constant 0 : i32
          %dma_wait3A_177 = tpu.memref_slice %arg9[%dma_wait3A_175, %dma_wait3A_176] : memref<10000x128xf32, #tpu.memory_space<vmem_shared>> -> memref<10000x128xf32, #tpu.memory_space<vmem_shared>>
          %dma_wait3A_178 = tpu.memref_slice %arg11[%rem3A_148] : memref<2x!tpu.dma_semaphore, #tpu.memory_space<semaphore_mem>> -> memref<1x!tpu.dma_semaphore, #tpu.memory_space<semaphore_mem>>
          %dma_wait3A_179 = tpu.memref_squeeze %dma_wait3A_178 : memref<1x!tpu.dma_semaphore, #tpu.memory_space<semaphore_mem>> -> memref<!tpu.dma_semaphore, #tpu.memory_space<semaphore_mem>>
          tpu.wait_indirect_dma semaphore(%dma_wait3A_179 : memref<!tpu.dma_semaphore, #tpu.memory_space<semaphore_mem>>) src(%dma_wait3A_171 : memref<125x128xf32, #tpu.memory_space<vmem>>) dst(%dma_wait3A_177 : memref<10000x128xf32, #tpu.memory_space<vmem_shared>>)
        } else {
        }
        %dma_start3A_153 = arith.constant 0 : i32
        %dma_start3A_154 = arith.constant 0 : i32
        %dma_start3A_155 = tpu.memref_slice %arg8[%rem3A_148, %dma_start3A_153, %dma_start3A_154] : memref<2x125x128xf32, #tpu.memory_space<vmem>> -> memref<1x125x128xf32, #tpu.memory_space<vmem>>
        %dma_start3A_156 = tpu.memref_squeeze %dma_start3A_155 : memref<1x125x128xf32, #tpu.memory_space<vmem>> -> memref<125x128xf32, #tpu.memory_space<vmem>>
        %dma_start3A_157 = arith.constant 0 : i32
        %dma_start3A_158 = tpu.memref_slice %arg7[%add3A_114, %dma_start3A_157] : memref<80x125xi32, #tpu.memory_space<vmem>> -> memref<1x125xi32, #tpu.memory_space<vmem>>
        %dma_start3A_159 = tpu.memref_squeeze %dma_start3A_158 : memref<1x125xi32, #tpu.memory_space<vmem>> -> memref<125xi32, #tpu.memory_space<vmem>>
        %dma_start3A_160 = arith.constant 0 : i32
        %dma_start3A_161 = arith.constant 0 : i32
        %dma_start3A_162 = tpu.memref_slice %arg2[%dma_start3A_160, %dma_start3A_161] : memref<10000x128xf32, #tpu.memory_space<hbm>> -> memref<10000x128xf32, #tpu.memory_space<hbm>>
        %dma_start3A_163 = tpu.memref_slice %arg10[%rem3A_148] : memref<2x!tpu.dma_semaphore, #tpu.memory_space<semaphore_mem>> -> memref<1x!tpu.dma_semaphore, #tpu.memory_space<semaphore_mem>>
        %dma_start3A_164 = tpu.memref_squeeze %dma_start3A_163 : memref<1x!tpu.dma_semaphore, #tpu.memory_space<semaphore_mem>> -> memref<!tpu.dma_semaphore, #tpu.memory_space<semaphore_mem>>
        tpu.enqueue_indirect_dma source(%dma_start3A_162 : memref<10000x128xf32, #tpu.memory_space<hbm>>) target(%dma_start3A_156 : memref<125x128xf32, #tpu.memory_space<vmem>>) offsets(%dma_start3A_159 : memref<125xi32, #tpu.memory_space<vmem>>) semaphore(%dma_start3A_164 : memref<!tpu.dma_semaphore, #tpu.memory_space<semaphore_mem>>)
      } else {
      }
      %dma_wait3A_121 = arith.constant 0 : i32
      %dma_wait3A_122 = arith.constant 0 : i32
      %dma_wait3A_123 = tpu.memref_slice %arg8[%rem3A_115, %dma_wait3A_121, %dma_wait3A_122] : memref<2x125x128xf32, #tpu.memory_space<vmem>> -> memref<1x125x128xf32, #tpu.memory_space<vmem>>
      %dma_wait3A_124 = tpu.memref_squeeze %dma_wait3A_123 : memref<1x125x128xf32, #tpu.memory_space<vmem>> -> memref<125x128xf32, #tpu.memory_space<vmem>>
      %dma_wait3A_125 = arith.constant 0 : i32
      %dma_wait3A_126 = tpu.memref_slice %arg7[%scan3A_112, %dma_wait3A_125] : memref<80x125xi32, #tpu.memory_space<vmem>> -> memref<1x125xi32, #tpu.memory_space<vmem>>
      %dma_wait3A_127 = tpu.memref_squeeze %dma_wait3A_126 : memref<1x125xi32, #tpu.memory_space<vmem>> -> memref<125xi32, #tpu.memory_space<vmem>>
      %dma_wait3A_128 = arith.constant 0 : i32
      %dma_wait3A_129 = arith.constant 0 : i32
      %dma_wait3A_130 = tpu.memref_slice %arg2[%dma_wait3A_128, %dma_wait3A_129] : memref<10000x128xf32, #tpu.memory_space<hbm>> -> memref<10000x128xf32, #tpu.memory_space<hbm>>
      %dma_wait3A_131 = tpu.memref_slice %arg10[%rem3A_115] : memref<2x!tpu.dma_semaphore, #tpu.memory_space<semaphore_mem>> -> memref<1x!tpu.dma_semaphore, #tpu.memory_space<semaphore_mem>>
      %dma_wait3A_132 = tpu.memref_squeeze %dma_wait3A_131 : memref<1x!tpu.dma_semaphore, #tpu.memory_space<semaphore_mem>> -> memref<!tpu.dma_semaphore, #tpu.memory_space<semaphore_mem>>
      tpu.wait_indirect_dma semaphore(%dma_wait3A_132 : memref<!tpu.dma_semaphore, #tpu.memory_space<semaphore_mem>>) src(%dma_wait3A_130 : memref<10000x128xf32, #tpu.memory_space<hbm>>) dst(%dma_wait3A_124 : memref<125x128xf32, #tpu.memory_space<vmem>>)
      %add3A_133 = arith.constant 40 : i32
      %add3A_134 = arith.addi %add3A_133, %scan3A_112 : i32
      %dma_start3A_135 = arith.constant 0 : i32
      %dma_start3A_136 = arith.constant 0 : i32
      %dma_start3A_137 = tpu.memref_slice %arg8[%rem3A_115, %dma_start3A_135, %dma_start3A_136] : memref<2x125x128xf32, #tpu.memory_space<vmem>> -> memref<1x125x128xf32, #tpu.memory_space<vmem>>
      %dma_start3A_138 = tpu.memref_squeeze %dma_start3A_137 : memref<1x125x128xf32, #tpu.memory_space<vmem>> -> memref<125x128xf32, #tpu.memory_space<vmem>>
      %dma_start3A_139 = arith.constant 0 : i32
      %dma_start3A_140 = tpu.memref_slice %arg7[%add3A_134, %dma_start3A_139] : memref<80x125xi32, #tpu.memory_space<vmem>> -> memref<1x125xi32, #tpu.memory_space<vmem>>
      %dma_start3A_141 = tpu.memref_squeeze %dma_start3A_140 : memref<1x125xi32, #tpu.memory_space<vmem>> -> memref<125xi32, #tpu.memory_space<vmem>>
      %dma_start3A_142 = arith.constant 0 : i32
      %dma_start3A_143 = arith.constant 0 : i32
      %dma_start3A_144 = tpu.memref_slice %arg9[%dma_start3A_142, %dma_start3A_143] : memref<10000x128xf32, #tpu.memory_space<vmem_shared>> -> memref<10000x128xf32, #tpu.memory_space<vmem_shared>>
      %dma_start3A_145 = tpu.memref_slice %arg11[%rem3A_115] : memref<2x!tpu.dma_semaphore, #tpu.memory_space<semaphore_mem>> -> memref<1x!tpu.dma_semaphore, #tpu.memory_space<semaphore_mem>>
      %dma_start3A_146 = tpu.memref_squeeze %dma_start3A_145 : memref<1x!tpu.dma_semaphore, #tpu.memory_space<semaphore_mem>> -> memref<!tpu.dma_semaphore, #tpu.memory_space<semaphore_mem>>
      tpu.enqueue_indirect_dma source(%dma_start3A_138 : memref<125x128xf32, #tpu.memory_space<vmem>>) target(%dma_start3A_144 : memref<10000x128xf32, #tpu.memory_space<vmem_shared>>) offsets(%dma_start3A_141 : memref<125xi32, #tpu.memory_space<vmem>>) semaphore(%dma_start3A_146 : memref<!tpu.dma_semaphore, #tpu.memory_space<semaphore_mem>>) {add = true}
    }
    %scan3A_22 = arith.constant 40 : i32
    %dma_wait3A = arith.constant 0 : i32
    %dma_wait3A_23 = arith.constant 78 : i32
    %dma_wait3A_24 = arith.constant 0 : i32
    %dma_wait3A_25 = arith.constant 0 : i32
    %dma_wait3A_26 = arith.constant 0 : i32
    %dma_wait3A_27 = tpu.memref_slice %arg8[%dma_wait3A, %dma_wait3A_25, %dma_wait3A_26] : memref<2x125x128xf32, #tpu.memory_space<vmem>> -> memref<1x125x128xf32, #tpu.memory_space<vmem>>
    %dma_wait3A_28 = tpu.memref_squeeze %dma_wait3A_27 : memref<1x125x128xf32, #tpu.memory_space<vmem>> -> memref<125x128xf32, #tpu.memory_space<vmem>>
    %dma_wait3A_29 = arith.constant 0 : i32
    %dma_wait3A_30 = tpu.memref_slice %arg7[%dma_wait3A_23, %dma_wait3A_29] : memref<80x125xi32, #tpu.memory_space<vmem>> -> memref<1x125xi32, #tpu.memory_space<vmem>>
    %dma_wait3A_31 = tpu.memref_squeeze %dma_wait3A_30 : memref<1x125xi32, #tpu.memory_space<vmem>> -> memref<125xi32, #tpu.memory_space<vmem>>
    %dma_wait3A_32 = arith.constant 0 : i32
    %dma_wait3A_33 = arith.constant 0 : i32
    %dma_wait3A_34 = tpu.memref_slice %arg9[%dma_wait3A_32, %dma_wait3A_33] : memref<10000x128xf32, #tpu.memory_space<vmem_shared>> -> memref<10000x128xf32, #tpu.memory_space<vmem_shared>>
    %dma_wait3A_35 = tpu.memref_slice %arg11[%dma_wait3A_24] : memref<2x!tpu.dma_semaphore, #tpu.memory_space<semaphore_mem>> -> memref<1x!tpu.dma_semaphore, #tpu.memory_space<semaphore_mem>>
    %dma_wait3A_36 = tpu.memref_squeeze %dma_wait3A_35 : memref<1x!tpu.dma_semaphore, #tpu.memory_space<semaphore_mem>> -> memref<!tpu.dma_semaphore, #tpu.memory_space<semaphore_mem>>
    tpu.wait_indirect_dma semaphore(%dma_wait3A_36 : memref<!tpu.dma_semaphore, #tpu.memory_space<semaphore_mem>>) src(%dma_wait3A_28 : memref<125x128xf32, #tpu.memory_space<vmem>>) dst(%dma_wait3A_34 : memref<10000x128xf32, #tpu.memory_space<vmem_shared>>)
    %dma_wait3A_37 = arith.constant 1 : i32
    %dma_wait3A_38 = arith.constant 79 : i32
    %dma_wait3A_39 = arith.constant 1 : i32
    %dma_wait3A_40 = arith.constant 0 : i32
    %dma_wait3A_41 = arith.constant 0 : i32
    %dma_wait3A_42 = tpu.memref_slice %arg8[%dma_wait3A_37, %dma_wait3A_40, %dma_wait3A_41] : memref<2x125x128xf32, #tpu.memory_space<vmem>> -> memref<1x125x128xf32, #tpu.memory_space<vmem>>
    %dma_wait3A_43 = tpu.memref_squeeze %dma_wait3A_42 : memref<1x125x128xf32, #tpu.memory_space<vmem>> -> memref<125x128xf32, #tpu.memory_space<vmem>>
    %dma_wait3A_44 = arith.constant 0 : i32
    %dma_wait3A_45 = tpu.memref_slice %arg7[%dma_wait3A_38, %dma_wait3A_44] : memref<80x125xi32, #tpu.memory_space<vmem>> -> memref<1x125xi32, #tpu.memory_space<vmem>>
    %dma_wait3A_46 = tpu.memref_squeeze %dma_wait3A_45 : memref<1x125xi32, #tpu.memory_space<vmem>> -> memref<125xi32, #tpu.memory_space<vmem>>
    %dma_wait3A_47 = arith.constant 0 : i32
    %dma_wait3A_48 = arith.constant 0 : i32
    %dma_wait3A_49 = tpu.memref_slice %arg9[%dma_wait3A_47, %dma_wait3A_48] : memref<10000x128xf32, #tpu.memory_space<vmem_shared>> -> memref<10000x128xf32, #tpu.memory_space<vmem_shared>>
    %dma_wait3A_50 = tpu.memref_slice %arg11[%dma_wait3A_39] : memref<2x!tpu.dma_semaphore, #tpu.memory_space<semaphore_mem>> -> memref<1x!tpu.dma_semaphore, #tpu.memory_space<semaphore_mem>>
    %dma_wait3A_51 = tpu.memref_squeeze %dma_wait3A_50 : memref<1x!tpu.dma_semaphore, #tpu.memory_space<semaphore_mem>> -> memref<!tpu.dma_semaphore, #tpu.memory_space<semaphore_mem>>
    tpu.wait_indirect_dma semaphore(%dma_wait3A_51 : memref<!tpu.dma_semaphore, #tpu.memory_space<semaphore_mem>>) src(%dma_wait3A_43 : memref<125x128xf32, #tpu.memory_space<vmem>>) dst(%dma_wait3A_49 : memref<10000x128xf32, #tpu.memory_space<vmem_shared>>)
    %run_scoped3A_52 = arith.constant 1 : i32
    "tpu.region"() ({
      %run_scoped3A_112 = tpu.sem_alloc : memref<!tpu.dma_semaphore, #tpu.memory_space<semaphore_mem>>
      %dma_start3A_113 = arith.constant 0 : i32
      %dma_start3A_114 = arith.constant 0 : i32
      %dma_start3A_115 = tpu.memref_slice %arg7[%dma_start3A_113, %dma_start3A_114] : memref<80x125xi32, #tpu.memory_space<vmem>> -> memref<40x125xi32, #tpu.memory_space<vmem>>
      %dma_start3A_116 = arith.constant 0 : i32
      %dma_start3A_117 = arith.constant 0 : i32
      %dma_start3A_118 = arith.constant 0 : i32
      %dma_start3A_119 = tpu.memref_slice %arg3[%run_scoped3A_52, %dma_start3A_116, %dma_start3A_117, %dma_start3A_118] : memref<2x32x40x125xi32, #tpu.memory_space<hbm>> -> memref<1x32x40x125xi32, #tpu.memory_space<hbm>>
      %dma_start3A_120 = tpu.memref_squeeze %dma_start3A_119 : memref<1x32x40x125xi32, #tpu.memory_space<hbm>> -> memref<32x40x125xi32, #tpu.memory_space<hbm>>
      %dma_start3A_121 = arith.constant 0 : i32
      %dma_start3A_122 = arith.constant 0 : i32
      %dma_start3A_123 = tpu.memref_slice %dma_start3A_120[%add3A, %dma_start3A_121, %dma_start3A_122] : memref<32x40x125xi32, #tpu.memory_space<hbm>> -> memref<1x40x125xi32, #tpu.memory_space<hbm>>
      %dma_start3A_124 = tpu.memref_squeeze %dma_start3A_123 : memref<1x40x125xi32, #tpu.memory_space<hbm>> -> memref<40x125xi32, #tpu.memory_space<hbm>>
      %dma_start3A_125 = arith.constant 0 : i32
      %dma_start3A_126 = arith.constant 0 : i32
      %dma_start3A_127 = tpu.memref_slice %arg7[%dma_start3A_125, %dma_start3A_126] : memref<80x125xi32, #tpu.memory_space<vmem>> -> memref<40x125xi32, #tpu.memory_space<vmem>>
      %dma_start3A_128 = arith.constant 0 : i32
      %dma_start3A_129 = arith.constant 0 : i32
      %dma_start3A_130 = arith.constant 0 : i32
      %dma_start3A_131 = tpu.memref_slice %arg3[%run_scoped3A_52, %dma_start3A_128, %dma_start3A_129, %dma_start3A_130] : memref<2x32x40x125xi32, #tpu.memory_space<hbm>> -> memref<1x32x40x125xi32, #tpu.memory_space<hbm>>
      %dma_start3A_132 = tpu.memref_squeeze %dma_start3A_131 : memref<1x32x40x125xi32, #tpu.memory_space<hbm>> -> memref<32x40x125xi32, #tpu.memory_space<hbm>>
      %dma_start3A_133 = arith.constant 0 : i32
      %dma_start3A_134 = arith.constant 0 : i32
      %dma_start3A_135 = tpu.memref_slice %dma_start3A_132[%add3A, %dma_start3A_133, %dma_start3A_134] : memref<32x40x125xi32, #tpu.memory_space<hbm>> -> memref<1x40x125xi32, #tpu.memory_space<hbm>>
      %dma_start3A_136 = tpu.memref_squeeze %dma_start3A_135 : memref<1x40x125xi32, #tpu.memory_space<hbm>> -> memref<40x125xi32, #tpu.memory_space<hbm>>
      tpu.enqueue_dma source(%dma_start3A_136 : memref<40x125xi32, #tpu.memory_space<hbm>>) target(%dma_start3A_127 : memref<40x125xi32, #tpu.memory_space<vmem>>) target_semaphore(%run_scoped3A_112 : memref<!tpu.dma_semaphore, #tpu.memory_space<semaphore_mem>>)
      %dma_wait3A_137 = arith.constant 0 : i32
      %dma_wait3A_138 = arith.constant 0 : i32
      %dma_wait3A_139 = tpu.memref_slice %arg7[%dma_wait3A_137, %dma_wait3A_138] : memref<80x125xi32, #tpu.memory_space<vmem>> -> memref<40x125xi32, #tpu.memory_space<vmem>>
      %dma_wait3A_140 = arith.constant 0 : i32
      %dma_wait3A_141 = arith.constant 0 : i32
      %dma_wait3A_142 = arith.constant 0 : i32
      %dma_wait3A_143 = tpu.memref_slice %arg3[%run_scoped3A_52, %dma_wait3A_140, %dma_wait3A_141, %dma_wait3A_142] : memref<2x32x40x125xi32, #tpu.memory_space<hbm>> -> memref<1x32x40x125xi32, #tpu.memory_space<hbm>>
      %dma_wait3A_144 = tpu.memref_squeeze %dma_wait3A_143 : memref<1x32x40x125xi32, #tpu.memory_space<hbm>> -> memref<32x40x125xi32, #tpu.memory_space<hbm>>
      %dma_wait3A_145 = arith.constant 0 : i32
      %dma_wait3A_146 = arith.constant 0 : i32
      %dma_wait3A_147 = tpu.memref_slice %dma_wait3A_144[%add3A, %dma_wait3A_145, %dma_wait3A_146] : memref<32x40x125xi32, #tpu.memory_space<hbm>> -> memref<1x40x125xi32, #tpu.memory_space<hbm>>
      %dma_wait3A_148 = tpu.memref_squeeze %dma_wait3A_147 : memref<1x40x125xi32, #tpu.memory_space<hbm>> -> memref<40x125xi32, #tpu.memory_space<hbm>>
      %dma_wait3A_149 = arith.constant 0 : i32
      %dma_wait3A_150 = arith.constant 0 : i32
      %dma_wait3A_151 = tpu.memref_slice %arg7[%dma_wait3A_149, %dma_wait3A_150] : memref<80x125xi32, #tpu.memory_space<vmem>> -> memref<40x125xi32, #tpu.memory_space<vmem>>
      %dma_wait3A_152 = arith.constant 0 : i32
      %dma_wait3A_153 = arith.constant 0 : i32
      %dma_wait3A_154 = arith.constant 0 : i32
      %dma_wait3A_155 = tpu.memref_slice %arg3[%run_scoped3A_52, %dma_wait3A_152, %dma_wait3A_153, %dma_wait3A_154] : memref<2x32x40x125xi32, #tpu.memory_space<hbm>> -> memref<1x32x40x125xi32, #tpu.memory_space<hbm>>
      %dma_wait3A_156 = tpu.memref_squeeze %dma_wait3A_155 : memref<1x32x40x125xi32, #tpu.memory_space<hbm>> -> memref<32x40x125xi32, #tpu.memory_space<hbm>>
      %dma_wait3A_157 = arith.constant 0 : i32
      %dma_wait3A_158 = arith.constant 0 : i32
      %dma_wait3A_159 = tpu.memref_slice %dma_wait3A_156[%add3A, %dma_wait3A_157, %dma_wait3A_158] : memref<32x40x125xi32, #tpu.memory_space<hbm>> -> memref<1x40x125xi32, #tpu.memory_space<hbm>>
      %dma_wait3A_160 = tpu.memref_squeeze %dma_wait3A_159 : memref<1x40x125xi32, #tpu.memory_space<hbm>> -> memref<40x125xi32, #tpu.memory_space<hbm>>
      tpu.wait_dma2 semaphore(%run_scoped3A_112 : memref<!tpu.dma_semaphore, #tpu.memory_space<semaphore_mem>>) src(%dma_wait3A_160 : memref<40x125xi32, #tpu.memory_space<hbm>>) dst(%dma_wait3A_151 : memref<40x125xi32, #tpu.memory_space<vmem>>)
      tpu.yield
    }) : () -> ()
    %run_scoped3A_53 = arith.constant 1 : i32
    "tpu.region"() ({
      %run_scoped3A_112 = tpu.sem_alloc : memref<!tpu.dma_semaphore, #tpu.memory_space<semaphore_mem>>
      %dma_start3A_113 = arith.constant 40 : i32
      %dma_start3A_114 = arith.constant 0 : i32
      %dma_start3A_115 = tpu.memref_slice %arg7[%dma_start3A_113, %dma_start3A_114] : memref<80x125xi32, #tpu.memory_space<vmem>> -> memref<40x125xi32, #tpu.memory_space<vmem>>
      %dma_start3A_116 = arith.constant 0 : i32
      %dma_start3A_117 = arith.constant 0 : i32
      %dma_start3A_118 = arith.constant 0 : i32
      %dma_start3A_119 = tpu.memref_slice %arg4[%run_scoped3A_53, %dma_start3A_116, %dma_start3A_117, %dma_start3A_118] : memref<2x32x40x125xi32, #tpu.memory_space<hbm>> -> memref<1x32x40x125xi32, #tpu.memory_space<hbm>>
      %dma_start3A_120 = tpu.memref_squeeze %dma_start3A_119 : memref<1x32x40x125xi32, #tpu.memory_space<hbm>> -> memref<32x40x125xi32, #tpu.memory_space<hbm>>
      %dma_start3A_121 = arith.constant 0 : i32
      %dma_start3A_122 = arith.constant 0 : i32
      %dma_start3A_123 = tpu.memref_slice %dma_start3A_120[%add3A, %dma_start3A_121, %dma_start3A_122] : memref<32x40x125xi32, #tpu.memory_space<hbm>> -> memref<1x40x125xi32, #tpu.memory_space<hbm>>
      %dma_start3A_124 = tpu.memref_squeeze %dma_start3A_123 : memref<1x40x125xi32, #tpu.memory_space<hbm>> -> memref<40x125xi32, #tpu.memory_space<hbm>>
      %dma_start3A_125 = arith.constant 40 : i32
      %dma_start3A_126 = arith.constant 0 : i32
      %dma_start3A_127 = tpu.memref_slice %arg7[%dma_start3A_125, %dma_start3A_126] : memref<80x125xi32, #tpu.memory_space<vmem>> -> memref<40x125xi32, #tpu.memory_space<vmem>>
      %dma_start3A_128 = arith.constant 0 : i32
      %dma_start3A_129 = arith.constant 0 : i32
      %dma_start3A_130 = arith.constant 0 : i32
      %dma_start3A_131 = tpu.memref_slice %arg4[%run_scoped3A_53, %dma_start3A_128, %dma_start3A_129, %dma_start3A_130] : memref<2x32x40x125xi32, #tpu.memory_space<hbm>> -> memref<1x32x40x125xi32, #tpu.memory_space<hbm>>
      %dma_start3A_132 = tpu.memref_squeeze %dma_start3A_131 : memref<1x32x40x125xi32, #tpu.memory_space<hbm>> -> memref<32x40x125xi32, #tpu.memory_space<hbm>>
      %dma_start3A_133 = arith.constant 0 : i32
      %dma_start3A_134 = arith.constant 0 : i32
      %dma_start3A_135 = tpu.memref_slice %dma_start3A_132[%add3A, %dma_start3A_133, %dma_start3A_134] : memref<32x40x125xi32, #tpu.memory_space<hbm>> -> memref<1x40x125xi32, #tpu.memory_space<hbm>>
      %dma_start3A_136 = tpu.memref_squeeze %dma_start3A_135 : memref<1x40x125xi32, #tpu.memory_space<hbm>> -> memref<40x125xi32, #tpu.memory_space<hbm>>
      tpu.enqueue_dma source(%dma_start3A_136 : memref<40x125xi32, #tpu.memory_space<hbm>>) target(%dma_start3A_127 : memref<40x125xi32, #tpu.memory_space<vmem>>) target_semaphore(%run_scoped3A_112 : memref<!tpu.dma_semaphore, #tpu.memory_space<semaphore_mem>>)
      %dma_wait3A_137 = arith.constant 40 : i32
      %dma_wait3A_138 = arith.constant 0 : i32
      %dma_wait3A_139 = tpu.memref_slice %arg7[%dma_wait3A_137, %dma_wait3A_138] : memref<80x125xi32, #tpu.memory_space<vmem>> -> memref<40x125xi32, #tpu.memory_space<vmem>>
      %dma_wait3A_140 = arith.constant 0 : i32
      %dma_wait3A_141 = arith.constant 0 : i32
      %dma_wait3A_142 = arith.constant 0 : i32
      %dma_wait3A_143 = tpu.memref_slice %arg4[%run_scoped3A_53, %dma_wait3A_140, %dma_wait3A_141, %dma_wait3A_142] : memref<2x32x40x125xi32, #tpu.memory_space<hbm>> -> memref<1x32x40x125xi32, #tpu.memory_space<hbm>>
      %dma_wait3A_144 = tpu.memref_squeeze %dma_wait3A_143 : memref<1x32x40x125xi32, #tpu.memory_space<hbm>> -> memref<32x40x125xi32, #tpu.memory_space<hbm>>
      %dma_wait3A_145 = arith.constant 0 : i32
      %dma_wait3A_146 = arith.constant 0 : i32
      %dma_wait3A_147 = tpu.memref_slice %dma_wait3A_144[%add3A, %dma_wait3A_145, %dma_wait3A_146] : memref<32x40x125xi32, #tpu.memory_space<hbm>> -> memref<1x40x125xi32, #tpu.memory_space<hbm>>
      %dma_wait3A_148 = tpu.memref_squeeze %dma_wait3A_147 : memref<1x40x125xi32, #tpu.memory_space<hbm>> -> memref<40x125xi32, #tpu.memory_space<hbm>>
      %dma_wait3A_149 = arith.constant 40 : i32
      %dma_wait3A_150 = arith.constant 0 : i32
      %dma_wait3A_151 = tpu.memref_slice %arg7[%dma_wait3A_149, %dma_wait3A_150] : memref<80x125xi32, #tpu.memory_space<vmem>> -> memref<40x125xi32, #tpu.memory_space<vmem>>
      %dma_wait3A_152 = arith.constant 0 : i32
      %dma_wait3A_153 = arith.constant 0 : i32
      %dma_wait3A_154 = arith.constant 0 : i32
      %dma_wait3A_155 = tpu.memref_slice %arg4[%run_scoped3A_53, %dma_wait3A_152, %dma_wait3A_153, %dma_wait3A_154] : memref<2x32x40x125xi32, #tpu.memory_space<hbm>> -> memref<1x32x40x125xi32, #tpu.memory_space<hbm>>
      %dma_wait3A_156 = tpu.memref_squeeze %dma_wait3A_155 : memref<1x32x40x125xi32, #tpu.memory_space<hbm>> -> memref<32x40x125xi32, #tpu.memory_space<hbm>>
      %dma_wait3A_157 = arith.constant 0 : i32
      %dma_wait3A_158 = arith.constant 0 : i32
      %dma_wait3A_159 = tpu.memref_slice %dma_wait3A_156[%add3A, %dma_wait3A_157, %dma_wait3A_158] : memref<32x40x125xi32, #tpu.memory_space<hbm>> -> memref<1x40x125xi32, #tpu.memory_space<hbm>>
      %dma_wait3A_160 = tpu.memref_squeeze %dma_wait3A_159 : memref<1x40x125xi32, #tpu.memory_space<hbm>> -> memref<40x125xi32, #tpu.memory_space<hbm>>
      tpu.wait_dma2 semaphore(%run_scoped3A_112 : memref<!tpu.dma_semaphore, #tpu.memory_space<semaphore_mem>>) src(%dma_wait3A_160 : memref<40x125xi32, #tpu.memory_space<hbm>>) dst(%dma_wait3A_151 : memref<40x125xi32, #tpu.memory_space<vmem>>)
      tpu.yield
    }) : () -> ()
    %dma_start3A_54 = arith.constant 0 : i32
    %dma_start3A_55 = arith.constant 0 : i32
    %dma_start3A_56 = arith.constant 0 : i32
    %dma_start3A_57 = arith.constant 0 : i32
    %dma_start3A_58 = arith.constant 0 : i32
    %dma_start3A_59 = tpu.memref_slice %arg8[%dma_start3A_55, %dma_start3A_57, %dma_start3A_58] : memref<2x125x128xf32, #tpu.memory_space<vmem>> -> memref<1x125x128xf32, #tpu.memory_space<vmem>>
    %dma_start3A_60 = tpu.memref_squeeze %dma_start3A_59 : memref<1x125x128xf32, #tpu.memory_space<vmem>> -> memref<125x128xf32, #tpu.memory_space<vmem>>
    %dma_start3A_61 = arith.constant 0 : i32
    %dma_start3A_62 = tpu.memref_slice %arg7[%dma_start3A_54, %dma_start3A_61] : memref<80x125xi32, #tpu.memory_space<vmem>> -> memref<1x125xi32, #tpu.memory_space<vmem>>
    %dma_start3A_63 = tpu.memref_squeeze %dma_start3A_62 : memref<1x125xi32, #tpu.memory_space<vmem>> -> memref<125xi32, #tpu.memory_space<vmem>>
    %dma_start3A_64 = arith.constant 0 : i32
    %dma_start3A_65 = arith.constant 0 : i32
    %dma_start3A_66 = tpu.memref_slice %arg2[%dma_start3A_64, %dma_start3A_65] : memref<10000x128xf32, #tpu.memory_space<hbm>> -> memref<10000x128xf32, #tpu.memory_space<hbm>>
    %dma_start3A_67 = tpu.memref_slice %arg10[%dma_start3A_56] : memref<2x!tpu.dma_semaphore, #tpu.memory_space<semaphore_mem>> -> memref<1x!tpu.dma_semaphore, #tpu.memory_space<semaphore_mem>>
    %dma_start3A_68 = tpu.memref_squeeze %dma_start3A_67 : memref<1x!tpu.dma_semaphore, #tpu.memory_space<semaphore_mem>> -> memref<!tpu.dma_semaphore, #tpu.memory_space<semaphore_mem>>
    tpu.enqueue_indirect_dma source(%dma_start3A_66 : memref<10000x128xf32, #tpu.memory_space<hbm>>) target(%dma_start3A_60 : memref<125x128xf32, #tpu.memory_space<vmem>>) offsets(%dma_start3A_63 : memref<125xi32, #tpu.memory_space<vmem>>) semaphore(%dma_start3A_68 : memref<!tpu.dma_semaphore, #tpu.memory_space<semaphore_mem>>)
    %scan3A_69 = arith.constant 0 : i32
    %scan3A_70 = arith.constant 0 : i32
    %scan3A_71 = arith.constant 40 : i32
    %scan3A_72 = arith.addi %scan3A_70, %scan3A_71 : i32
    %scan3A_73 = arith.constant 1 : i32
    scf.for %scan3A_112 = %scan3A_70 to %scan3A_72 step %scan3A_73  : i32 {
      %add3A_113 = arith.constant 1 : i32
      %add3A_114 = arith.addi %scan3A_112, %add3A_113 : i32
      %rem3A = arith.constant 2 : i32
      %rem3A_115 = arith.remsi %scan3A_112, %rem3A : i32
      %lt3A_116 = arith.constant 40 : i32
      %lt3A_117 = arith.cmpi slt, %add3A_114, %lt3A_116 : i32
      %convert_element_type3A_118 = arith.extui %lt3A_117 : i1 to i32
      %cond3A_119 = arith.constant 0 : i32
      %cond3A_120 = arith.cmpi ne, %convert_element_type3A_118, %cond3A_119 : i32
      scf.if %cond3A_120 {
        %rem3A_147 = arith.constant 2 : i32
        %rem3A_148 = arith.remsi %add3A_114, %rem3A_147 : i32
        %ge3A = arith.constant 2 : i32
        %ge3A_149 = arith.cmpi sge, %add3A_114, %ge3A : i32
        %convert_element_type3A_150 = arith.extui %ge3A_149 : i1 to i32
        %cond3A_151 = arith.constant 0 : i32
        %cond3A_152 = arith.cmpi ne, %convert_element_type3A_150, %cond3A_151 : i32
        scf.if %cond3A_152 {
          %add3A_165 = arith.constant 40 : i32
          %add3A_166 = arith.addi %add3A_165, %add3A_114 : i32
          %sub3A = arith.constant 2 : i32
          %sub3A_167 = arith.subi %add3A_166, %sub3A : i32
          %dma_wait3A_168 = arith.constant 0 : i32
          %dma_wait3A_169 = arith.constant 0 : i32
          %dma_wait3A_170 = tpu.memref_slice %arg8[%rem3A_148, %dma_wait3A_168, %dma_wait3A_169] : memref<2x125x128xf32, #tpu.memory_space<vmem>> -> memref<1x125x128xf32, #tpu.memory_space<vmem>>
          %dma_wait3A_171 = tpu.memref_squeeze %dma_wait3A_170 : memref<1x125x128xf32, #tpu.memory_space<vmem>> -> memref<125x128xf32, #tpu.memory_space<vmem>>
          %dma_wait3A_172 = arith.constant 0 : i32
          %dma_wait3A_173 = tpu.memref_slice %arg7[%sub3A_167, %dma_wait3A_172] : memref<80x125xi32, #tpu.memory_space<vmem>> -> memref<1x125xi32, #tpu.memory_space<vmem>>
          %dma_wait3A_174 = tpu.memref_squeeze %dma_wait3A_173 : memref<1x125xi32, #tpu.memory_space<vmem>> -> memref<125xi32, #tpu.memory_space<vmem>>
          %dma_wait3A_175 = arith.constant 0 : i32
          %dma_wait3A_176 = arith.constant 0 : i32
          %dma_wait3A_177 = tpu.memref_slice %arg9[%dma_wait3A_175, %dma_wait3A_176] : memref<10000x128xf32, #tpu.memory_space<vmem_shared>> -> memref<10000x128xf32, #tpu.memory_space<vmem_shared>>
          %dma_wait3A_178 = tpu.memref_slice %arg11[%rem3A_148] : memref<2x!tpu.dma_semaphore, #tpu.memory_space<semaphore_mem>> -> memref<1x!tpu.dma_semaphore, #tpu.memory_space<semaphore_mem>>
          %dma_wait3A_179 = tpu.memref_squeeze %dma_wait3A_178 : memref<1x!tpu.dma_semaphore, #tpu.memory_space<semaphore_mem>> -> memref<!tpu.dma_semaphore, #tpu.memory_space<semaphore_mem>>
          tpu.wait_indirect_dma semaphore(%dma_wait3A_179 : memref<!tpu.dma_semaphore, #tpu.memory_space<semaphore_mem>>) src(%dma_wait3A_171 : memref<125x128xf32, #tpu.memory_space<vmem>>) dst(%dma_wait3A_177 : memref<10000x128xf32, #tpu.memory_space<vmem_shared>>)
        } else {
        }
        %dma_start3A_153 = arith.constant 0 : i32
        %dma_start3A_154 = arith.constant 0 : i32
        %dma_start3A_155 = tpu.memref_slice %arg8[%rem3A_148, %dma_start3A_153, %dma_start3A_154] : memref<2x125x128xf32, #tpu.memory_space<vmem>> -> memref<1x125x128xf32, #tpu.memory_space<vmem>>
        %dma_start3A_156 = tpu.memref_squeeze %dma_start3A_155 : memref<1x125x128xf32, #tpu.memory_space<vmem>> -> memref<125x128xf32, #tpu.memory_space<vmem>>
        %dma_start3A_157 = arith.constant 0 : i32
        %dma_start3A_158 = tpu.memref_slice %arg7[%add3A_114, %dma_start3A_157] : memref<80x125xi32, #tpu.memory_space<vmem>> -> memref<1x125xi32, #tpu.memory_space<vmem>>
        %dma_start3A_159 = tpu.memref_squeeze %dma_start3A_158 : memref<1x125xi32, #tpu.memory_space<vmem>> -> memref<125xi32, #tpu.memory_space<vmem>>
        %dma_start3A_160 = arith.constant 0 : i32
        %dma_start3A_161 = arith.constant 0 : i32
        %dma_start3A_162 = tpu.memref_slice %arg2[%dma_start3A_160, %dma_start3A_161] : memref<10000x128xf32, #tpu.memory_space<hbm>> -> memref<10000x128xf32, #tpu.memory_space<hbm>>
        %dma_start3A_163 = tpu.memref_slice %arg10[%rem3A_148] : memref<2x!tpu.dma_semaphore, #tpu.memory_space<semaphore_mem>> -> memref<1x!tpu.dma_semaphore, #tpu.memory_space<semaphore_mem>>
        %dma_start3A_164 = tpu.memref_squeeze %dma_start3A_163 : memref<1x!tpu.dma_semaphore, #tpu.memory_space<semaphore_mem>> -> memref<!tpu.dma_semaphore, #tpu.memory_space<semaphore_mem>>
        tpu.enqueue_indirect_dma source(%dma_start3A_162 : memref<10000x128xf32, #tpu.memory_space<hbm>>) target(%dma_start3A_156 : memref<125x128xf32, #tpu.memory_space<vmem>>) offsets(%dma_start3A_159 : memref<125xi32, #tpu.memory_space<vmem>>) semaphore(%dma_start3A_164 : memref<!tpu.dma_semaphore, #tpu.memory_space<semaphore_mem>>)
      } else {
      }
      %dma_wait3A_121 = arith.constant 0 : i32
      %dma_wait3A_122 = arith.constant 0 : i32
      %dma_wait3A_123 = tpu.memref_slice %arg8[%rem3A_115, %dma_wait3A_121, %dma_wait3A_122] : memref<2x125x128xf32, #tpu.memory_space<vmem>> -> memref<1x125x128xf32, #tpu.memory_space<vmem>>
      %dma_wait3A_124 = tpu.memref_squeeze %dma_wait3A_123 : memref<1x125x128xf32, #tpu.memory_space<vmem>> -> memref<125x128xf32, #tpu.memory_space<vmem>>
      %dma_wait3A_125 = arith.constant 0 : i32
      %dma_wait3A_126 = tpu.memref_slice %arg7[%scan3A_112, %dma_wait3A_125] : memref<80x125xi32, #tpu.memory_space<vmem>> -> memref<1x125xi32, #tpu.memory_space<vmem>>
      %dma_wait3A_127 = tpu.memref_squeeze %dma_wait3A_126 : memref<1x125xi32, #tpu.memory_space<vmem>> -> memref<125xi32, #tpu.memory_space<vmem>>
      %dma_wait3A_128 = arith.constant 0 : i32
      %dma_wait3A_129 = arith.constant 0 : i32
      %dma_wait3A_130 = tpu.memref_slice %arg2[%dma_wait3A_128, %dma_wait3A_129] : memref<10000x128xf32, #tpu.memory_space<hbm>> -> memref<10000x128xf32, #tpu.memory_space<hbm>>
      %dma_wait3A_131 = tpu.memref_slice %arg10[%rem3A_115] : memref<2x!tpu.dma_semaphore, #tpu.memory_space<semaphore_mem>> -> memref<1x!tpu.dma_semaphore, #tpu.memory_space<semaphore_mem>>
      %dma_wait3A_132 = tpu.memref_squeeze %dma_wait3A_131 : memref<1x!tpu.dma_semaphore, #tpu.memory_space<semaphore_mem>> -> memref<!tpu.dma_semaphore, #tpu.memory_space<semaphore_mem>>
      tpu.wait_indirect_dma semaphore(%dma_wait3A_132 : memref<!tpu.dma_semaphore, #tpu.memory_space<semaphore_mem>>) src(%dma_wait3A_130 : memref<10000x128xf32, #tpu.memory_space<hbm>>) dst(%dma_wait3A_124 : memref<125x128xf32, #tpu.memory_space<vmem>>)
      %add3A_133 = arith.constant 40 : i32
      %add3A_134 = arith.addi %add3A_133, %scan3A_112 : i32
      %dma_start3A_135 = arith.constant 0 : i32
      %dma_start3A_136 = arith.constant 0 : i32
      %dma_start3A_137 = tpu.memref_slice %arg8[%rem3A_115, %dma_start3A_135, %dma_start3A_136] : memref<2x125x128xf32, #tpu.memory_space<vmem>> -> memref<1x125x128xf32, #tpu.memory_space<vmem>>
      %dma_start3A_138 = tpu.memref_squeeze %dma_start3A_137 : memref<1x125x128xf32, #tpu.memory_space<vmem>> -> memref<125x128xf32, #tpu.memory_space<vmem>>
      %dma_start3A_139 = arith.constant 0 : i32
      %dma_start3A_140 = tpu.memref_slice %arg7[%add3A_134, %dma_start3A_139] : memref<80x125xi32, #tpu.memory_space<vmem>> -> memref<1x125xi32, #tpu.memory_space<vmem>>
      %dma_start3A_141 = tpu.memref_squeeze %dma_start3A_140 : memref<1x125xi32, #tpu.memory_space<vmem>> -> memref<125xi32, #tpu.memory_space<vmem>>
      %dma_start3A_142 = arith.constant 0 : i32
      %dma_start3A_143 = arith.constant 0 : i32
      %dma_start3A_144 = tpu.memref_slice %arg9[%dma_start3A_142, %dma_start3A_143] : memref<10000x128xf32, #tpu.memory_space<vmem_shared>> -> memref<10000x128xf32, #tpu.memory_space<vmem_shared>>
      %dma_start3A_145 = tpu.memref_slice %arg11[%rem3A_115] : memref<2x!tpu.dma_semaphore, #tpu.memory_space<semaphore_mem>> -> memref<1x!tpu.dma_semaphore, #tpu.memory_space<semaphore_mem>>
      %dma_start3A_146 = tpu.memref_squeeze %dma_start3A_145 : memref<1x!tpu.dma_semaphore, #tpu.memory_space<semaphore_mem>> -> memref<!tpu.dma_semaphore, #tpu.memory_space<semaphore_mem>>
      tpu.enqueue_indirect_dma source(%dma_start3A_138 : memref<125x128xf32, #tpu.memory_space<vmem>>) target(%dma_start3A_144 : memref<10000x128xf32, #tpu.memory_space<vmem_shared>>) offsets(%dma_start3A_141 : memref<125xi32, #tpu.memory_space<vmem>>) semaphore(%dma_start3A_146 : memref<!tpu.dma_semaphore, #tpu.memory_space<semaphore_mem>>) {add = true}
    }
    %scan3A_74 = arith.constant 40 : i32
    %dma_wait3A_75 = arith.constant 0 : i32
    %dma_wait3A_76 = arith.constant 78 : i32
    %dma_wait3A_77 = arith.constant 0 : i32
    %dma_wait3A_78 = arith.constant 0 : i32
    %dma_wait3A_79 = arith.constant 0 : i32
    %dma_wait3A_80 = tpu.memref_slice %arg8[%dma_wait3A_75, %dma_wait3A_78, %dma_wait3A_79] : memref<2x125x128xf32, #tpu.memory_space<vmem>> -> memref<1x125x128xf32, #tpu.memory_space<vmem>>
    %dma_wait3A_81 = tpu.memref_squeeze %dma_wait3A_80 : memref<1x125x128xf32, #tpu.memory_space<vmem>> -> memref<125x128xf32, #tpu.memory_space<vmem>>
    %dma_wait3A_82 = arith.constant 0 : i32
    %dma_wait3A_83 = tpu.memref_slice %arg7[%dma_wait3A_76, %dma_wait3A_82] : memref<80x125xi32, #tpu.memory_space<vmem>> -> memref<1x125xi32, #tpu.memory_space<vmem>>
    %dma_wait3A_84 = tpu.memref_squeeze %dma_wait3A_83 : memref<1x125xi32, #tpu.memory_space<vmem>> -> memref<125xi32, #tpu.memory_space<vmem>>
    %dma_wait3A_85 = arith.constant 0 : i32
    %dma_wait3A_86 = arith.constant 0 : i32
    %dma_wait3A_87 = tpu.memref_slice %arg9[%dma_wait3A_85, %dma_wait3A_86] : memref<10000x128xf32, #tpu.memory_space<vmem_shared>> -> memref<10000x128xf32, #tpu.memory_space<vmem_shared>>
    %dma_wait3A_88 = tpu.memref_slice %arg11[%dma_wait3A_77] : memref<2x!tpu.dma_semaphore, #tpu.memory_space<semaphore_mem>> -> memref<1x!tpu.dma_semaphore, #tpu.memory_space<semaphore_mem>>
    %dma_wait3A_89 = tpu.memref_squeeze %dma_wait3A_88 : memref<1x!tpu.dma_semaphore, #tpu.memory_space<semaphore_mem>> -> memref<!tpu.dma_semaphore, #tpu.memory_space<semaphore_mem>>
    tpu.wait_indirect_dma semaphore(%dma_wait3A_89 : memref<!tpu.dma_semaphore, #tpu.memory_space<semaphore_mem>>) src(%dma_wait3A_81 : memref<125x128xf32, #tpu.memory_space<vmem>>) dst(%dma_wait3A_87 : memref<10000x128xf32, #tpu.memory_space<vmem_shared>>)
    %dma_wait3A_90 = arith.constant 1 : i32
    %dma_wait3A_91 = arith.constant 79 : i32
    %dma_wait3A_92 = arith.constant 1 : i32
    %dma_wait3A_93 = arith.constant 0 : i32
    %dma_wait3A_94 = arith.constant 0 : i32
    %dma_wait3A_95 = tpu.memref_slice %arg8[%dma_wait3A_90, %dma_wait3A_93, %dma_wait3A_94] : memref<2x125x128xf32, #tpu.memory_space<vmem>> -> memref<1x125x128xf32, #tpu.memory_space<vmem>>
    %dma_wait3A_96 = tpu.memref_squeeze %dma_wait3A_95 : memref<1x125x128xf32, #tpu.memory_space<vmem>> -> memref<125x128xf32, #tpu.memory_space<vmem>>
    %dma_wait3A_97 = arith.constant 0 : i32
    %dma_wait3A_98 = tpu.memref_slice %arg7[%dma_wait3A_91, %dma_wait3A_97] : memref<80x125xi32, #tpu.memory_space<vmem>> -> memref<1x125xi32, #tpu.memory_space<vmem>>
    %dma_wait3A_99 = tpu.memref_squeeze %dma_wait3A_98 : memref<1x125xi32, #tpu.memory_space<vmem>> -> memref<125xi32, #tpu.memory_space<vmem>>
    %dma_wait3A_100 = arith.constant 0 : i32
    %dma_wait3A_101 = arith.constant 0 : i32
    %dma_wait3A_102 = tpu.memref_slice %arg9[%dma_wait3A_100, %dma_wait3A_101] : memref<10000x128xf32, #tpu.memory_space<vmem_shared>> -> memref<10000x128xf32, #tpu.memory_space<vmem_shared>>
    %dma_wait3A_103 = tpu.memref_slice %arg11[%dma_wait3A_92] : memref<2x!tpu.dma_semaphore, #tpu.memory_space<semaphore_mem>> -> memref<1x!tpu.dma_semaphore, #tpu.memory_space<semaphore_mem>>
    %dma_wait3A_104 = tpu.memref_squeeze %dma_wait3A_103 : memref<1x!tpu.dma_semaphore, #tpu.memory_space<semaphore_mem>> -> memref<!tpu.dma_semaphore, #tpu.memory_space<semaphore_mem>>
    tpu.wait_indirect_dma semaphore(%dma_wait3A_104 : memref<!tpu.dma_semaphore, #tpu.memory_space<semaphore_mem>>) src(%dma_wait3A_96 : memref<125x128xf32, #tpu.memory_space<vmem>>) dst(%dma_wait3A_102 : memref<10000x128xf32, #tpu.memory_space<vmem_shared>>)
    %barrier3A_105 = arith.constant 0 : index
    tpu.barrier barrier_id(%barrier3A_105)
    %lt3A = arith.constant 15 : i32
    %lt3A_106 = arith.cmpi slt, %arg1, %lt3A : i32
    %convert_element_type3A = arith.extui %lt3A_106 : i1 to i32
    %cond3A = arith.constant 0 : i32
    %cond3A_107 = arith.cmpi ne, %convert_element_type3A, %cond3A : i32
    scf.if %cond3A_107 {
      %mul3A_112 = arith.constant 632 : i32
      %mul3A_113 = arith.muli %arg1, %mul3A_112 : i32
      %mul3A_114 = arith.constant 632 : i32
      %mul3A_115 = arith.muli %arg1, %mul3A_114 : i32
      "tpu.region"() ({
        %run_scoped3A_116 = tpu.sem_alloc : memref<!tpu.dma_semaphore, #tpu.memory_space<semaphore_mem>>
        %dma_start3A_117 = arith.constant 0 : i32
        %dma_start3A_118 = arith.constant 0 : i32
        %dma_start3A_119 = tpu.memref_slice %arg6[%arg0, %dma_start3A_117, %dma_start3A_118] : memref<2x10000x128xf32, #tpu.memory_space<hbm>> -> memref<1x10000x128xf32, #tpu.memory_space<hbm>>
        %dma_start3A_120 = tpu.memref_squeeze %dma_start3A_119 : memref<1x10000x128xf32, #tpu.memory_space<hbm>> -> memref<10000x128xf32, #tpu.memory_space<hbm>>
        %dma_start3A_121 = arith.constant 0 : i32
        %dma_start3A_122 = tpu.memref_slice %dma_start3A_120[%mul3A_115, %dma_start3A_121] : memref<10000x128xf32, #tpu.memory_space<hbm>> -> memref<632x128xf32, #tpu.memory_space<hbm>>
        %dma_start3A_123 = arith.constant 0 : i32
        %dma_start3A_124 = tpu.memref_slice %arg9[%mul3A_113, %dma_start3A_123] : memref<10000x128xf32, #tpu.memory_space<vmem_shared>> -> memref<632x128xf32, #tpu.memory_space<vmem_shared>>
        tpu.enqueue_dma source(%dma_start3A_124 : memref<632x128xf32, #tpu.memory_space<vmem_shared>>) target(%dma_start3A_122 : memref<632x128xf32, #tpu.memory_space<hbm>>) target_semaphore(%run_scoped3A_116 : memref<!tpu.dma_semaphore, #tpu.memory_space<semaphore_mem>>)
        %dma_wait3A_125 = arith.constant 0 : i32
        %dma_wait3A_126 = arith.constant 0 : i32
        %dma_wait3A_127 = tpu.memref_slice %arg6[%arg0, %dma_wait3A_125, %dma_wait3A_126] : memref<2x10000x128xf32, #tpu.memory_space<hbm>> -> memref<1x10000x128xf32, #tpu.memory_space<hbm>>
        %dma_wait3A_128 = tpu.memref_squeeze %dma_wait3A_127 : memref<1x10000x128xf32, #tpu.memory_space<hbm>> -> memref<10000x128xf32, #tpu.memory_space<hbm>>
        %dma_wait3A_129 = arith.constant 0 : i32
        %dma_wait3A_130 = tpu.memref_slice %dma_wait3A_128[%mul3A_115, %dma_wait3A_129] : memref<10000x128xf32, #tpu.memory_space<hbm>> -> memref<632x128xf32, #tpu.memory_space<hbm>>
        %dma_wait3A_131 = arith.constant 0 : i32
        %dma_wait3A_132 = tpu.memref_slice %arg9[%mul3A_113, %dma_wait3A_131] : memref<10000x128xf32, #tpu.memory_space<vmem_shared>> -> memref<632x128xf32, #tpu.memory_space<vmem_shared>>
        tpu.wait_dma2 semaphore(%run_scoped3A_116 : memref<!tpu.dma_semaphore, #tpu.memory_space<semaphore_mem>>) src(%dma_wait3A_132 : memref<632x128xf32, #tpu.memory_space<vmem_shared>>) dst(%dma_wait3A_130 : memref<632x128xf32, #tpu.memory_space<hbm>>)
        tpu.yield
      }) : () -> ()
    } else {
    }
    %eq3A = arith.constant 15 : i32
    %eq3A_108 = arith.cmpi eq, %arg1, %eq3A : i32
    %convert_element_type3A_109 = arith.extui %eq3A_108 : i1 to i32
    %cond3A_110 = arith.constant 0 : i32
    %cond3A_111 = arith.cmpi ne, %convert_element_type3A_109, %cond3A_110 : i32
    scf.if %cond3A_111 {
      "tpu.region"() ({
        %run_scoped3A_112 = tpu.sem_alloc : memref<!tpu.dma_semaphore, #tpu.memory_space<semaphore_mem>>
        %dma_start3A_113 = arith.constant 0 : i32
        %dma_start3A_114 = arith.constant 0 : i32
        %dma_start3A_115 = tpu.memref_slice %arg6[%arg0, %dma_start3A_113, %dma_start3A_114] : memref<2x10000x128xf32, #tpu.memory_space<hbm>> -> memref<1x10000x128xf32, #tpu.memory_space<hbm>>
        %dma_start3A_116 = tpu.memref_squeeze %dma_start3A_115 : memref<1x10000x128xf32, #tpu.memory_space<hbm>> -> memref<10000x128xf32, #tpu.memory_space<hbm>>
        %dma_start3A_117 = arith.constant 9480 : i32
        %dma_start3A_118 = arith.constant 0 : i32
        %dma_start3A_119 = tpu.memref_slice %dma_start3A_116[%dma_start3A_117, %dma_start3A_118] : memref<10000x128xf32, #tpu.memory_space<hbm>> -> memref<520x128xf32, #tpu.memory_space<hbm>>
        %dma_start3A_120 = arith.constant 9480 : i32
        %dma_start3A_121 = arith.constant 0 : i32
        %dma_start3A_122 = tpu.memref_slice %arg9[%dma_start3A_120, %dma_start3A_121] : memref<10000x128xf32, #tpu.memory_space<vmem_shared>> -> memref<520x128xf32, #tpu.memory_space<vmem_shared>>
        tpu.enqueue_dma source(%dma_start3A_122 : memref<520x128xf32, #tpu.memory_space<vmem_shared>>) target(%dma_start3A_119 : memref<520x128xf32, #tpu.memory_space<hbm>>) target_semaphore(%run_scoped3A_112 : memref<!tpu.dma_semaphore, #tpu.memory_space<semaphore_mem>>)
        %dma_wait3A_123 = arith.constant 0 : i32
        %dma_wait3A_124 = arith.constant 0 : i32
        %dma_wait3A_125 = tpu.memref_slice %arg6[%arg0, %dma_wait3A_123, %dma_wait3A_124] : memref<2x10000x128xf32, #tpu.memory_space<hbm>> -> memref<1x10000x128xf32, #tpu.memory_space<hbm>>
        %dma_wait3A_126 = tpu.memref_squeeze %dma_wait3A_125 : memref<1x10000x128xf32, #tpu.memory_space<hbm>> -> memref<10000x128xf32, #tpu.memory_space<hbm>>
        %dma_wait3A_127 = arith.constant 9480 : i32
        %dma_wait3A_128 = arith.constant 0 : i32
        %dma_wait3A_129 = tpu.memref_slice %dma_wait3A_126[%dma_wait3A_127, %dma_wait3A_128] : memref<10000x128xf32, #tpu.memory_space<hbm>> -> memref<520x128xf32, #tpu.memory_space<hbm>>
        %dma_wait3A_130 = arith.constant 9480 : i32
        %dma_wait3A_131 = arith.constant 0 : i32
        %dma_wait3A_132 = tpu.memref_slice %arg9[%dma_wait3A_130, %dma_wait3A_131] : memref<10000x128xf32, #tpu.memory_space<vmem_shared>> -> memref<520x128xf32, #tpu.memory_space<vmem_shared>>
        tpu.wait_dma2 semaphore(%run_scoped3A_112 : memref<!tpu.dma_semaphore, #tpu.memory_space<semaphore_mem>>) src(%dma_wait3A_132 : memref<520x128xf32, #tpu.memory_space<vmem_shared>>) dst(%dma_wait3A_129 : memref<520x128xf32, #tpu.memory_space<hbm>>)
        tpu.yield
      }) : () -> ()
    } else {
    }
    return
  }
}

#map = affine_map<(d0, d1) -> (0, 0)>
#map1 = affine_map<(d0, d1) -> (0, 0, 0, 0)>
#map2 = affine_map<(d0, d1) -> (0, 0, 0)>
module attributes {stable_mosaic.version = 14 : i64} {
  func.func @_seg_sum(%arg0: i32, %arg1: i32, %arg2: memref<10000x128xf32, #tpu.memory_space<hbm>>, %arg3: memref<2x32x40x125xi32, #tpu.memory_space<hbm>>, %arg4: memref<2x32x40x125xi32, #tpu.memory_space<hbm>>, %arg5: memref<625x128xf32, #tpu.memory_space<hbm>>, %arg6: memref<2x10000x128xf32, #tpu.memory_space<hbm>>, %arg7: memref<80x125xi32, #tpu.memory_space<vmem>>, %arg8: memref<2x125x128xf32, #tpu.memory_space<vmem>>, %arg9: memref<10000x128xf32, #tpu.memory_space<vmem_shared>>, %arg10: memref<2x!tpu.dma_semaphore, #tpu.memory_space<semaphore_mem>>, %arg11: memref<2x!tpu.dma_semaphore, #tpu.memory_space<semaphore_mem>>) attributes {dimension_semantics = [#tpu.dimension_semantics<core_parallel>, #tpu.dimension_semantics<subcore_parallel>], iteration_bounds = array<i64: 2, 16>, scalar_prefetch = 0 : i64, scratch_operands = 5 : i64, tpu.core_type = #tpu.core_type<sc_vector_subcore>, window_params = [{transform_indices = #map}, {transform_indices = #map1}, {transform_indices = #map1}, {transform_indices = #map}, {transform_indices = #map2}]} {
    %mul3A = arith.constant 16 : i32
    %mul3A_0 = arith.muli %arg0, %mul3A : i32
    %add3A = arith.addi %mul3A_0, %arg1 : i32
    %run_scoped3A = arith.constant 0 : i32
    "tpu.region"() ({
      %run_scoped3A_112 = tpu.sem_alloc : memref<!tpu.dma_semaphore, #tpu.memory_space<semaphore_mem>>
      %dma_start3A_113 = arith.constant 0 : i32
      %dma_start3A_114 = arith.constant 0 : i32
      %dma_start3A_115 = tpu.memref_slice %arg7[%dma_start3A_113, %dma_start3A_114] : memref<80x125xi32, #tpu.memory_space<vmem>> -> memref<40x125xi32, #tpu.memory_space<vmem>>
      %dma_start3A_116 = arith.constant 0 : i32
      %dma_start3A_117 = arith.constant 0 : i32
      %dma_start3A_118 = arith.constant 0 : i32
      %dma_start3A_119 = tpu.memref_slice %arg3[%run_scoped3A, %dma_start3A_116, %dma_start3A_117, %dma_start3A_118] : memref<2x32x40x125xi32, #tpu.memory_space<hbm>> -> memref<1x32x40x125xi32, #tpu.memory_space<hbm>>
      %dma_start3A_120 = tpu.memref_squeeze %dma_start3A_119 : memref<1x32x40x125xi32, #tpu.memory_space<hbm>> -> memref<32x40x125xi32, #tpu.memory_space<hbm>>
      %dma_start3A_121 = arith.constant 0 : i32
      %dma_start3A_122 = arith.constant 0 : i32
      %dma_start3A_123 = tpu.memref_slice %dma_start3A_120[%add3A, %dma_start3A_121, %dma_start3A_122] : memref<32x40x125xi32, #tpu.memory_space<hbm>> -> memref<1x40x125xi32, #tpu.memory_space<hbm>>
      %dma_start3A_124 = tpu.memref_squeeze %dma_start3A_123 : memref<1x40x125xi32, #tpu.memory_space<hbm>> -> memref<40x125xi32, #tpu.memory_space<hbm>>
      %dma_start3A_125 = arith.constant 0 : i32
      %dma_start3A_126 = arith.constant 0 : i32
      %dma_start3A_127 = tpu.memref_slice %arg7[%dma_start3A_125, %dma_start3A_126] : memref<80x125xi32, #tpu.memory_space<vmem>> -> memref<40x125xi32, #tpu.memory_space<vmem>>
      %dma_start3A_128 = arith.constant 0 : i32
      %dma_start3A_129 = arith.constant 0 : i32
      %dma_start3A_130 = arith.constant 0 : i32
      %dma_start3A_131 = tpu.memref_slice %arg3[%run_scoped3A, %dma_start3A_128, %dma_start3A_129, %dma_start3A_130] : memref<2x32x40x125xi32, #tpu.memory_space<hbm>> -> memref<1x32x40x125xi32, #tpu.memory_space<hbm>>
      %dma_start3A_132 = tpu.memref_squeeze %dma_start3A_131 : memref<1x32x40x125xi32, #tpu.memory_space<hbm>> -> memref<32x40x125xi32, #tpu.memory_space<hbm>>
      %dma_start3A_133 = arith.constant 0 : i32
      %dma_start3A_134 = arith.constant 0 : i32
      %dma_start3A_135 = tpu.memref_slice %dma_start3A_132[%add3A, %dma_start3A_133, %dma_start3A_134] : memref<32x40x125xi32, #tpu.memory_space<hbm>> -> memref<1x40x125xi32, #tpu.memory_space<hbm>>
      %dma_start3A_136 = tpu.memref_squeeze %dma_start3A_135 : memref<1x40x125xi32, #tpu.memory_space<hbm>> -> memref<40x125xi32, #tpu.memory_space<hbm>>
      tpu.enqueue_dma source(%dma_start3A_136 : memref<40x125xi32, #tpu.memory_space<hbm>>) target(%dma_start3A_127 : memref<40x125xi32, #tpu.memory_space<vmem>>) target_semaphore(%run_scoped3A_112 : memref<!tpu.dma_semaphore, #tpu.memory_space<semaphore_mem>>)
      %dma_wait3A_137 = arith.constant 0 : i32
      %dma_wait3A_138 = arith.constant 0 : i32
      %dma_wait3A_139 = tpu.memref_slice %arg7[%dma_wait3A_137, %dma_wait3A_138] : memref<80x125xi32, #tpu.memory_space<vmem>> -> memref<40x125xi32, #tpu.memory_space<vmem>>
      %dma_wait3A_140 = arith.constant 0 : i32
      %dma_wait3A_141 = arith.constant 0 : i32
      %dma_wait3A_142 = arith.constant 0 : i32
      %dma_wait3A_143 = tpu.memref_slice %arg3[%run_scoped3A, %dma_wait3A_140, %dma_wait3A_141, %dma_wait3A_142] : memref<2x32x40x125xi32, #tpu.memory_space<hbm>> -> memref<1x32x40x125xi32, #tpu.memory_space<hbm>>
      %dma_wait3A_144 = tpu.memref_squeeze %dma_wait3A_143 : memref<1x32x40x125xi32, #tpu.memory_space<hbm>> -> memref<32x40x125xi32, #tpu.memory_space<hbm>>
      %dma_wait3A_145 = arith.constant 0 : i32
      %dma_wait3A_146 = arith.constant 0 : i32
      %dma_wait3A_147 = tpu.memref_slice %dma_wait3A_144[%add3A, %dma_wait3A_145, %dma_wait3A_146] : memref<32x40x125xi32, #tpu.memory_space<hbm>> -> memref<1x40x125xi32, #tpu.memory_space<hbm>>
      %dma_wait3A_148 = tpu.memref_squeeze %dma_wait3A_147 : memref<1x40x125xi32, #tpu.memory_space<hbm>> -> memref<40x125xi32, #tpu.memory_space<hbm>>
      %dma_wait3A_149 = arith.constant 0 : i32
      %dma_wait3A_150 = arith.constant 0 : i32
      %dma_wait3A_151 = tpu.memref_slice %arg7[%dma_wait3A_149, %dma_wait3A_150] : memref<80x125xi32, #tpu.memory_space<vmem>> -> memref<40x125xi32, #tpu.memory_space<vmem>>
      %dma_wait3A_152 = arith.constant 0 : i32
      %dma_wait3A_153 = arith.constant 0 : i32
      %dma_wait3A_154 = arith.constant 0 : i32
      %dma_wait3A_155 = tpu.memref_slice %arg3[%run_scoped3A, %dma_wait3A_152, %dma_wait3A_153, %dma_wait3A_154] : memref<2x32x40x125xi32, #tpu.memory_space<hbm>> -> memref<1x32x40x125xi32, #tpu.memory_space<hbm>>
      %dma_wait3A_156 = tpu.memref_squeeze %dma_wait3A_155 : memref<1x32x40x125xi32, #tpu.memory_space<hbm>> -> memref<32x40x125xi32, #tpu.memory_space<hbm>>
      %dma_wait3A_157 = arith.constant 0 : i32
      %dma_wait3A_158 = arith.constant 0 : i32
      %dma_wait3A_159 = tpu.memref_slice %dma_wait3A_156[%add3A, %dma_wait3A_157, %dma_wait3A_158] : memref<32x40x125xi32, #tpu.memory_space<hbm>> -> memref<1x40x125xi32, #tpu.memory_space<hbm>>
      %dma_wait3A_160 = tpu.memref_squeeze %dma_wait3A_159 : memref<1x40x125xi32, #tpu.memory_space<hbm>> -> memref<40x125xi32, #tpu.memory_space<hbm>>
      tpu.wait_dma2 semaphore(%run_scoped3A_112 : memref<!tpu.dma_semaphore, #tpu.memory_space<semaphore_mem>>) src(%dma_wait3A_160 : memref<40x125xi32, #tpu.memory_space<hbm>>) dst(%dma_wait3A_151 : memref<40x125xi32, #tpu.memory_space<vmem>>)
      tpu.yield
    }) : () -> ()
    %run_scoped3A_1 = arith.constant 0 : i32
    "tpu.region"() ({
      %run_scoped3A_112 = tpu.sem_alloc : memref<!tpu.dma_semaphore, #tpu.memory_space<semaphore_mem>>
      %dma_start3A_113 = arith.constant 40 : i32
      %dma_start3A_114 = arith.constant 0 : i32
      %dma_start3A_115 = tpu.memref_slice %arg7[%dma_start3A_113, %dma_start3A_114] : memref<80x125xi32, #tpu.memory_space<vmem>> -> memref<40x125xi32, #tpu.memory_space<vmem>>
      %dma_start3A_116 = arith.constant 0 : i32
      %dma_start3A_117 = arith.constant 0 : i32
      %dma_start3A_118 = arith.constant 0 : i32
      %dma_start3A_119 = tpu.memref_slice %arg4[%run_scoped3A_1, %dma_start3A_116, %dma_start3A_117, %dma_start3A_118] : memref<2x32x40x125xi32, #tpu.memory_space<hbm>> -> memref<1x32x40x125xi32, #tpu.memory_space<hbm>>
      %dma_start3A_120 = tpu.memref_squeeze %dma_start3A_119 : memref<1x32x40x125xi32, #tpu.memory_space<hbm>> -> memref<32x40x125xi32, #tpu.memory_space<hbm>>
      %dma_start3A_121 = arith.constant 0 : i32
      %dma_start3A_122 = arith.constant 0 : i32
      %dma_start3A_123 = tpu.memref_slice %dma_start3A_120[%add3A, %dma_start3A_121, %dma_start3A_122] : memref<32x40x125xi32, #tpu.memory_space<hbm>> -> memref<1x40x125xi32, #tpu.memory_space<hbm>>
      %dma_start3A_124 = tpu.memref_squeeze %dma_start3A_123 : memref<1x40x125xi32, #tpu.memory_space<hbm>> -> memref<40x125xi32, #tpu.memory_space<hbm>>
      %dma_start3A_125 = arith.constant 40 : i32
      %dma_start3A_126 = arith.constant 0 : i32
      %dma_start3A_127 = tpu.memref_slice %arg7[%dma_start3A_125, %dma_start3A_126] : memref<80x125xi32, #tpu.memory_space<vmem>> -> memref<40x125xi32, #tpu.memory_space<vmem>>
      %dma_start3A_128 = arith.constant 0 : i32
      %dma_start3A_129 = arith.constant 0 : i32
      %dma_start3A_130 = arith.constant 0 : i32
      %dma_start3A_131 = tpu.memref_slice %arg4[%run_scoped3A_1, %dma_start3A_128, %dma_start3A_129, %dma_start3A_130] : memref<2x32x40x125xi32, #tpu.memory_space<hbm>> -> memref<1x32x40x125xi32, #tpu.memory_space<hbm>>
      %dma_start3A_132 = tpu.memref_squeeze %dma_start3A_131 : memref<1x32x40x125xi32, #tpu.memory_space<hbm>> -> memref<32x40x125xi32, #tpu.memory_space<hbm>>
      %dma_start3A_133 = arith.constant 0 : i32
      %dma_start3A_134 = arith.constant 0 : i32
      %dma_start3A_135 = tpu.memref_slice %dma_start3A_132[%add3A, %dma_start3A_133, %dma_start3A_134] : memref<32x40x125xi32, #tpu.memory_space<hbm>> -> memref<1x40x125xi32, #tpu.memory_space<hbm>>
      %dma_start3A_136 = tpu.memref_squeeze %dma_start3A_135 : memref<1x40x125xi32, #tpu.memory_space<hbm>> -> memref<40x125xi32, #tpu.memory_space<hbm>>
      tpu.enqueue_dma source(%dma_start3A_136 : memref<40x125xi32, #tpu.memory_space<hbm>>) target(%dma_start3A_127 : memref<40x125xi32, #tpu.memory_space<vmem>>) target_semaphore(%run_scoped3A_112 : memref<!tpu.dma_semaphore, #tpu.memory_space<semaphore_mem>>)
      %dma_wait3A_137 = arith.constant 40 : i32
      %dma_wait3A_138 = arith.constant 0 : i32
      %dma_wait3A_139 = tpu.memref_slice %arg7[%dma_wait3A_137, %dma_wait3A_138] : memref<80x125xi32, #tpu.memory_space<vmem>> -> memref<40x125xi32, #tpu.memory_space<vmem>>
      %dma_wait3A_140 = arith.constant 0 : i32
      %dma_wait3A_141 = arith.constant 0 : i32
      %dma_wait3A_142 = arith.constant 0 : i32
      %dma_wait3A_143 = tpu.memref_slice %arg4[%run_scoped3A_1, %dma_wait3A_140, %dma_wait3A_141, %dma_wait3A_142] : memref<2x32x40x125xi32, #tpu.memory_space<hbm>> -> memref<1x32x40x125xi32, #tpu.memory_space<hbm>>
      %dma_wait3A_144 = tpu.memref_squeeze %dma_wait3A_143 : memref<1x32x40x125xi32, #tpu.memory_space<hbm>> -> memref<32x40x125xi32, #tpu.memory_space<hbm>>
      %dma_wait3A_145 = arith.constant 0 : i32
      %dma_wait3A_146 = arith.constant 0 : i32
      %dma_wait3A_147 = tpu.memref_slice %dma_wait3A_144[%add3A, %dma_wait3A_145, %dma_wait3A_146] : memref<32x40x125xi32, #tpu.memory_space<hbm>> -> memref<1x40x125xi32, #tpu.memory_space<hbm>>
      %dma_wait3A_148 = tpu.memref_squeeze %dma_wait3A_147 : memref<1x40x125xi32, #tpu.memory_space<hbm>> -> memref<40x125xi32, #tpu.memory_space<hbm>>
      %dma_wait3A_149 = arith.constant 40 : i32
      %dma_wait3A_150 = arith.constant 0 : i32
      %dma_wait3A_151 = tpu.memref_slice %arg7[%dma_wait3A_149, %dma_wait3A_150] : memref<80x125xi32, #tpu.memory_space<vmem>> -> memref<40x125xi32, #tpu.memory_space<vmem>>
      %dma_wait3A_152 = arith.constant 0 : i32
      %dma_wait3A_153 = arith.constant 0 : i32
      %dma_wait3A_154 = arith.constant 0 : i32
      %dma_wait3A_155 = tpu.memref_slice %arg4[%run_scoped3A_1, %dma_wait3A_152, %dma_wait3A_153, %dma_wait3A_154] : memref<2x32x40x125xi32, #tpu.memory_space<hbm>> -> memref<1x32x40x125xi32, #tpu.memory_space<hbm>>
      %dma_wait3A_156 = tpu.memref_squeeze %dma_wait3A_155 : memref<1x32x40x125xi32, #tpu.memory_space<hbm>> -> memref<32x40x125xi32, #tpu.memory_space<hbm>>
      %dma_wait3A_157 = arith.constant 0 : i32
      %dma_wait3A_158 = arith.constant 0 : i32
      %dma_wait3A_159 = tpu.memref_slice %dma_wait3A_156[%add3A, %dma_wait3A_157, %dma_wait3A_158] : memref<32x40x125xi32, #tpu.memory_space<hbm>> -> memref<1x40x125xi32, #tpu.memory_space<hbm>>
      %dma_wait3A_160 = tpu.memref_squeeze %dma_wait3A_159 : memref<1x40x125xi32, #tpu.memory_space<hbm>> -> memref<40x125xi32, #tpu.memory_space<hbm>>
      tpu.wait_dma2 semaphore(%run_scoped3A_112 : memref<!tpu.dma_semaphore, #tpu.memory_space<semaphore_mem>>) src(%dma_wait3A_160 : memref<40x125xi32, #tpu.memory_space<hbm>>) dst(%dma_wait3A_151 : memref<40x125xi32, #tpu.memory_space<vmem>>)
      tpu.yield
    }) : () -> ()
    %dma_start3A = arith.constant 0 : i32
    %dma_start3A_2 = arith.constant 0 : i32
    %dma_start3A_3 = arith.constant 0 : i32
    %dma_start3A_4 = arith.constant 0 : i32
    %dma_start3A_5 = arith.constant 0 : i32
    %dma_start3A_6 = tpu.memref_slice %arg8[%dma_start3A_2, %dma_start3A_4, %dma_start3A_5] : memref<2x125x128xf32, #tpu.memory_space<vmem>> -> memref<1x125x128xf32, #tpu.memory_space<vmem>>
    %dma_start3A_7 = tpu.memref_squeeze %dma_start3A_6 : memref<1x125x128xf32, #tpu.memory_space<vmem>> -> memref<125x128xf32, #tpu.memory_space<vmem>>
    %dma_start3A_8 = arith.constant 0 : i32
    %dma_start3A_9 = tpu.memref_slice %arg7[%dma_start3A, %dma_start3A_8] : memref<80x125xi32, #tpu.memory_space<vmem>> -> memref<1x125xi32, #tpu.memory_space<vmem>>
    %dma_start3A_10 = tpu.memref_squeeze %dma_start3A_9 : memref<1x125xi32, #tpu.memory_space<vmem>> -> memref<125xi32, #tpu.memory_space<vmem>>
    %dma_start3A_11 = arith.constant 0 : i32
    %dma_start3A_12 = arith.constant 0 : i32
    %dma_start3A_13 = tpu.memref_slice %arg2[%dma_start3A_11, %dma_start3A_12] : memref<10000x128xf32, #tpu.memory_space<hbm>> -> memref<10000x128xf32, #tpu.memory_space<hbm>>
    %dma_start3A_14 = tpu.memref_slice %arg10[%dma_start3A_3] : memref<2x!tpu.dma_semaphore, #tpu.memory_space<semaphore_mem>> -> memref<1x!tpu.dma_semaphore, #tpu.memory_space<semaphore_mem>>
    %dma_start3A_15 = tpu.memref_squeeze %dma_start3A_14 : memref<1x!tpu.dma_semaphore, #tpu.memory_space<semaphore_mem>> -> memref<!tpu.dma_semaphore, #tpu.memory_space<semaphore_mem>>
    tpu.enqueue_indirect_dma source(%dma_start3A_13 : memref<10000x128xf32, #tpu.memory_space<hbm>>) target(%dma_start3A_7 : memref<125x128xf32, #tpu.memory_space<vmem>>) offsets(%dma_start3A_10 : memref<125xi32, #tpu.memory_space<vmem>>) semaphore(%dma_start3A_15 : memref<!tpu.dma_semaphore, #tpu.memory_space<semaphore_mem>>)
    %mul3A_16 = arith.constant 625 : i32
    %mul3A_17 = arith.muli %arg1, %mul3A_16 : i32
    "tpu.region"() ({
      %run_scoped3A_112 = tpu.sem_alloc : memref<!tpu.dma_semaphore, #tpu.memory_space<semaphore_mem>>
      %dma_start3A_113 = arith.constant 0 : i32
      %dma_start3A_114 = tpu.memref_slice %arg9[%mul3A_17, %dma_start3A_113] : memref<10000x128xf32, #tpu.memory_space<vmem_shared>> -> memref<625x128xf32, #tpu.memory_space<vmem_shared>>
      tpu.enqueue_dma source(%arg5 : memref<625x128xf32, #tpu.memory_space<hbm>>) target(%dma_start3A_114 : memref<625x128xf32, #tpu.memory_space<vmem_shared>>) target_semaphore(%run_scoped3A_112 : memref<!tpu.dma_semaphore, #tpu.memory_space<semaphore_mem>>)
      %dma_wait3A_115 = arith.constant 0 : i32
      %dma_wait3A_116 = tpu.memref_slice %arg9[%mul3A_17, %dma_wait3A_115] : memref<10000x128xf32, #tpu.memory_space<vmem_shared>> -> memref<625x128xf32, #tpu.memory_space<vmem_shared>>
      tpu.wait_dma2 semaphore(%run_scoped3A_112 : memref<!tpu.dma_semaphore, #tpu.memory_space<semaphore_mem>>) src(%arg5 : memref<625x128xf32, #tpu.memory_space<hbm>>) dst(%dma_wait3A_116 : memref<625x128xf32, #tpu.memory_space<vmem_shared>>)
      tpu.yield
    }) : () -> ()
    %barrier3A = arith.constant 0 : index
    tpu.barrier barrier_id(%barrier3A)
    %scan3A = arith.constant 0 : i32
    %scan3A_18 = arith.constant 0 : i32
    %scan3A_19 = arith.constant 40 : i32
    %scan3A_20 = arith.addi %scan3A_18, %scan3A_19 : i32
    %scan3A_21 = arith.constant 1 : i32
    scf.for %scan3A_112 = %scan3A_18 to %scan3A_20 step %scan3A_21  : i32 {
      %add3A_113 = arith.constant 1 : i32
      %add3A_114 = arith.addi %scan3A_112, %add3A_113 : i32
      %rem3A = arith.constant 2 : i32
      %rem3A_115 = arith.remsi %scan3A_112, %rem3A : i32
      %lt3A_116 = arith.constant 40 : i32
      %lt3A_117 = arith.cmpi slt, %add3A_114, %lt3A_116 : i32
      %convert_element_type3A_118 = arith.extui %lt3A_117 : i1 to i32
      %cond3A_119 = arith.constant 0 : i32
      %cond3A_120 = arith.cmpi ne, %convert_element_type3A_118, %cond3A_119 : i32
      scf.if %cond3A_120 {
        %rem3A_147 = arith.constant 2 : i32
        %rem3A_148 = arith.remsi %add3A_114, %rem3A_147 : i32
        %ge3A = arith.constant 2 : i32
        %ge3A_149 = arith.cmpi sge, %add3A_114, %ge3A : i32
        %convert_element_type3A_150 = arith.extui %ge3A_149 : i1 to i32
        %cond3A_151 = arith.constant 0 : i32
        %cond3A_152 = arith.cmpi ne, %convert_element_type3A_150, %cond3A_151 : i32
        scf.if %cond3A_152 {
          %add3A_165 = arith.constant 40 : i32
          %add3A_166 = arith.addi %add3A_165, %add3A_114 : i32
          %sub3A = arith.constant 2 : i32
          %sub3A_167 = arith.subi %add3A_166, %sub3A : i32
          %dma_wait3A_168 = arith.constant 0 : i32
          %dma_wait3A_169 = arith.constant 0 : i32
          %dma_wait3A_170 = tpu.memref_slice %arg8[%rem3A_148, %dma_wait3A_168, %dma_wait3A_169] : memref<2x125x128xf32, #tpu.memory_space<vmem>> -> memref<1x125x128xf32, #tpu.memory_space<vmem>>
          %dma_wait3A_171 = tpu.memref_squeeze %dma_wait3A_170 : memref<1x125x128xf32, #tpu.memory_space<vmem>> -> memref<125x128xf32, #tpu.memory_space<vmem>>
          %dma_wait3A_172 = arith.constant 0 : i32
          %dma_wait3A_173 = tpu.memref_slice %arg7[%sub3A_167, %dma_wait3A_172] : memref<80x125xi32, #tpu.memory_space<vmem>> -> memref<1x125xi32, #tpu.memory_space<vmem>>
          %dma_wait3A_174 = tpu.memref_squeeze %dma_wait3A_173 : memref<1x125xi32, #tpu.memory_space<vmem>> -> memref<125xi32, #tpu.memory_space<vmem>>
          %dma_wait3A_175 = arith.constant 0 : i32
          %dma_wait3A_176 = arith.constant 0 : i32
          %dma_wait3A_177 = tpu.memref_slice %arg9[%dma_wait3A_175, %dma_wait3A_176] : memref<10000x128xf32, #tpu.memory_space<vmem_shared>> -> memref<10000x128xf32, #tpu.memory_space<vmem_shared>>
          %dma_wait3A_178 = tpu.memref_slice %arg11[%rem3A_148] : memref<2x!tpu.dma_semaphore, #tpu.memory_space<semaphore_mem>> -> memref<1x!tpu.dma_semaphore, #tpu.memory_space<semaphore_mem>>
          %dma_wait3A_179 = tpu.memref_squeeze %dma_wait3A_178 : memref<1x!tpu.dma_semaphore, #tpu.memory_space<semaphore_mem>> -> memref<!tpu.dma_semaphore, #tpu.memory_space<semaphore_mem>>
          tpu.wait_indirect_dma semaphore(%dma_wait3A_179 : memref<!tpu.dma_semaphore, #tpu.memory_space<semaphore_mem>>) src(%dma_wait3A_171 : memref<125x128xf32, #tpu.memory_space<vmem>>) dst(%dma_wait3A_177 : memref<10000x128xf32, #tpu.memory_space<vmem_shared>>)
        } else {
        }
        %dma_start3A_153 = arith.constant 0 : i32
        %dma_start3A_154 = arith.constant 0 : i32
        %dma_start3A_155 = tpu.memref_slice %arg8[%rem3A_148, %dma_start3A_153, %dma_start3A_154] : memref<2x125x128xf32, #tpu.memory_space<vmem>> -> memref<1x125x128xf32, #tpu.memory_space<vmem>>
        %dma_start3A_156 = tpu.memref_squeeze %dma_start3A_155 : memref<1x125x128xf32, #tpu.memory_space<vmem>> -> memref<125x128xf32, #tpu.memory_space<vmem>>
        %dma_start3A_157 = arith.constant 0 : i32
        %dma_start3A_158 = tpu.memref_slice %arg7[%add3A_114, %dma_start3A_157] : memref<80x125xi32, #tpu.memory_space<vmem>> -> memref<1x125xi32, #tpu.memory_space<vmem>>
        %dma_start3A_159 = tpu.memref_squeeze %dma_start3A_158 : memref<1x125xi32, #tpu.memory_space<vmem>> -> memref<125xi32, #tpu.memory_space<vmem>>
        %dma_start3A_160 = arith.constant 0 : i32
        %dma_start3A_161 = arith.constant 0 : i32
        %dma_start3A_162 = tpu.memref_slice %arg2[%dma_start3A_160, %dma_start3A_161] : memref<10000x128xf32, #tpu.memory_space<hbm>> -> memref<10000x128xf32, #tpu.memory_space<hbm>>
        %dma_start3A_163 = tpu.memref_slice %arg10[%rem3A_148] : memref<2x!tpu.dma_semaphore, #tpu.memory_space<semaphore_mem>> -> memref<1x!tpu.dma_semaphore, #tpu.memory_space<semaphore_mem>>
        %dma_start3A_164 = tpu.memref_squeeze %dma_start3A_163 : memref<1x!tpu.dma_semaphore, #tpu.memory_space<semaphore_mem>> -> memref<!tpu.dma_semaphore, #tpu.memory_space<semaphore_mem>>
        tpu.enqueue_indirect_dma source(%dma_start3A_162 : memref<10000x128xf32, #tpu.memory_space<hbm>>) target(%dma_start3A_156 : memref<125x128xf32, #tpu.memory_space<vmem>>) offsets(%dma_start3A_159 : memref<125xi32, #tpu.memory_space<vmem>>) semaphore(%dma_start3A_164 : memref<!tpu.dma_semaphore, #tpu.memory_space<semaphore_mem>>)
      } else {
      }
      %dma_wait3A_121 = arith.constant 0 : i32
      %dma_wait3A_122 = arith.constant 0 : i32
      %dma_wait3A_123 = tpu.memref_slice %arg8[%rem3A_115, %dma_wait3A_121, %dma_wait3A_122] : memref<2x125x128xf32, #tpu.memory_space<vmem>> -> memref<1x125x128xf32, #tpu.memory_space<vmem>>
      %dma_wait3A_124 = tpu.memref_squeeze %dma_wait3A_123 : memref<1x125x128xf32, #tpu.memory_space<vmem>> -> memref<125x128xf32, #tpu.memory_space<vmem>>
      %dma_wait3A_125 = arith.constant 0 : i32
      %dma_wait3A_126 = tpu.memref_slice %arg7[%scan3A_112, %dma_wait3A_125] : memref<80x125xi32, #tpu.memory_space<vmem>> -> memref<1x125xi32, #tpu.memory_space<vmem>>
      %dma_wait3A_127 = tpu.memref_squeeze %dma_wait3A_126 : memref<1x125xi32, #tpu.memory_space<vmem>> -> memref<125xi32, #tpu.memory_space<vmem>>
      %dma_wait3A_128 = arith.constant 0 : i32
      %dma_wait3A_129 = arith.constant 0 : i32
      %dma_wait3A_130 = tpu.memref_slice %arg2[%dma_wait3A_128, %dma_wait3A_129] : memref<10000x128xf32, #tpu.memory_space<hbm>> -> memref<10000x128xf32, #tpu.memory_space<hbm>>
      %dma_wait3A_131 = tpu.memref_slice %arg10[%rem3A_115] : memref<2x!tpu.dma_semaphore, #tpu.memory_space<semaphore_mem>> -> memref<1x!tpu.dma_semaphore, #tpu.memory_space<semaphore_mem>>
      %dma_wait3A_132 = tpu.memref_squeeze %dma_wait3A_131 : memref<1x!tpu.dma_semaphore, #tpu.memory_space<semaphore_mem>> -> memref<!tpu.dma_semaphore, #tpu.memory_space<semaphore_mem>>
      tpu.wait_indirect_dma semaphore(%dma_wait3A_132 : memref<!tpu.dma_semaphore, #tpu.memory_space<semaphore_mem>>) src(%dma_wait3A_130 : memref<10000x128xf32, #tpu.memory_space<hbm>>) dst(%dma_wait3A_124 : memref<125x128xf32, #tpu.memory_space<vmem>>)
      %add3A_133 = arith.constant 40 : i32
      %add3A_134 = arith.addi %add3A_133, %scan3A_112 : i32
      %dma_start3A_135 = arith.constant 0 : i32
      %dma_start3A_136 = arith.constant 0 : i32
      %dma_start3A_137 = tpu.memref_slice %arg8[%rem3A_115, %dma_start3A_135, %dma_start3A_136] : memref<2x125x128xf32, #tpu.memory_space<vmem>> -> memref<1x125x128xf32, #tpu.memory_space<vmem>>
      %dma_start3A_138 = tpu.memref_squeeze %dma_start3A_137 : memref<1x125x128xf32, #tpu.memory_space<vmem>> -> memref<125x128xf32, #tpu.memory_space<vmem>>
      %dma_start3A_139 = arith.constant 0 : i32
      %dma_start3A_140 = tpu.memref_slice %arg7[%add3A_134, %dma_start3A_139] : memref<80x125xi32, #tpu.memory_space<vmem>> -> memref<1x125xi32, #tpu.memory_space<vmem>>
      %dma_start3A_141 = tpu.memref_squeeze %dma_start3A_140 : memref<1x125xi32, #tpu.memory_space<vmem>> -> memref<125xi32, #tpu.memory_space<vmem>>
      %dma_start3A_142 = arith.constant 0 : i32
      %dma_start3A_143 = arith.constant 0 : i32
      %dma_start3A_144 = tpu.memref_slice %arg9[%dma_start3A_142, %dma_start3A_143] : memref<10000x128xf32, #tpu.memory_space<vmem_shared>> -> memref<10000x128xf32, #tpu.memory_space<vmem_shared>>
      %dma_start3A_145 = tpu.memref_slice %arg11[%rem3A_115] : memref<2x!tpu.dma_semaphore, #tpu.memory_space<semaphore_mem>> -> memref<1x!tpu.dma_semaphore, #tpu.memory_space<semaphore_mem>>
      %dma_start3A_146 = tpu.memref_squeeze %dma_start3A_145 : memref<1x!tpu.dma_semaphore, #tpu.memory_space<semaphore_mem>> -> memref<!tpu.dma_semaphore, #tpu.memory_space<semaphore_mem>>
      tpu.enqueue_indirect_dma source(%dma_start3A_138 : memref<125x128xf32, #tpu.memory_space<vmem>>) target(%dma_start3A_144 : memref<10000x128xf32, #tpu.memory_space<vmem_shared>>) offsets(%dma_start3A_141 : memref<125xi32, #tpu.memory_space<vmem>>) semaphore(%dma_start3A_146 : memref<!tpu.dma_semaphore, #tpu.memory_space<semaphore_mem>>) {add = true}
    }
    %scan3A_22 = arith.constant 40 : i32
    %dma_wait3A = arith.constant 0 : i32
    %dma_wait3A_23 = arith.constant 78 : i32
    %dma_wait3A_24 = arith.constant 0 : i32
    %dma_wait3A_25 = arith.constant 0 : i32
    %dma_wait3A_26 = arith.constant 0 : i32
    %dma_wait3A_27 = tpu.memref_slice %arg8[%dma_wait3A, %dma_wait3A_25, %dma_wait3A_26] : memref<2x125x128xf32, #tpu.memory_space<vmem>> -> memref<1x125x128xf32, #tpu.memory_space<vmem>>
    %dma_wait3A_28 = tpu.memref_squeeze %dma_wait3A_27 : memref<1x125x128xf32, #tpu.memory_space<vmem>> -> memref<125x128xf32, #tpu.memory_space<vmem>>
    %dma_wait3A_29 = arith.constant 0 : i32
    %dma_wait3A_30 = tpu.memref_slice %arg7[%dma_wait3A_23, %dma_wait3A_29] : memref<80x125xi32, #tpu.memory_space<vmem>> -> memref<1x125xi32, #tpu.memory_space<vmem>>
    %dma_wait3A_31 = tpu.memref_squeeze %dma_wait3A_30 : memref<1x125xi32, #tpu.memory_space<vmem>> -> memref<125xi32, #tpu.memory_space<vmem>>
    %dma_wait3A_32 = arith.constant 0 : i32
    %dma_wait3A_33 = arith.constant 0 : i32
    %dma_wait3A_34 = tpu.memref_slice %arg9[%dma_wait3A_32, %dma_wait3A_33] : memref<10000x128xf32, #tpu.memory_space<vmem_shared>> -> memref<10000x128xf32, #tpu.memory_space<vmem_shared>>
    %dma_wait3A_35 = tpu.memref_slice %arg11[%dma_wait3A_24] : memref<2x!tpu.dma_semaphore, #tpu.memory_space<semaphore_mem>> -> memref<1x!tpu.dma_semaphore, #tpu.memory_space<semaphore_mem>>
    %dma_wait3A_36 = tpu.memref_squeeze %dma_wait3A_35 : memref<1x!tpu.dma_semaphore, #tpu.memory_space<semaphore_mem>> -> memref<!tpu.dma_semaphore, #tpu.memory_space<semaphore_mem>>
    tpu.wait_indirect_dma semaphore(%dma_wait3A_36 : memref<!tpu.dma_semaphore, #tpu.memory_space<semaphore_mem>>) src(%dma_wait3A_28 : memref<125x128xf32, #tpu.memory_space<vmem>>) dst(%dma_wait3A_34 : memref<10000x128xf32, #tpu.memory_space<vmem_shared>>)
    %dma_wait3A_37 = arith.constant 1 : i32
    %dma_wait3A_38 = arith.constant 79 : i32
    %dma_wait3A_39 = arith.constant 1 : i32
    %dma_wait3A_40 = arith.constant 0 : i32
    %dma_wait3A_41 = arith.constant 0 : i32
    %dma_wait3A_42 = tpu.memref_slice %arg8[%dma_wait3A_37, %dma_wait3A_40, %dma_wait3A_41] : memref<2x125x128xf32, #tpu.memory_space<vmem>> -> memref<1x125x128xf32, #tpu.memory_space<vmem>>
    %dma_wait3A_43 = tpu.memref_squeeze %dma_wait3A_42 : memref<1x125x128xf32, #tpu.memory_space<vmem>> -> memref<125x128xf32, #tpu.memory_space<vmem>>
    %dma_wait3A_44 = arith.constant 0 : i32
    %dma_wait3A_45 = tpu.memref_slice %arg7[%dma_wait3A_38, %dma_wait3A_44] : memref<80x125xi32, #tpu.memory_space<vmem>> -> memref<1x125xi32, #tpu.memory_space<vmem>>
    %dma_wait3A_46 = tpu.memref_squeeze %dma_wait3A_45 : memref<1x125xi32, #tpu.memory_space<vmem>> -> memref<125xi32, #tpu.memory_space<vmem>>
    %dma_wait3A_47 = arith.constant 0 : i32
    %dma_wait3A_48 = arith.constant 0 : i32
    %dma_wait3A_49 = tpu.memref_slice %arg9[%dma_wait3A_47, %dma_wait3A_48] : memref<10000x128xf32, #tpu.memory_space<vmem_shared>> -> memref<10000x128xf32, #tpu.memory_space<vmem_shared>>
    %dma_wait3A_50 = tpu.memref_slice %arg11[%dma_wait3A_39] : memref<2x!tpu.dma_semaphore, #tpu.memory_space<semaphore_mem>> -> memref<1x!tpu.dma_semaphore, #tpu.memory_space<semaphore_mem>>
    %dma_wait3A_51 = tpu.memref_squeeze %dma_wait3A_50 : memref<1x!tpu.dma_semaphore, #tpu.memory_space<semaphore_mem>> -> memref<!tpu.dma_semaphore, #tpu.memory_space<semaphore_mem>>
    tpu.wait_indirect_dma semaphore(%dma_wait3A_51 : memref<!tpu.dma_semaphore, #tpu.memory_space<semaphore_mem>>) src(%dma_wait3A_43 : memref<125x128xf32, #tpu.memory_space<vmem>>) dst(%dma_wait3A_49 : memref<10000x128xf32, #tpu.memory_space<vmem_shared>>)
    %run_scoped3A_52 = arith.constant 1 : i32
    "tpu.region"() ({
      %run_scoped3A_112 = tpu.sem_alloc : memref<!tpu.dma_semaphore, #tpu.memory_space<semaphore_mem>>
      %dma_start3A_113 = arith.constant 0 : i32
      %dma_start3A_114 = arith.constant 0 : i32
      %dma_start3A_115 = tpu.memref_slice %arg7[%dma_start3A_113, %dma_start3A_114] : memref<80x125xi32, #tpu.memory_space<vmem>> -> memref<40x125xi32, #tpu.memory_space<vmem>>
      %dma_start3A_116 = arith.constant 0 : i32
      %dma_start3A_117 = arith.constant 0 : i32
      %dma_start3A_118 = arith.constant 0 : i32
      %dma_start3A_119 = tpu.memref_slice %arg3[%run_scoped3A_52, %dma_start3A_116, %dma_start3A_117, %dma_start3A_118] : memref<2x32x40x125xi32, #tpu.memory_space<hbm>> -> memref<1x32x40x125xi32, #tpu.memory_space<hbm>>
      %dma_start3A_120 = tpu.memref_squeeze %dma_start3A_119 : memref<1x32x40x125xi32, #tpu.memory_space<hbm>> -> memref<32x40x125xi32, #tpu.memory_space<hbm>>
      %dma_start3A_121 = arith.constant 0 : i32
      %dma_start3A_122 = arith.constant 0 : i32
      %dma_start3A_123 = tpu.memref_slice %dma_start3A_120[%add3A, %dma_start3A_121, %dma_start3A_122] : memref<32x40x125xi32, #tpu.memory_space<hbm>> -> memref<1x40x125xi32, #tpu.memory_space<hbm>>
      %dma_start3A_124 = tpu.memref_squeeze %dma_start3A_123 : memref<1x40x125xi32, #tpu.memory_space<hbm>> -> memref<40x125xi32, #tpu.memory_space<hbm>>
      %dma_start3A_125 = arith.constant 0 : i32
      %dma_start3A_126 = arith.constant 0 : i32
      %dma_start3A_127 = tpu.memref_slice %arg7[%dma_start3A_125, %dma_start3A_126] : memref<80x125xi32, #tpu.memory_space<vmem>> -> memref<40x125xi32, #tpu.memory_space<vmem>>
      %dma_start3A_128 = arith.constant 0 : i32
      %dma_start3A_129 = arith.constant 0 : i32
      %dma_start3A_130 = arith.constant 0 : i32
      %dma_start3A_131 = tpu.memref_slice %arg3[%run_scoped3A_52, %dma_start3A_128, %dma_start3A_129, %dma_start3A_130] : memref<2x32x40x125xi32, #tpu.memory_space<hbm>> -> memref<1x32x40x125xi32, #tpu.memory_space<hbm>>
      %dma_start3A_132 = tpu.memref_squeeze %dma_start3A_131 : memref<1x32x40x125xi32, #tpu.memory_space<hbm>> -> memref<32x40x125xi32, #tpu.memory_space<hbm>>
      %dma_start3A_133 = arith.constant 0 : i32
      %dma_start3A_134 = arith.constant 0 : i32
      %dma_start3A_135 = tpu.memref_slice %dma_start3A_132[%add3A, %dma_start3A_133, %dma_start3A_134] : memref<32x40x125xi32, #tpu.memory_space<hbm>> -> memref<1x40x125xi32, #tpu.memory_space<hbm>>
      %dma_start3A_136 = tpu.memref_squeeze %dma_start3A_135 : memref<1x40x125xi32, #tpu.memory_space<hbm>> -> memref<40x125xi32, #tpu.memory_space<hbm>>
      tpu.enqueue_dma source(%dma_start3A_136 : memref<40x125xi32, #tpu.memory_space<hbm>>) target(%dma_start3A_127 : memref<40x125xi32, #tpu.memory_space<vmem>>) target_semaphore(%run_scoped3A_112 : memref<!tpu.dma_semaphore, #tpu.memory_space<semaphore_mem>>)
      %dma_wait3A_137 = arith.constant 0 : i32
      %dma_wait3A_138 = arith.constant 0 : i32
      %dma_wait3A_139 = tpu.memref_slice %arg7[%dma_wait3A_137, %dma_wait3A_138] : memref<80x125xi32, #tpu.memory_space<vmem>> -> memref<40x125xi32, #tpu.memory_space<vmem>>
      %dma_wait3A_140 = arith.constant 0 : i32
      %dma_wait3A_141 = arith.constant 0 : i32
      %dma_wait3A_142 = arith.constant 0 : i32
      %dma_wait3A_143 = tpu.memref_slice %arg3[%run_scoped3A_52, %dma_wait3A_140, %dma_wait3A_141, %dma_wait3A_142] : memref<2x32x40x125xi32, #tpu.memory_space<hbm>> -> memref<1x32x40x125xi32, #tpu.memory_space<hbm>>
      %dma_wait3A_144 = tpu.memref_squeeze %dma_wait3A_143 : memref<1x32x40x125xi32, #tpu.memory_space<hbm>> -> memref<32x40x125xi32, #tpu.memory_space<hbm>>
      %dma_wait3A_145 = arith.constant 0 : i32
      %dma_wait3A_146 = arith.constant 0 : i32
      %dma_wait3A_147 = tpu.memref_slice %dma_wait3A_144[%add3A, %dma_wait3A_145, %dma_wait3A_146] : memref<32x40x125xi32, #tpu.memory_space<hbm>> -> memref<1x40x125xi32, #tpu.memory_space<hbm>>
      %dma_wait3A_148 = tpu.memref_squeeze %dma_wait3A_147 : memref<1x40x125xi32, #tpu.memory_space<hbm>> -> memref<40x125xi32, #tpu.memory_space<hbm>>
      %dma_wait3A_149 = arith.constant 0 : i32
      %dma_wait3A_150 = arith.constant 0 : i32
      %dma_wait3A_151 = tpu.memref_slice %arg7[%dma_wait3A_149, %dma_wait3A_150] : memref<80x125xi32, #tpu.memory_space<vmem>> -> memref<40x125xi32, #tpu.memory_space<vmem>>
      %dma_wait3A_152 = arith.constant 0 : i32
      %dma_wait3A_153 = arith.constant 0 : i32
      %dma_wait3A_154 = arith.constant 0 : i32
      %dma_wait3A_155 = tpu.memref_slice %arg3[%run_scoped3A_52, %dma_wait3A_152, %dma_wait3A_153, %dma_wait3A_154] : memref<2x32x40x125xi32, #tpu.memory_space<hbm>> -> memref<1x32x40x125xi32, #tpu.memory_space<hbm>>
      %dma_wait3A_156 = tpu.memref_squeeze %dma_wait3A_155 : memref<1x32x40x125xi32, #tpu.memory_space<hbm>> -> memref<32x40x125xi32, #tpu.memory_space<hbm>>
      %dma_wait3A_157 = arith.constant 0 : i32
      %dma_wait3A_158 = arith.constant 0 : i32
      %dma_wait3A_159 = tpu.memref_slice %dma_wait3A_156[%add3A, %dma_wait3A_157, %dma_wait3A_158] : memref<32x40x125xi32, #tpu.memory_space<hbm>> -> memref<1x40x125xi32, #tpu.memory_space<hbm>>
      %dma_wait3A_160 = tpu.memref_squeeze %dma_wait3A_159 : memref<1x40x125xi32, #tpu.memory_space<hbm>> -> memref<40x125xi32, #tpu.memory_space<hbm>>
      tpu.wait_dma2 semaphore(%run_scoped3A_112 : memref<!tpu.dma_semaphore, #tpu.memory_space<semaphore_mem>>) src(%dma_wait3A_160 : memref<40x125xi32, #tpu.memory_space<hbm>>) dst(%dma_wait3A_151 : memref<40x125xi32, #tpu.memory_space<vmem>>)
      tpu.yield
    }) : () -> ()
    %run_scoped3A_53 = arith.constant 1 : i32
    "tpu.region"() ({
      %run_scoped3A_112 = tpu.sem_alloc : memref<!tpu.dma_semaphore, #tpu.memory_space<semaphore_mem>>
      %dma_start3A_113 = arith.constant 40 : i32
      %dma_start3A_114 = arith.constant 0 : i32
      %dma_start3A_115 = tpu.memref_slice %arg7[%dma_start3A_113, %dma_start3A_114] : memref<80x125xi32, #tpu.memory_space<vmem>> -> memref<40x125xi32, #tpu.memory_space<vmem>>
      %dma_start3A_116 = arith.constant 0 : i32
      %dma_start3A_117 = arith.constant 0 : i32
      %dma_start3A_118 = arith.constant 0 : i32
      %dma_start3A_119 = tpu.memref_slice %arg4[%run_scoped3A_53, %dma_start3A_116, %dma_start3A_117, %dma_start3A_118] : memref<2x32x40x125xi32, #tpu.memory_space<hbm>> -> memref<1x32x40x125xi32, #tpu.memory_space<hbm>>
      %dma_start3A_120 = tpu.memref_squeeze %dma_start3A_119 : memref<1x32x40x125xi32, #tpu.memory_space<hbm>> -> memref<32x40x125xi32, #tpu.memory_space<hbm>>
      %dma_start3A_121 = arith.constant 0 : i32
      %dma_start3A_122 = arith.constant 0 : i32
      %dma_start3A_123 = tpu.memref_slice %dma_start3A_120[%add3A, %dma_start3A_121, %dma_start3A_122] : memref<32x40x125xi32, #tpu.memory_space<hbm>> -> memref<1x40x125xi32, #tpu.memory_space<hbm>>
      %dma_start3A_124 = tpu.memref_squeeze %dma_start3A_123 : memref<1x40x125xi32, #tpu.memory_space<hbm>> -> memref<40x125xi32, #tpu.memory_space<hbm>>
      %dma_start3A_125 = arith.constant 40 : i32
      %dma_start3A_126 = arith.constant 0 : i32
      %dma_start3A_127 = tpu.memref_slice %arg7[%dma_start3A_125, %dma_start3A_126] : memref<80x125xi32, #tpu.memory_space<vmem>> -> memref<40x125xi32, #tpu.memory_space<vmem>>
      %dma_start3A_128 = arith.constant 0 : i32
      %dma_start3A_129 = arith.constant 0 : i32
      %dma_start3A_130 = arith.constant 0 : i32
      %dma_start3A_131 = tpu.memref_slice %arg4[%run_scoped3A_53, %dma_start3A_128, %dma_start3A_129, %dma_start3A_130] : memref<2x32x40x125xi32, #tpu.memory_space<hbm>> -> memref<1x32x40x125xi32, #tpu.memory_space<hbm>>
      %dma_start3A_132 = tpu.memref_squeeze %dma_start3A_131 : memref<1x32x40x125xi32, #tpu.memory_space<hbm>> -> memref<32x40x125xi32, #tpu.memory_space<hbm>>
      %dma_start3A_133 = arith.constant 0 : i32
      %dma_start3A_134 = arith.constant 0 : i32
      %dma_start3A_135 = tpu.memref_slice %dma_start3A_132[%add3A, %dma_start3A_133, %dma_start3A_134] : memref<32x40x125xi32, #tpu.memory_space<hbm>> -> memref<1x40x125xi32, #tpu.memory_space<hbm>>
      %dma_start3A_136 = tpu.memref_squeeze %dma_start3A_135 : memref<1x40x125xi32, #tpu.memory_space<hbm>> -> memref<40x125xi32, #tpu.memory_space<hbm>>
      tpu.enqueue_dma source(%dma_start3A_136 : memref<40x125xi32, #tpu.memory_space<hbm>>) target(%dma_start3A_127 : memref<40x125xi32, #tpu.memory_space<vmem>>) target_semaphore(%run_scoped3A_112 : memref<!tpu.dma_semaphore, #tpu.memory_space<semaphore_mem>>)
      %dma_wait3A_137 = arith.constant 40 : i32
      %dma_wait3A_138 = arith.constant 0 : i32
      %dma_wait3A_139 = tpu.memref_slice %arg7[%dma_wait3A_137, %dma_wait3A_138] : memref<80x125xi32, #tpu.memory_space<vmem>> -> memref<40x125xi32, #tpu.memory_space<vmem>>
      %dma_wait3A_140 = arith.constant 0 : i32
      %dma_wait3A_141 = arith.constant 0 : i32
      %dma_wait3A_142 = arith.constant 0 : i32
      %dma_wait3A_143 = tpu.memref_slice %arg4[%run_scoped3A_53, %dma_wait3A_140, %dma_wait3A_141, %dma_wait3A_142] : memref<2x32x40x125xi32, #tpu.memory_space<hbm>> -> memref<1x32x40x125xi32, #tpu.memory_space<hbm>>
      %dma_wait3A_144 = tpu.memref_squeeze %dma_wait3A_143 : memref<1x32x40x125xi32, #tpu.memory_space<hbm>> -> memref<32x40x125xi32, #tpu.memory_space<hbm>>
      %dma_wait3A_145 = arith.constant 0 : i32
      %dma_wait3A_146 = arith.constant 0 : i32
      %dma_wait3A_147 = tpu.memref_slice %dma_wait3A_144[%add3A, %dma_wait3A_145, %dma_wait3A_146] : memref<32x40x125xi32, #tpu.memory_space<hbm>> -> memref<1x40x125xi32, #tpu.memory_space<hbm>>
      %dma_wait3A_148 = tpu.memref_squeeze %dma_wait3A_147 : memref<1x40x125xi32, #tpu.memory_space<hbm>> -> memref<40x125xi32, #tpu.memory_space<hbm>>
      %dma_wait3A_149 = arith.constant 40 : i32
      %dma_wait3A_150 = arith.constant 0 : i32
      %dma_wait3A_151 = tpu.memref_slice %arg7[%dma_wait3A_149, %dma_wait3A_150] : memref<80x125xi32, #tpu.memory_space<vmem>> -> memref<40x125xi32, #tpu.memory_space<vmem>>
      %dma_wait3A_152 = arith.constant 0 : i32
      %dma_wait3A_153 = arith.constant 0 : i32
      %dma_wait3A_154 = arith.constant 0 : i32
      %dma_wait3A_155 = tpu.memref_slice %arg4[%run_scoped3A_53, %dma_wait3A_152, %dma_wait3A_153, %dma_wait3A_154] : memref<2x32x40x125xi32, #tpu.memory_space<hbm>> -> memref<1x32x40x125xi32, #tpu.memory_space<hbm>>
      %dma_wait3A_156 = tpu.memref_squeeze %dma_wait3A_155 : memref<1x32x40x125xi32, #tpu.memory_space<hbm>> -> memref<32x40x125xi32, #tpu.memory_space<hbm>>
      %dma_wait3A_157 = arith.constant 0 : i32
      %dma_wait3A_158 = arith.constant 0 : i32
      %dma_wait3A_159 = tpu.memref_slice %dma_wait3A_156[%add3A, %dma_wait3A_157, %dma_wait3A_158] : memref<32x40x125xi32, #tpu.memory_space<hbm>> -> memref<1x40x125xi32, #tpu.memory_space<hbm>>
      %dma_wait3A_160 = tpu.memref_squeeze %dma_wait3A_159 : memref<1x40x125xi32, #tpu.memory_space<hbm>> -> memref<40x125xi32, #tpu.memory_space<hbm>>
      tpu.wait_dma2 semaphore(%run_scoped3A_112 : memref<!tpu.dma_semaphore, #tpu.memory_space<semaphore_mem>>) src(%dma_wait3A_160 : memref<40x125xi32, #tpu.memory_space<hbm>>) dst(%dma_wait3A_151 : memref<40x125xi32, #tpu.memory_space<vmem>>)
      tpu.yield
    }) : () -> ()
    %dma_start3A_54 = arith.constant 0 : i32
    %dma_start3A_55 = arith.constant 0 : i32
    %dma_start3A_56 = arith.constant 0 : i32
    %dma_start3A_57 = arith.constant 0 : i32
    %dma_start3A_58 = arith.constant 0 : i32
    %dma_start3A_59 = tpu.memref_slice %arg8[%dma_start3A_55, %dma_start3A_57, %dma_start3A_58] : memref<2x125x128xf32, #tpu.memory_space<vmem>> -> memref<1x125x128xf32, #tpu.memory_space<vmem>>
    %dma_start3A_60 = tpu.memref_squeeze %dma_start3A_59 : memref<1x125x128xf32, #tpu.memory_space<vmem>> -> memref<125x128xf32, #tpu.memory_space<vmem>>
    %dma_start3A_61 = arith.constant 0 : i32
    %dma_start3A_62 = tpu.memref_slice %arg7[%dma_start3A_54, %dma_start3A_61] : memref<80x125xi32, #tpu.memory_space<vmem>> -> memref<1x125xi32, #tpu.memory_space<vmem>>
    %dma_start3A_63 = tpu.memref_squeeze %dma_start3A_62 : memref<1x125xi32, #tpu.memory_space<vmem>> -> memref<125xi32, #tpu.memory_space<vmem>>
    %dma_start3A_64 = arith.constant 0 : i32
    %dma_start3A_65 = arith.constant 0 : i32
    %dma_start3A_66 = tpu.memref_slice %arg2[%dma_start3A_64, %dma_start3A_65] : memref<10000x128xf32, #tpu.memory_space<hbm>> -> memref<10000x128xf32, #tpu.memory_space<hbm>>
    %dma_start3A_67 = tpu.memref_slice %arg10[%dma_start3A_56] : memref<2x!tpu.dma_semaphore, #tpu.memory_space<semaphore_mem>> -> memref<1x!tpu.dma_semaphore, #tpu.memory_space<semaphore_mem>>
    %dma_start3A_68 = tpu.memref_squeeze %dma_start3A_67 : memref<1x!tpu.dma_semaphore, #tpu.memory_space<semaphore_mem>> -> memref<!tpu.dma_semaphore, #tpu.memory_space<semaphore_mem>>
    tpu.enqueue_indirect_dma source(%dma_start3A_66 : memref<10000x128xf32, #tpu.memory_space<hbm>>) target(%dma_start3A_60 : memref<125x128xf32, #tpu.memory_space<vmem>>) offsets(%dma_start3A_63 : memref<125xi32, #tpu.memory_space<vmem>>) semaphore(%dma_start3A_68 : memref<!tpu.dma_semaphore, #tpu.memory_space<semaphore_mem>>)
    %scan3A_69 = arith.constant 0 : i32
    %scan3A_70 = arith.constant 0 : i32
    %scan3A_71 = arith.constant 40 : i32
    %scan3A_72 = arith.addi %scan3A_70, %scan3A_71 : i32
    %scan3A_73 = arith.constant 1 : i32
    scf.for %scan3A_112 = %scan3A_70 to %scan3A_72 step %scan3A_73  : i32 {
      %add3A_113 = arith.constant 1 : i32
      %add3A_114 = arith.addi %scan3A_112, %add3A_113 : i32
      %rem3A = arith.constant 2 : i32
      %rem3A_115 = arith.remsi %scan3A_112, %rem3A : i32
      %lt3A_116 = arith.constant 40 : i32
      %lt3A_117 = arith.cmpi slt, %add3A_114, %lt3A_116 : i32
      %convert_element_type3A_118 = arith.extui %lt3A_117 : i1 to i32
      %cond3A_119 = arith.constant 0 : i32
      %cond3A_120 = arith.cmpi ne, %convert_element_type3A_118, %cond3A_119 : i32
      scf.if %cond3A_120 {
        %rem3A_147 = arith.constant 2 : i32
        %rem3A_148 = arith.remsi %add3A_114, %rem3A_147 : i32
        %ge3A = arith.constant 2 : i32
        %ge3A_149 = arith.cmpi sge, %add3A_114, %ge3A : i32
        %convert_element_type3A_150 = arith.extui %ge3A_149 : i1 to i32
        %cond3A_151 = arith.constant 0 : i32
        %cond3A_152 = arith.cmpi ne, %convert_element_type3A_150, %cond3A_151 : i32
        scf.if %cond3A_152 {
          %add3A_165 = arith.constant 40 : i32
          %add3A_166 = arith.addi %add3A_165, %add3A_114 : i32
          %sub3A = arith.constant 2 : i32
          %sub3A_167 = arith.subi %add3A_166, %sub3A : i32
          %dma_wait3A_168 = arith.constant 0 : i32
          %dma_wait3A_169 = arith.constant 0 : i32
          %dma_wait3A_170 = tpu.memref_slice %arg8[%rem3A_148, %dma_wait3A_168, %dma_wait3A_169] : memref<2x125x128xf32, #tpu.memory_space<vmem>> -> memref<1x125x128xf32, #tpu.memory_space<vmem>>
          %dma_wait3A_171 = tpu.memref_squeeze %dma_wait3A_170 : memref<1x125x128xf32, #tpu.memory_space<vmem>> -> memref<125x128xf32, #tpu.memory_space<vmem>>
          %dma_wait3A_172 = arith.constant 0 : i32
          %dma_wait3A_173 = tpu.memref_slice %arg7[%sub3A_167, %dma_wait3A_172] : memref<80x125xi32, #tpu.memory_space<vmem>> -> memref<1x125xi32, #tpu.memory_space<vmem>>
          %dma_wait3A_174 = tpu.memref_squeeze %dma_wait3A_173 : memref<1x125xi32, #tpu.memory_space<vmem>> -> memref<125xi32, #tpu.memory_space<vmem>>
          %dma_wait3A_175 = arith.constant 0 : i32
          %dma_wait3A_176 = arith.constant 0 : i32
          %dma_wait3A_177 = tpu.memref_slice %arg9[%dma_wait3A_175, %dma_wait3A_176] : memref<10000x128xf32, #tpu.memory_space<vmem_shared>> -> memref<10000x128xf32, #tpu.memory_space<vmem_shared>>
          %dma_wait3A_178 = tpu.memref_slice %arg11[%rem3A_148] : memref<2x!tpu.dma_semaphore, #tpu.memory_space<semaphore_mem>> -> memref<1x!tpu.dma_semaphore, #tpu.memory_space<semaphore_mem>>
          %dma_wait3A_179 = tpu.memref_squeeze %dma_wait3A_178 : memref<1x!tpu.dma_semaphore, #tpu.memory_space<semaphore_mem>> -> memref<!tpu.dma_semaphore, #tpu.memory_space<semaphore_mem>>
          tpu.wait_indirect_dma semaphore(%dma_wait3A_179 : memref<!tpu.dma_semaphore, #tpu.memory_space<semaphore_mem>>) src(%dma_wait3A_171 : memref<125x128xf32, #tpu.memory_space<vmem>>) dst(%dma_wait3A_177 : memref<10000x128xf32, #tpu.memory_space<vmem_shared>>)
        } else {
        }
        %dma_start3A_153 = arith.constant 0 : i32
        %dma_start3A_154 = arith.constant 0 : i32
        %dma_start3A_155 = tpu.memref_slice %arg8[%rem3A_148, %dma_start3A_153, %dma_start3A_154] : memref<2x125x128xf32, #tpu.memory_space<vmem>> -> memref<1x125x128xf32, #tpu.memory_space<vmem>>
        %dma_start3A_156 = tpu.memref_squeeze %dma_start3A_155 : memref<1x125x128xf32, #tpu.memory_space<vmem>> -> memref<125x128xf32, #tpu.memory_space<vmem>>
        %dma_start3A_157 = arith.constant 0 : i32
        %dma_start3A_158 = tpu.memref_slice %arg7[%add3A_114, %dma_start3A_157] : memref<80x125xi32, #tpu.memory_space<vmem>> -> memref<1x125xi32, #tpu.memory_space<vmem>>
        %dma_start3A_159 = tpu.memref_squeeze %dma_start3A_158 : memref<1x125xi32, #tpu.memory_space<vmem>> -> memref<125xi32, #tpu.memory_space<vmem>>
        %dma_start3A_160 = arith.constant 0 : i32
        %dma_start3A_161 = arith.constant 0 : i32
        %dma_start3A_162 = tpu.memref_slice %arg2[%dma_start3A_160, %dma_start3A_161] : memref<10000x128xf32, #tpu.memory_space<hbm>> -> memref<10000x128xf32, #tpu.memory_space<hbm>>
        %dma_start3A_163 = tpu.memref_slice %arg10[%rem3A_148] : memref<2x!tpu.dma_semaphore, #tpu.memory_space<semaphore_mem>> -> memref<1x!tpu.dma_semaphore, #tpu.memory_space<semaphore_mem>>
        %dma_start3A_164 = tpu.memref_squeeze %dma_start3A_163 : memref<1x!tpu.dma_semaphore, #tpu.memory_space<semaphore_mem>> -> memref<!tpu.dma_semaphore, #tpu.memory_space<semaphore_mem>>
        tpu.enqueue_indirect_dma source(%dma_start3A_162 : memref<10000x128xf32, #tpu.memory_space<hbm>>) target(%dma_start3A_156 : memref<125x128xf32, #tpu.memory_space<vmem>>) offsets(%dma_start3A_159 : memref<125xi32, #tpu.memory_space<vmem>>) semaphore(%dma_start3A_164 : memref<!tpu.dma_semaphore, #tpu.memory_space<semaphore_mem>>)
      } else {
      }
      %dma_wait3A_121 = arith.constant 0 : i32
      %dma_wait3A_122 = arith.constant 0 : i32
      %dma_wait3A_123 = tpu.memref_slice %arg8[%rem3A_115, %dma_wait3A_121, %dma_wait3A_122] : memref<2x125x128xf32, #tpu.memory_space<vmem>> -> memref<1x125x128xf32, #tpu.memory_space<vmem>>
      %dma_wait3A_124 = tpu.memref_squeeze %dma_wait3A_123 : memref<1x125x128xf32, #tpu.memory_space<vmem>> -> memref<125x128xf32, #tpu.memory_space<vmem>>
      %dma_wait3A_125 = arith.constant 0 : i32
      %dma_wait3A_126 = tpu.memref_slice %arg7[%scan3A_112, %dma_wait3A_125] : memref<80x125xi32, #tpu.memory_space<vmem>> -> memref<1x125xi32, #tpu.memory_space<vmem>>
      %dma_wait3A_127 = tpu.memref_squeeze %dma_wait3A_126 : memref<1x125xi32, #tpu.memory_space<vmem>> -> memref<125xi32, #tpu.memory_space<vmem>>
      %dma_wait3A_128 = arith.constant 0 : i32
      %dma_wait3A_129 = arith.constant 0 : i32
      %dma_wait3A_130 = tpu.memref_slice %arg2[%dma_wait3A_128, %dma_wait3A_129] : memref<10000x128xf32, #tpu.memory_space<hbm>> -> memref<10000x128xf32, #tpu.memory_space<hbm>>
      %dma_wait3A_131 = tpu.memref_slice %arg10[%rem3A_115] : memref<2x!tpu.dma_semaphore, #tpu.memory_space<semaphore_mem>> -> memref<1x!tpu.dma_semaphore, #tpu.memory_space<semaphore_mem>>
      %dma_wait3A_132 = tpu.memref_squeeze %dma_wait3A_131 : memref<1x!tpu.dma_semaphore, #tpu.memory_space<semaphore_mem>> -> memref<!tpu.dma_semaphore, #tpu.memory_space<semaphore_mem>>
      tpu.wait_indirect_dma semaphore(%dma_wait3A_132 : memref<!tpu.dma_semaphore, #tpu.memory_space<semaphore_mem>>) src(%dma_wait3A_130 : memref<10000x128xf32, #tpu.memory_space<hbm>>) dst(%dma_wait3A_124 : memref<125x128xf32, #tpu.memory_space<vmem>>)
      %add3A_133 = arith.constant 40 : i32
      %add3A_134 = arith.addi %add3A_133, %scan3A_112 : i32
      %dma_start3A_135 = arith.constant 0 : i32
      %dma_start3A_136 = arith.constant 0 : i32
      %dma_start3A_137 = tpu.memref_slice %arg8[%rem3A_115, %dma_start3A_135, %dma_start3A_136] : memref<2x125x128xf32, #tpu.memory_space<vmem>> -> memref<1x125x128xf32, #tpu.memory_space<vmem>>
      %dma_start3A_138 = tpu.memref_squeeze %dma_start3A_137 : memref<1x125x128xf32, #tpu.memory_space<vmem>> -> memref<125x128xf32, #tpu.memory_space<vmem>>
      %dma_start3A_139 = arith.constant 0 : i32
      %dma_start3A_140 = tpu.memref_slice %arg7[%add3A_134, %dma_start3A_139] : memref<80x125xi32, #tpu.memory_space<vmem>> -> memref<1x125xi32, #tpu.memory_space<vmem>>
      %dma_start3A_141 = tpu.memref_squeeze %dma_start3A_140 : memref<1x125xi32, #tpu.memory_space<vmem>> -> memref<125xi32, #tpu.memory_space<vmem>>
      %dma_start3A_142 = arith.constant 0 : i32
      %dma_start3A_143 = arith.constant 0 : i32
      %dma_start3A_144 = tpu.memref_slice %arg9[%dma_start3A_142, %dma_start3A_143] : memref<10000x128xf32, #tpu.memory_space<vmem_shared>> -> memref<10000x128xf32, #tpu.memory_space<vmem_shared>>
      %dma_start3A_145 = tpu.memref_slice %arg11[%rem3A_115] : memref<2x!tpu.dma_semaphore, #tpu.memory_space<semaphore_mem>> -> memref<1x!tpu.dma_semaphore, #tpu.memory_space<semaphore_mem>>
      %dma_start3A_146 = tpu.memref_squeeze %dma_start3A_145 : memref<1x!tpu.dma_semaphore, #tpu.memory_space<semaphore_mem>> -> memref<!tpu.dma_semaphore, #tpu.memory_space<semaphore_mem>>
      tpu.enqueue_indirect_dma source(%dma_start3A_138 : memref<125x128xf32, #tpu.memory_space<vmem>>) target(%dma_start3A_144 : memref<10000x128xf32, #tpu.memory_space<vmem_shared>>) offsets(%dma_start3A_141 : memref<125xi32, #tpu.memory_space<vmem>>) semaphore(%dma_start3A_146 : memref<!tpu.dma_semaphore, #tpu.memory_space<semaphore_mem>>) {add = true}
    }
    %scan3A_74 = arith.constant 40 : i32
    %dma_wait3A_75 = arith.constant 0 : i32
    %dma_wait3A_76 = arith.constant 78 : i32
    %dma_wait3A_77 = arith.constant 0 : i32
    %dma_wait3A_78 = arith.constant 0 : i32
    %dma_wait3A_79 = arith.constant 0 : i32
    %dma_wait3A_80 = tpu.memref_slice %arg8[%dma_wait3A_75, %dma_wait3A_78, %dma_wait3A_79] : memref<2x125x128xf32, #tpu.memory_space<vmem>> -> memref<1x125x128xf32, #tpu.memory_space<vmem>>
    %dma_wait3A_81 = tpu.memref_squeeze %dma_wait3A_80 : memref<1x125x128xf32, #tpu.memory_space<vmem>> -> memref<125x128xf32, #tpu.memory_space<vmem>>
    %dma_wait3A_82 = arith.constant 0 : i32
    %dma_wait3A_83 = tpu.memref_slice %arg7[%dma_wait3A_76, %dma_wait3A_82] : memref<80x125xi32, #tpu.memory_space<vmem>> -> memref<1x125xi32, #tpu.memory_space<vmem>>
    %dma_wait3A_84 = tpu.memref_squeeze %dma_wait3A_83 : memref<1x125xi32, #tpu.memory_space<vmem>> -> memref<125xi32, #tpu.memory_space<vmem>>
    %dma_wait3A_85 = arith.constant 0 : i32
    %dma_wait3A_86 = arith.constant 0 : i32
    %dma_wait3A_87 = tpu.memref_slice %arg9[%dma_wait3A_85, %dma_wait3A_86] : memref<10000x128xf32, #tpu.memory_space<vmem_shared>> -> memref<10000x128xf32, #tpu.memory_space<vmem_shared>>
    %dma_wait3A_88 = tpu.memref_slice %arg11[%dma_wait3A_77] : memref<2x!tpu.dma_semaphore, #tpu.memory_space<semaphore_mem>> -> memref<1x!tpu.dma_semaphore, #tpu.memory_space<semaphore_mem>>
    %dma_wait3A_89 = tpu.memref_squeeze %dma_wait3A_88 : memref<1x!tpu.dma_semaphore, #tpu.memory_space<semaphore_mem>> -> memref<!tpu.dma_semaphore, #tpu.memory_space<semaphore_mem>>
    tpu.wait_indirect_dma semaphore(%dma_wait3A_89 : memref<!tpu.dma_semaphore, #tpu.memory_space<semaphore_mem>>) src(%dma_wait3A_81 : memref<125x128xf32, #tpu.memory_space<vmem>>) dst(%dma_wait3A_87 : memref<10000x128xf32, #tpu.memory_space<vmem_shared>>)
    %dma_wait3A_90 = arith.constant 1 : i32
    %dma_wait3A_91 = arith.constant 79 : i32
    %dma_wait3A_92 = arith.constant 1 : i32
    %dma_wait3A_93 = arith.constant 0 : i32
    %dma_wait3A_94 = arith.constant 0 : i32
    %dma_wait3A_95 = tpu.memref_slice %arg8[%dma_wait3A_90, %dma_wait3A_93, %dma_wait3A_94] : memref<2x125x128xf32, #tpu.memory_space<vmem>> -> memref<1x125x128xf32, #tpu.memory_space<vmem>>
    %dma_wait3A_96 = tpu.memref_squeeze %dma_wait3A_95 : memref<1x125x128xf32, #tpu.memory_space<vmem>> -> memref<125x128xf32, #tpu.memory_space<vmem>>
    %dma_wait3A_97 = arith.constant 0 : i32
    %dma_wait3A_98 = tpu.memref_slice %arg7[%dma_wait3A_91, %dma_wait3A_97] : memref<80x125xi32, #tpu.memory_space<vmem>> -> memref<1x125xi32, #tpu.memory_space<vmem>>
    %dma_wait3A_99 = tpu.memref_squeeze %dma_wait3A_98 : memref<1x125xi32, #tpu.memory_space<vmem>> -> memref<125xi32, #tpu.memory_space<vmem>>
    %dma_wait3A_100 = arith.constant 0 : i32
    %dma_wait3A_101 = arith.constant 0 : i32
    %dma_wait3A_102 = tpu.memref_slice %arg9[%dma_wait3A_100, %dma_wait3A_101] : memref<10000x128xf32, #tpu.memory_space<vmem_shared>> -> memref<10000x128xf32, #tpu.memory_space<vmem_shared>>
    %dma_wait3A_103 = tpu.memref_slice %arg11[%dma_wait3A_92] : memref<2x!tpu.dma_semaphore, #tpu.memory_space<semaphore_mem>> -> memref<1x!tpu.dma_semaphore, #tpu.memory_space<semaphore_mem>>
    %dma_wait3A_104 = tpu.memref_squeeze %dma_wait3A_103 : memref<1x!tpu.dma_semaphore, #tpu.memory_space<semaphore_mem>> -> memref<!tpu.dma_semaphore, #tpu.memory_space<semaphore_mem>>
    tpu.wait_indirect_dma semaphore(%dma_wait3A_104 : memref<!tpu.dma_semaphore, #tpu.memory_space<semaphore_mem>>) src(%dma_wait3A_96 : memref<125x128xf32, #tpu.memory_space<vmem>>) dst(%dma_wait3A_102 : memref<10000x128xf32, #tpu.memory_space<vmem_shared>>)
    %barrier3A_105 = arith.constant 0 : index
    tpu.barrier barrier_id(%barrier3A_105)
    %lt3A = arith.constant 15 : i32
    %lt3A_106 = arith.cmpi slt, %arg1, %lt3A : i32
    %convert_element_type3A = arith.extui %lt3A_106 : i1 to i32
    %cond3A = arith.constant 0 : i32
    %cond3A_107 = arith.cmpi ne, %convert_element_type3A, %cond3A : i32
    scf.if %cond3A_107 {
      %mul3A_112 = arith.constant 632 : i32
      %mul3A_113 = arith.muli %arg1, %mul3A_112 : i32
      %mul3A_114 = arith.constant 632 : i32
      %mul3A_115 = arith.muli %arg1, %mul3A_114 : i32
      "tpu.region"() ({
        %run_scoped3A_116 = tpu.sem_alloc : memref<!tpu.dma_semaphore, #tpu.memory_space<semaphore_mem>>
        %dma_start3A_117 = arith.constant 0 : i32
        %dma_start3A_118 = arith.constant 0 : i32
        %dma_start3A_119 = tpu.memref_slice %arg6[%arg0, %dma_start3A_117, %dma_start3A_118] : memref<2x10000x128xf32, #tpu.memory_space<hbm>> -> memref<1x10000x128xf32, #tpu.memory_space<hbm>>
        %dma_start3A_120 = tpu.memref_squeeze %dma_start3A_119 : memref<1x10000x128xf32, #tpu.memory_space<hbm>> -> memref<10000x128xf32, #tpu.memory_space<hbm>>
        %dma_start3A_121 = arith.constant 0 : i32
        %dma_start3A_122 = tpu.memref_slice %dma_start3A_120[%mul3A_115, %dma_start3A_121] : memref<10000x128xf32, #tpu.memory_space<hbm>> -> memref<632x128xf32, #tpu.memory_space<hbm>>
        %dma_start3A_123 = arith.constant 0 : i32
        %dma_start3A_124 = tpu.memref_slice %arg9[%mul3A_113, %dma_start3A_123] : memref<10000x128xf32, #tpu.memory_space<vmem_shared>> -> memref<632x128xf32, #tpu.memory_space<vmem_shared>>
        tpu.enqueue_dma source(%dma_start3A_124 : memref<632x128xf32, #tpu.memory_space<vmem_shared>>) target(%dma_start3A_122 : memref<632x128xf32, #tpu.memory_space<hbm>>) target_semaphore(%run_scoped3A_116 : memref<!tpu.dma_semaphore, #tpu.memory_space<semaphore_mem>>)
        %dma_wait3A_125 = arith.constant 0 : i32
        %dma_wait3A_126 = arith.constant 0 : i32
        %dma_wait3A_127 = tpu.memref_slice %arg6[%arg0, %dma_wait3A_125, %dma_wait3A_126] : memref<2x10000x128xf32, #tpu.memory_space<hbm>> -> memref<1x10000x128xf32, #tpu.memory_space<hbm>>
        %dma_wait3A_128 = tpu.memref_squeeze %dma_wait3A_127 : memref<1x10000x128xf32, #tpu.memory_space<hbm>> -> memref<10000x128xf32, #tpu.memory_space<hbm>>
        %dma_wait3A_129 = arith.constant 0 : i32
        %dma_wait3A_130 = tpu.memref_slice %dma_wait3A_128[%mul3A_115, %dma_wait3A_129] : memref<10000x128xf32, #tpu.memory_space<hbm>> -> memref<632x128xf32, #tpu.memory_space<hbm>>
        %dma_wait3A_131 = arith.constant 0 : i32
        %dma_wait3A_132 = tpu.memref_slice %arg9[%mul3A_113, %dma_wait3A_131] : memref<10000x128xf32, #tpu.memory_space<vmem_shared>> -> memref<632x128xf32, #tpu.memory_space<vmem_shared>>
        tpu.wait_dma2 semaphore(%run_scoped3A_116 : memref<!tpu.dma_semaphore, #tpu.memory_space<semaphore_mem>>) src(%dma_wait3A_132 : memref<632x128xf32, #tpu.memory_space<vmem_shared>>) dst(%dma_wait3A_130 : memref<632x128xf32, #tpu.memory_space<hbm>>)
        tpu.yield
      }) : () -> ()
    } else {
    }
    %eq3A = arith.constant 15 : i32
    %eq3A_108 = arith.cmpi eq, %arg1, %eq3A : i32
    %convert_element_type3A_109 = arith.extui %eq3A_108 : i1 to i32
    %cond3A_110 = arith.constant 0 : i32
    %cond3A_111 = arith.cmpi ne, %convert_element_type3A_109, %cond3A_110 : i32
    scf.if %cond3A_111 {
      "tpu.region"() ({
        %run_scoped3A_112 = tpu.sem_alloc : memref<!tpu.dma_semaphore, #tpu.memory_space<semaphore_mem>>
        %dma_start3A_113 = arith.constant 0 : i32
        %dma_start3A_114 = arith.constant 0 : i32
        %dma_start3A_115 = tpu.memref_slice %arg6[%arg0, %dma_start3A_113, %dma_start3A_114] : memref<2x10000x128xf32, #tpu.memory_space<hbm>> -> memref<1x10000x128xf32, #tpu.memory_space<hbm>>
        %dma_start3A_116 = tpu.memref_squeeze %dma_start3A_115 : memref<1x10000x128xf32, #tpu.memory_space<hbm>> -> memref<10000x128xf32, #tpu.memory_space<hbm>>
        %dma_start3A_117 = arith.constant 9480 : i32
        %dma_start3A_118 = arith.constant 0 : i32
        %dma_start3A_119 = tpu.memref_slice %dma_start3A_116[%dma_start3A_117, %dma_start3A_118] : memref<10000x128xf32, #tpu.memory_space<hbm>> -> memref<520x128xf32, #tpu.memory_space<hbm>>
        %dma_start3A_120 = arith.constant 9480 : i32
        %dma_start3A_121 = arith.constant 0 : i32
        %dma_start3A_122 = tpu.memref_slice %arg9[%dma_start3A_120, %dma_start3A_121] : memref<10000x128xf32, #tpu.memory_space<vmem_shared>> -> memref<520x128xf32, #tpu.memory_space<vmem_shared>>
        tpu.enqueue_dma source(%dma_start3A_122 : memref<520x128xf32, #tpu.memory_space<vmem_shared>>) target(%dma_start3A_119 : memref<520x128xf32, #tpu.memory_space<hbm>>) target_semaphore(%run_scoped3A_112 : memref<!tpu.dma_semaphore, #tpu.memory_space<semaphore_mem>>)
        %dma_wait3A_123 = arith.constant 0 : i32
        %dma_wait3A_124 = arith.constant 0 : i32
        %dma_wait3A_125 = tpu.memref_slice %arg6[%arg0, %dma_wait3A_123, %dma_wait3A_124] : memref<2x10000x128xf32, #tpu.memory_space<hbm>> -> memref<1x10000x128xf32, #tpu.memory_space<hbm>>
        %dma_wait3A_126 = tpu.memref_squeeze %dma_wait3A_125 : memref<1x10000x128xf32, #tpu.memory_space<hbm>> -> memref<10000x128xf32, #tpu.memory_space<hbm>>
        %dma_wait3A_127 = arith.constant 9480 : i32
        %dma_wait3A_128 = arith.constant 0 : i32
        %dma_wait3A_129 = tpu.memref_slice %dma_wait3A_126[%dma_wait3A_127, %dma_wait3A_128] : memref<10000x128xf32, #tpu.memory_space<hbm>> -> memref<520x128xf32, #tpu.memory_space<hbm>>
        %dma_wait3A_130 = arith.constant 9480 : i32
        %dma_wait3A_131 = arith.constant 0 : i32
        %dma_wait3A_132 = tpu.memref_slice %arg9[%dma_wait3A_130, %dma_wait3A_131] : memref<10000x128xf32, #tpu.memory_space<vmem_shared>> -> memref<520x128xf32, #tpu.memory_space<vmem_shared>>
        tpu.wait_dma2 semaphore(%run_scoped3A_112 : memref<!tpu.dma_semaphore, #tpu.memory_space<semaphore_mem>>) src(%dma_wait3A_132 : memref<520x128xf32, #tpu.memory_space<vmem_shared>>) dst(%dma_wait3A_129 : memref<520x128xf32, #tpu.memory_space<hbm>>)
        tpu.yield
      }) : () -> ()
    } else {
    }
    return
  }
}

module attributes {stable_mosaic.version = 14 : i64} {
  func.func @_lin_body(%arg0: i32, %arg1: memref<1x5000x128xf32, #tpu.memory_space<vmem>>, %arg2: memref<1x5000x128xf32, #tpu.memory_space<vmem>>, %arg3: memref<5000x128xf32, #tpu.memory_space<vmem>>, %arg4: memref<128x128xf32, #tpu.memory_space<vmem>>, %arg5: memref<128x128xf32, #tpu.memory_space<vmem>>, %arg6: memref<1x128xf32, #tpu.memory_space<vmem>>, %arg7: memref<5000x128xf32, #tpu.memory_space<vmem>>) attributes {dimension_semantics = [#tpu.dimension_semantics<arbitrary>], iteration_bounds = array<i64: 2>, scalar_prefetch = 0 : i64, scratch_operands = 0 : i64, tpu.core_type = #tpu.core_type<tc>, window_params = [{transform_indices = @transform_0, window_bounds = array<i64: 1, 5000, 128>}, {transform_indices = @transform_1, window_bounds = array<i64: 1, 5000, 128>}, {transform_indices = @transform_2, window_bounds = array<i64: 5000, 128>}, {pipeline_mode = #tpu.pipeline_mode<synchronous>, transform_indices = @transform_3, window_bounds = array<i64: 128, 128>}, {pipeline_mode = #tpu.pipeline_mode<synchronous>, transform_indices = @transform_4, window_bounds = array<i64: 128, 128>}, {pipeline_mode = #tpu.pipeline_mode<synchronous>, transform_indices = @transform_5, window_bounds = array<i64: 1, 128>}, {transform_indices = @transform_6, window_bounds = array<i64: 5000, 128>}]} {
    %get3A = arith.constant 0 : index
    %get3A_0 = arith.constant 0 : index
    %get3A_1 = arith.constant 0 : index
    %get3A_2 = vector.load %arg1[%get3A, %get3A_0, %get3A_1] : memref<1x5000x128xf32, #tpu.memory_space<vmem>>, vector<1x5000x128xf32>
    %get3A_3 = vector.shape_cast %get3A_2 : vector<1x5000x128xf32> to vector<5000x128xf32>
    %get3A_4 = arith.constant 0 : index
    %get3A_5 = arith.constant 0 : index
    %get3A_6 = arith.constant 0 : index
    %get3A_7 = vector.load %arg2[%get3A_4, %get3A_5, %get3A_6] : memref<1x5000x128xf32, #tpu.memory_space<vmem>>, vector<1x5000x128xf32>
    %get3A_8 = vector.shape_cast %get3A_7 : vector<1x5000x128xf32> to vector<5000x128xf32>
    %add3A = arith.addf %get3A_3, %get3A_8 : vector<5000x128xf32>
    %get3A_9 = arith.constant 0 : index
    %get3A_10 = arith.constant 0 : index
    %get3A_11 = vector.load %arg4[%get3A_9, %get3A_10] : memref<128x128xf32, #tpu.memory_space<vmem>>, vector<128x128xf32>
    %dot_general3A = arith.constant dense<0.000000e+00> : vector<5000x128xf32>
    %dot_general3A_12 = tpu.matmul %add3A, %get3A_11, %dot_general3A {dimension_numbers = #tpu.dot_dimension_numbers<[1], [0], [0], [1], [0, 0, 1, 1], [], []>, transpose_lhs_hint = false} : vector<5000x128xf32>, vector<128x128xf32>, vector<5000x128xf32> -> vector<5000x128xf32>
    %get3A_13 = arith.constant 0 : index
    %get3A_14 = arith.constant 0 : index
    %get3A_15 = vector.load %arg3[%get3A_13, %get3A_14] : memref<5000x128xf32, #tpu.memory_space<vmem>>, vector<5000x128xf32>
    %get3A_16 = arith.constant 0 : index
    %get3A_17 = arith.constant 0 : index
    %get3A_18 = vector.load %arg5[%get3A_16, %get3A_17] : memref<128x128xf32, #tpu.memory_space<vmem>>, vector<128x128xf32>
    %dot_general3A_19 = arith.constant dense<0.000000e+00> : vector<5000x128xf32>
    %dot_general3A_20 = tpu.matmul %get3A_15, %get3A_18, %dot_general3A_19 {dimension_numbers = #tpu.dot_dimension_numbers<[1], [0], [0], [1], [0, 0, 1, 1], [], []>, transpose_lhs_hint = false} : vector<5000x128xf32>, vector<128x128xf32>, vector<5000x128xf32> -> vector<5000x128xf32>
    %add3A_21 = arith.addf %dot_general3A_12, %dot_general3A_20 : vector<5000x128xf32>
    %get3A_22 = arith.constant 0 : index
    %get3A_23 = arith.constant 0 : index
    %get3A_24 = vector.load %arg6[%get3A_22, %get3A_23] : memref<1x128xf32, #tpu.memory_space<vmem>>, vector<1x128xf32>
    %add3A_25 = vector.broadcast %get3A_24 : vector<1x128xf32> to vector<5000x128xf32>
    %add3A_26 = arith.addf %add3A_21, %add3A_25 : vector<5000x128xf32>
    %max3A = arith.constant 0.000000e+00 : f32
    %max3A_27 = vector.broadcast %max3A : f32 to vector<5000x128xf32>
    %max3A_28 = arith.maximumf %add3A_26, %max3A_27 : vector<5000x128xf32>
    %swap3A = arith.constant 0 : index
    %swap3A_29 = arith.constant 0 : index
    %swap3A_30 = vector.load %arg7[%swap3A, %swap3A_29] : memref<5000x128xf32, #tpu.memory_space<vmem>>, vector<5000x128xf32>
    tpu.vector_store %arg7[%swap3A, %swap3A_29], %max3A_28 {strides = array<i32>} : memref<5000x128xf32, #tpu.memory_space<vmem>>, vector<5000x128xf32>,
    return
  }
  func.func @transform_0(%arg0: i32) -> (i32, i32, i32) {
    %c0_i32 = arith.constant 0 : i32
    %c0_i32_0 = arith.constant 0 : i32
    %c0_i32_1 = arith.constant 0 : i32
    return %c0_i32, %arg0, %c0_i32_0 : i32, i32, i32
  }
  func.func @transform_1(%arg0: i32) -> (i32, i32, i32) {
    %c1_i32 = arith.constant 1 : i32
    %c0_i32 = arith.constant 0 : i32
    %c0_i32_0 = arith.constant 0 : i32
    return %c1_i32, %arg0, %c0_i32 : i32, i32, i32
  }
  func.func @transform_2(%arg0: i32) -> (i32, i32) {
    %c0_i32 = arith.constant 0 : i32
    %c0_i32_0 = arith.constant 0 : i32
    return %arg0, %c0_i32 : i32, i32
  }
  func.func @transform_3(%arg0: i32) -> (i32, i32) {
    %c0_i32 = arith.constant 0 : i32
    %c0_i32_0 = arith.constant 0 : i32
    %c0_i32_1 = arith.constant 0 : i32
    return %c0_i32, %c0_i32_0 : i32, i32
  }
  func.func @transform_4(%arg0: i32) -> (i32, i32) {
    %c0_i32 = arith.constant 0 : i32
    %c0_i32_0 = arith.constant 0 : i32
    %c0_i32_1 = arith.constant 0 : i32
    return %c0_i32, %c0_i32_0 : i32, i32
  }
  func.func @transform_5(%arg0: i32) -> (i32, i32) {
    %c0_i32 = arith.constant 0 : i32
    %c0_i32_0 = arith.constant 0 : i32
    %c0_i32_1 = arith.constant 0 : i32
    return %c0_i32, %c0_i32_0 : i32, i32
  }
  func.func @transform_6(%arg0: i32) -> (i32, i32) {
    %c0_i32 = arith.constant 0 : i32
    %c0_i32_0 = arith.constant 0 : i32
    return %arg0, %c0_i32 : i32, i32
  }
}

module attributes {stable_mosaic.version = 14 : i64} {
  func.func @_last_body(%arg0: i32, %arg1: memref<1x5000x128xf32, #tpu.memory_space<vmem>>, %arg2: memref<1x5000x128xf32, #tpu.memory_space<vmem>>, %arg3: memref<5000x128xf32, #tpu.memory_space<vmem>>, %arg4: memref<128x128xf32, #tpu.memory_space<vmem>>, %arg5: memref<128x128xf32, #tpu.memory_space<vmem>>, %arg6: memref<1x128xf32, #tpu.memory_space<vmem>>, %arg7: memref<5000x1xi32, #tpu.memory_space<vmem>>, %arg8: memref<128x10xf32, #tpu.memory_space<vmem>>, %arg9: memref<1x10xf32, #tpu.memory_space<vmem>>, %arg10: memref<64x10xf32, #tpu.memory_space<vmem>>, %arg11: memref<64x128xf32, #tpu.memory_space<vmem>>, %arg12: memref<64x1xf32, #tpu.memory_space<vmem>>) attributes {dimension_semantics = [#tpu.dimension_semantics<arbitrary>], iteration_bounds = array<i64: 2>, scalar_prefetch = 0 : i64, scratch_operands = 2 : i64, tpu.core_type = #tpu.core_type<tc>, window_params = [{transform_indices = @transform_0, window_bounds = array<i64: 1, 5000, 128>}, {transform_indices = @transform_1, window_bounds = array<i64: 1, 5000, 128>}, {transform_indices = @transform_2, window_bounds = array<i64: 5000, 128>}, {pipeline_mode = #tpu.pipeline_mode<synchronous>, transform_indices = @transform_3, window_bounds = array<i64: 128, 128>}, {pipeline_mode = #tpu.pipeline_mode<synchronous>, transform_indices = @transform_4, window_bounds = array<i64: 128, 128>}, {pipeline_mode = #tpu.pipeline_mode<synchronous>, transform_indices = @transform_5, window_bounds = array<i64: 1, 128>}, {transform_indices = @transform_6, window_bounds = array<i64: 5000, 1>}, {pipeline_mode = #tpu.pipeline_mode<synchronous>, transform_indices = @transform_7, window_bounds = array<i64: 128, 10>}, {pipeline_mode = #tpu.pipeline_mode<synchronous>, transform_indices = @transform_8, window_bounds = array<i64: 1, 10>}, {pipeline_mode = #tpu.pipeline_mode<synchronous>, transform_indices = @transform_9, window_bounds = array<i64: 64, 10>}]} {
    %eq3A = arith.constant 0 : i32
    %eq3A_0 = arith.cmpi eq, %arg0, %eq3A : i32
    %convert_element_type3A = arith.extui %eq3A_0 : i1 to i32
    %cond3A = arith.constant 0 : i32
    %cond3A_1 = arith.cmpi ne, %convert_element_type3A, %cond3A : i32
    scf.if %cond3A_1 {
      %broadcast_in_dim3A_59 = arith.constant 0.000000e+00 : f32
      %broadcast_in_dim3A_60 = vector.broadcast %broadcast_in_dim3A_59 : f32 to vector<64x128xf32>
      %swap3A_61 = arith.constant 0 : index
      %swap3A_62 = arith.constant 0 : index
      %swap3A_63 = vector.load %arg11[%swap3A_61, %swap3A_62] : memref<64x128xf32, #tpu.memory_space<vmem>>, vector<64x128xf32>
      tpu.vector_store %arg11[%swap3A_61, %swap3A_62], %broadcast_in_dim3A_60 {strides = array<i32>} : memref<64x128xf32, #tpu.memory_space<vmem>>, vector<64x128xf32>,
      %broadcast_in_dim3A_64 = arith.constant 0.000000e+00 : f32
      %broadcast_in_dim3A_65 = vector.broadcast %broadcast_in_dim3A_64 : f32 to vector<64x1xf32>
      %swap3A_66 = arith.constant 0 : index
      %swap3A_67 = arith.constant 0 : index
      %swap3A_68 = vector.load %arg12[%swap3A_66, %swap3A_67] : memref<64x1xf32, #tpu.memory_space<vmem>>, vector<64x1xf32>
      tpu.vector_store %arg12[%swap3A_66, %swap3A_67], %broadcast_in_dim3A_65 {strides = array<i32>} : memref<64x1xf32, #tpu.memory_space<vmem>>, vector<64x1xf32>,
    } else {
    }
    %get3A = arith.constant 0 : index
    %get3A_2 = arith.constant 0 : index
    %get3A_3 = arith.constant 0 : index
    %get3A_4 = vector.load %arg1[%get3A, %get3A_2, %get3A_3] : memref<1x5000x128xf32, #tpu.memory_space<vmem>>, vector<1x5000x128xf32>
    %get3A_5 = vector.shape_cast %get3A_4 : vector<1x5000x128xf32> to vector<5000x128xf32>
    %get3A_6 = arith.constant 0 : index
    %get3A_7 = arith.constant 0 : index
    %get3A_8 = arith.constant 0 : index
    %get3A_9 = vector.load %arg2[%get3A_6, %get3A_7, %get3A_8] : memref<1x5000x128xf32, #tpu.memory_space<vmem>>, vector<1x5000x128xf32>
    %get3A_10 = vector.shape_cast %get3A_9 : vector<1x5000x128xf32> to vector<5000x128xf32>
    %add3A = arith.addf %get3A_5, %get3A_10 : vector<5000x128xf32>
    %get3A_11 = arith.constant 0 : index
    %get3A_12 = arith.constant 0 : index
    %get3A_13 = vector.load %arg4[%get3A_11, %get3A_12] : memref<128x128xf32, #tpu.memory_space<vmem>>, vector<128x128xf32>
    %dot_general3A = arith.constant dense<0.000000e+00> : vector<5000x128xf32>
    %dot_general3A_14 = tpu.matmul %add3A, %get3A_13, %dot_general3A {dimension_numbers = #tpu.dot_dimension_numbers<[1], [0], [0], [1], [0, 0, 1, 1], [], []>, transpose_lhs_hint = false} : vector<5000x128xf32>, vector<128x128xf32>, vector<5000x128xf32> -> vector<5000x128xf32>
    %get3A_15 = arith.constant 0 : index
    %get3A_16 = arith.constant 0 : index
    %get3A_17 = vector.load %arg3[%get3A_15, %get3A_16] : memref<5000x128xf32, #tpu.memory_space<vmem>>, vector<5000x128xf32>
    %get3A_18 = arith.constant 0 : index
    %get3A_19 = arith.constant 0 : index
    %get3A_20 = vector.load %arg5[%get3A_18, %get3A_19] : memref<128x128xf32, #tpu.memory_space<vmem>>, vector<128x128xf32>
    %dot_general3A_21 = arith.constant dense<0.000000e+00> : vector<5000x128xf32>
    %dot_general3A_22 = tpu.matmul %get3A_17, %get3A_20, %dot_general3A_21 {dimension_numbers = #tpu.dot_dimension_numbers<[1], [0], [0], [1], [0, 0, 1, 1], [], []>, transpose_lhs_hint = false} : vector<5000x128xf32>, vector<128x128xf32>, vector<5000x128xf32> -> vector<5000x128xf32>
    %add3A_23 = arith.addf %dot_general3A_14, %dot_general3A_22 : vector<5000x128xf32>
    %get3A_24 = arith.constant 0 : index
    %get3A_25 = arith.constant 0 : index
    %get3A_26 = vector.load %arg6[%get3A_24, %get3A_25] : memref<1x128xf32, #tpu.memory_space<vmem>>, vector<1x128xf32>
    %add3A_27 = vector.broadcast %get3A_26 : vector<1x128xf32> to vector<5000x128xf32>
    %add3A_28 = arith.addf %add3A_23, %add3A_27 : vector<5000x128xf32>
    %iota3A = tpu.iota {dimensions = array<i32: 1>} : vector<5000x64xi32>
    %get3A_29 = arith.constant 0 : index
    %get3A_30 = arith.constant 0 : index
    %get3A_31 = vector.load %arg7[%get3A_29, %get3A_30] : memref<5000x1xi32, #tpu.memory_space<vmem>>, vector<5000x1xi32>
    %eq3A_32 = vector.broadcast %get3A_31 : vector<5000x1xi32> to vector<5000x64xi32>
    %eq3A_33 = arith.cmpi eq, %iota3A, %eq3A_32 : vector<5000x64xi32>
    %convert_element_type3A_34 = arith.extui %eq3A_33 : vector<5000x64xi1> to vector<5000x64xi32>
    %convert_element_type3A_35 = arith.sitofp %convert_element_type3A_34 : vector<5000x64xi32> to vector<5000x64xf32>
    %get3A_36 = arith.constant 0 : index
    %get3A_37 = arith.constant 0 : index
    %get3A_38 = vector.load %arg11[%get3A_36, %get3A_37] : memref<64x128xf32, #tpu.memory_space<vmem>>, vector<64x128xf32>
    %dot_general3A_39 = arith.constant dense<0.000000e+00> : vector<64x128xf32>
    %dot_general3A_40 = tpu.matmul %convert_element_type3A_35, %add3A_28, %dot_general3A_39 {dimension_numbers = #tpu.dot_dimension_numbers<[0], [0], [1], [1], [0, 1, 1, 1], [], []>, transpose_lhs_hint = false} : vector<5000x64xf32>, vector<5000x128xf32>, vector<64x128xf32> -> vector<64x128xf32>
    %add3A_41 = arith.addf %get3A_38, %dot_general3A_40 : vector<64x128xf32>
    %swap3A = arith.constant 0 : index
    %swap3A_42 = arith.constant 0 : index
    %swap3A_43 = vector.load %arg11[%swap3A, %swap3A_42] : memref<64x128xf32, #tpu.memory_space<vmem>>, vector<64x128xf32>
    tpu.vector_store %arg11[%swap3A, %swap3A_42], %add3A_41 {strides = array<i32>} : memref<64x128xf32, #tpu.memory_space<vmem>>, vector<64x128xf32>,
    %get3A_44 = arith.constant 0 : index
    %get3A_45 = arith.constant 0 : index
    %get3A_46 = vector.load %arg12[%get3A_44, %get3A_45] : memref<64x1xf32, #tpu.memory_space<vmem>>, vector<64x1xf32>
    %broadcast_in_dim3A = arith.constant 1.000000e+00 : f32
    %broadcast_in_dim3A_47 = vector.broadcast %broadcast_in_dim3A : f32 to vector<5000x1xf32>
    %dot_general3A_48 = arith.constant dense<0.000000e+00> : vector<64x1xf32>
    %dot_general3A_49 = tpu.matmul %convert_element_type3A_35, %broadcast_in_dim3A_47, %dot_general3A_48 {dimension_numbers = #tpu.dot_dimension_numbers<[0], [0], [1], [1], [0, 1, 1, 1], [], []>, transpose_lhs_hint = false} : vector<5000x64xf32>, vector<5000x1xf32>, vector<64x1xf32> -> vector<64x1xf32>
    %add3A_50 = arith.addf %get3A_46, %dot_general3A_49 : vector<64x1xf32>
    %swap3A_51 = arith.constant 0 : index
    %swap3A_52 = arith.constant 0 : index
    %swap3A_53 = vector.load %arg12[%swap3A_51, %swap3A_52] : memref<64x1xf32, #tpu.memory_space<vmem>>, vector<64x1xf32>
    tpu.vector_store %arg12[%swap3A_51, %swap3A_52], %add3A_50 {strides = array<i32>} : memref<64x1xf32, #tpu.memory_space<vmem>>, vector<64x1xf32>,
    %eq3A_54 = arith.constant 1 : i32
    %eq3A_55 = arith.cmpi eq, %arg0, %eq3A_54 : i32
    %convert_element_type3A_56 = arith.extui %eq3A_55 : i1 to i32
    %cond3A_57 = arith.constant 0 : i32
    %cond3A_58 = arith.cmpi ne, %convert_element_type3A_56, %cond3A_57 : i32
    scf.if %cond3A_58 {
      %get3A_59 = arith.constant 0 : index
      %get3A_60 = arith.constant 0 : index
      %get3A_61 = vector.load %arg11[%get3A_59, %get3A_60] : memref<64x128xf32, #tpu.memory_space<vmem>>, vector<64x128xf32>
      %get3A_62 = arith.constant 0 : index
      %get3A_63 = arith.constant 0 : index
      %get3A_64 = vector.load %arg12[%get3A_62, %get3A_63] : memref<64x1xf32, #tpu.memory_space<vmem>>, vector<64x1xf32>
      %max3A = arith.constant 1.000000e+00 : f32
      %max3A_65 = vector.broadcast %max3A : f32 to vector<64x1xf32>
      %max3A_66 = arith.maximumf %get3A_64, %max3A_65 : vector<64x1xf32>
      %div3A = vector.broadcast %max3A_66 : vector<64x1xf32> to vector<64x128xf32>
      %div3A_67 = arith.divf %get3A_61, %div3A : vector<64x128xf32>
      %get3A_68 = arith.constant 0 : index
      %get3A_69 = arith.constant 0 : index
      %get3A_70 = vector.load %arg8[%get3A_68, %get3A_69] : memref<128x10xf32, #tpu.memory_space<vmem>>, vector<128x10xf32>
      %dot_general3A_71 = arith.constant dense<0.000000e+00> : vector<64x10xf32>
      %dot_general3A_72 = tpu.matmul %div3A_67, %get3A_70, %dot_general3A_71 {dimension_numbers = #tpu.dot_dimension_numbers<[1], [0], [0], [1], [0, 0, 1, 1], [], []>, transpose_lhs_hint = false} : vector<64x128xf32>, vector<128x10xf32>, vector<64x10xf32> -> vector<64x10xf32>
      %get3A_73 = arith.constant 0 : index
      %get3A_74 = arith.constant 0 : index
      %get3A_75 = vector.load %arg9[%get3A_73, %get3A_74] : memref<1x10xf32, #tpu.memory_space<vmem>>, vector<1x10xf32>
      %add3A_76 = vector.broadcast %get3A_75 : vector<1x10xf32> to vector<64x10xf32>
      %add3A_77 = arith.addf %dot_general3A_72, %add3A_76 : vector<64x10xf32>
      %swap3A_78 = arith.constant 0 : index
      %swap3A_79 = arith.constant 0 : index
      %swap3A_80 = vector.load %arg10[%swap3A_78, %swap3A_79] : memref<64x10xf32, #tpu.memory_space<vmem>>, vector<64x10xf32>
      tpu.vector_store %arg10[%swap3A_78, %swap3A_79], %add3A_77 {strides = array<i32>} : memref<64x10xf32, #tpu.memory_space<vmem>>, vector<64x10xf32>,
    } else {
    }
    return
  }
  func.func @transform_0(%arg0: i32) -> (i32, i32, i32) {
    %c0_i32 = arith.constant 0 : i32
    %c0_i32_0 = arith.constant 0 : i32
    %c0_i32_1 = arith.constant 0 : i32
    return %c0_i32, %arg0, %c0_i32_0 : i32, i32, i32
  }
  func.func @transform_1(%arg0: i32) -> (i32, i32, i32) {
    %c1_i32 = arith.constant 1 : i32
    %c0_i32 = arith.constant 0 : i32
    %c0_i32_0 = arith.constant 0 : i32
    return %c1_i32, %arg0, %c0_i32 : i32, i32, i32
  }
  func.func @transform_2(%arg0: i32) -> (i32, i32) {
    %c0_i32 = arith.constant 0 : i32
    %c0_i32_0 = arith.constant 0 : i32
    return %arg0, %c0_i32 : i32, i32
  }
  func.func @transform_3(%arg0: i32) -> (i32, i32) {
    %c0_i32 = arith.constant 0 : i32
    %c0_i32_0 = arith.constant 0 : i32
    %c0_i32_1 = arith.constant 0 : i32
    return %c0_i32, %c0_i32_0 : i32, i32
  }
  func.func @transform_4(%arg0: i32) -> (i32, i32) {
    %c0_i32 = arith.constant 0 : i32
    %c0_i32_0 = arith.constant 0 : i32
    %c0_i32_1 = arith.constant 0 : i32
    return %c0_i32, %c0_i32_0 : i32, i32
  }
  func.func @transform_5(%arg0: i32) -> (i32, i32) {
    %c0_i32 = arith.constant 0 : i32
    %c0_i32_0 = arith.constant 0 : i32
    %c0_i32_1 = arith.constant 0 : i32
    return %c0_i32, %c0_i32_0 : i32, i32
  }
  func.func @transform_6(%arg0: i32) -> (i32, i32) {
    %c0_i32 = arith.constant 0 : i32
    %c0_i32_0 = arith.constant 0 : i32
    return %arg0, %c0_i32 : i32, i32
  }
  func.func @transform_7(%arg0: i32) -> (i32, i32) {
    %c0_i32 = arith.constant 0 : i32
    %c0_i32_0 = arith.constant 0 : i32
    %c0_i32_1 = arith.constant 0 : i32
    return %c0_i32, %c0_i32_0 : i32, i32
  }
  func.func @transform_8(%arg0: i32) -> (i32, i32) {
    %c0_i32 = arith.constant 0 : i32
    %c0_i32_0 = arith.constant 0 : i32
    %c0_i32_1 = arith.constant 0 : i32
    return %c0_i32, %c0_i32_0 : i32, i32
  }
  func.func @transform_9(%arg0: i32) -> (i32, i32) {
    %c0_i32 = arith.constant 0 : i32
    %c0_i32_0 = arith.constant 0 : i32
    %c0_i32_1 = arith.constant 0 : i32
    return %c0_i32, %c0_i32_0 : i32, i32
  }
}

</mosaic_0001>

<sc_bundles>
// kernel: kernel.11.cloned.1.call-start
scs
__scs_entry_jumppad:
0x0: {  	(pc) =	sbr.rel $0x88, $3  }
0x1: {  	(tag) =	ssettag $0x0;
	lr =	simm.s32 $0x1  }
0x2: {  	[smem:$0x3F93] =	sst lr;
	_ =	strace $0xD0000000  }
0x3: {  	_ = 	snop  }
0x4: {  	_ = 	snop  }
0x5: {  	_ = 	snop  }
0x6: {  	_ = 	snop  }
0x7: {  	_ = 	snop  }
__scs_overlays_trampoline_lowered:
0x8: {  	[smem:$0x3FA2] =	sst s0  }
0x9: {  	[smem:$0x3FA3] =	sst s1  }
0xa: {  	[smem:$0x3FA4] =	sst s2  }
0xb: {  	[smem:$0x3FA5] =	sst s3  }
0xc: {  	[smem:$0x3FA6] =	sst s4  }
0xd: {  	[smem:$0x3FA7] =	sst s5  }
0xe: {  	[smem:$0x3FA8] =	sst s6  }
0xf: {  	[smem:$0x3FA9] =	sst s7  }
0x10: {  	[smem:$0x3FAA] =	sst s8  }
0x11: {  	[smem:$0x3FAB] =	sst s9;
	s0 =	simm.s32 @!p0 $0x0  }
0x12: {  	s1 =	sld [smem:$0x3F91];
	s0 =	simm.s32 @p0 $0x1  }
0x13: {  	[smem:$0x3FAC] =	sst s0;
	s0 =	simm.s32 @!p1 $0x0  }
0x14: {  	s2 =	sld [smem:$0x3F90];
	s0 =	simm.s32 @p1 $0x1  }
0x15: {  	[smem:$0x3FAD] =	sst s0;
	s0 =	simm.s32 @!p2 $0x0  }
0x16: {  	s3 =	sld [smem:$0x3FDB];
	s0 =	simm.s32 @p2 $0x1  }
0x17: {  	s4 =	simm.s32 $0x1BF5;
	[smem:$0x3FAF] =	sst s0  }
0x18: {  	s0 =	sld [smem:$0x3F92];
	_ =	swait.ge [sflag:s4], $0x0  }
0x19: {  	s7 =	sld [smem:$0x3F93]  }
0x1a: {  	s8 =	sadd.s32 $0xFFFFE003, lr  }
0x1b: {  	s9 =	sadd.s32 $0xFFFFFEF7, lr;
	s5 =	simm.s32 $0xFFFFFFFF;
	p2 =	slt.u32 s8, $0xFFFFF086  }
0x1c: {  	p1 =	slt.u32 s9, $0xF7A;
	s5 =	simm.s32 @!p2 $0x0  }
0x1d: {  	s5 =	simm.s32 @p1 $0x1;
	p0 =	seq.s32 s7, s2  }
0x1e: {  	s7 =	smul.u32 @!p0 $0xF7A, s2;
	p2 =	seq.s32 @!p0 s5, $0x0  }
0x1f: {  	s9 =	smul.u32 $0xF7A, s1;
	s8 =	simm.s32 @!p0 $0x1BF5;
	p2 =	por !p2, p0  }
0x20: {  	[sflag:s8] =	ssyncset.s32 @!p0 $0xFFFFF086;
	s6 =	sadd.s32 @!p0 s3, s7;
	s7 =	simm.s32 @!p0 $0x108  }
0x21: {  	s3 =	sadd.s32 s3, s9;
	s6 =	sadd.s32 @!p0 $0x88, s6;
	s7 =	simm.s32 @p2 $0x1082  }
0x22: {  	[simem:s7], [sflag:s8] =	dma.local @!p0 [hbm:s6], $0xF7A  }
0x23: {  	s9 =	sor.u32 $0xD0000000, s2;
	s6 =	simm.s32 $0x108;
	_ =	swait.ge @!p0 [sflag:s8], $0x0  }
0x24: {  	s3 =	sadd.s32 $0x88, s3;
	s6 =	simm.s32 @!p1 $0x1082;
	[sflag:s4] =	ssyncset.s32 $0xFFFFF086  }
0x25: {  	[simem:s6], [sflag:s4] =	dma.local [hbm:s3], $0xF7A  }
0x26: {  	[smem:$0x3F93] =	sst s1;
	(tag) =	ssettag s2;
	_ =	strace s9  }
0x27: {  	s1 =	sld [smem:$0x3FA3]  }
0x28: {  	s2 =	sld [smem:$0x3FA4]  }
0x29: {  	s4 =	sld [smem:$0x3FA6]  }
0x2a: {  	p0 =	seq.s32 s5, $0x0;
	s5 =	sld [smem:$0x3FA7]  }
0x2b: {  	s6 =	sld [smem:$0x3FA8]  }
0x2c: {  	s7 =	sld [smem:$0x3FA9]  }
0x2d: {  	s3 =	simm.s32 $0x108;
	s8 =	sld [smem:$0x3FAA]  }
0x2e: {  	s3 =	simm.s32 @!p0 $0x1082;
	s9 =	sld [smem:$0x3FAB]  }
0x2f: {  	lr =	sadd.s32 s0, s3;
	s0 =	sld [smem:$0x3FA2]  }
0x30: {  	s3 =	sld [smem:$0x3FA5]  }
0x31: {  	[smem:$0x3FAE] =	sst s10  }
0x32: {  	s10 =	sld [smem:$0x3FAC];
	_ =	sdelay $0x3  }
0x33: {  	p0 =	seq.s32 s10, $0x1;
	s10 =	sld [smem:$0x3FAE];
	_ =	sdelay $0x3  }
0x34: {  	[smem:$0x3FAE] =	sst s10  }
0x35: {  	s10 =	sld [smem:$0x3FAD];
	_ =	sdelay $0x3  }
0x36: {  	p1 =	seq.s32 s10, $0x1;
	s10 =	sld [smem:$0x3FAE];
	_ =	sdelay $0x3  }
0x37: {  	[smem:$0x3FAE] =	sst s10  }
0x38: {  	s10 =	sld [smem:$0x3FAF]  }
0x39: {  	_ = 	snop;
	(pc) =	sbr.ind lr, $3  }
0x3a: {  	_ = 	snop  }
0x3b: {  	_ = 	snop  }
0x3c: {  	p2 =	seq.s32 s10, $0x1;
	s10 =	sld [smem:$0x3FAE]  }
0x3d: {  	_ =	shalt  }
0x3e: {  	_ =	shalt  }
0x3f: {  	_ =	shalt  }
0x40: {  	_ =	shalt  }
0x41: {  	_ =	shalt  }
0x42: {  	_ =	shalt  }
0x43: {  	_ =	shalt  }
0x44: {  	_ =	shalt  }
0x45: {  	_ =	shalt  }
0x46: {  	_ =	shalt  }
0x47: {  	_ =	shalt  }
0x48: {  	_ =	shalt  }
0x49: {  	_ =	shalt  }
0x4a: {  	_ =	shalt  }
0x4b: {  	_ =	shalt  }
0x4c: {  	_ =	shalt  }
0x4d: {  	_ =	shalt  }
0x4e: {  	_ =	shalt  }
0x4f: {  	_ =	shalt  }
0x50: {  	_ =	shalt  }
0x51: {  	_ =	shalt  }
0x52: {  	_ =	shalt  }
0x53: {  	_ =	shalt  }
0x54: {  	_ =	shalt  }
0x55: {  	_ =	shalt  }
0x56: {  	_ =	shalt  }
0x57: {  	_ =	shalt  }
0x58: {  	_ =	shalt  }
0x59: {  	_ =	shalt  }
0x5a: {  	_ =	shalt  }
0x5b: {  	_ =	shalt  }
0x5c: {  	_ =	shalt  }
0x5d: {  	_ =	shalt  }
0x5e: {  	_ =	shalt  }
0x5f: {  	_ =	shalt  }
0x60: {  	_ =	shalt  }
0x61: {  	_ =	shalt  }
0x62: {  	_ =	shalt  }
0x63: {  	_ =	shalt  }
0x64: {  	_ =	shalt  }
0x65: {  	_ =	shalt  }
0x66: {  	_ =	shalt  }
0x67: {  	_ =	shalt  }
0x68: {  	_ =	shalt  }
0x69: {  	_ =	shalt  }
0x6a: {  	_ =	shalt  }
0x6b: {  	_ =	shalt  }
0x6c: {  	_ =	shalt  }
0x6d: {  	_ =	shalt  }
0x6e: {  	_ =	shalt  }
0x6f: {  	_ =	shalt  }
0x70: {  	_ =	shalt  }
0x71: {  	_ =	shalt  }
0x72: {  	_ =	shalt  }
0x73: {  	_ =	shalt  }
0x74: {  	_ =	shalt  }
0x75: {  	_ =	shalt  }
0x76: {  	_ =	shalt  }
0x77: {  	_ =	shalt  }
0x78: {  	_ =	shalt  }
0x79: {  	_ =	shalt  }
0x7a: {  	_ =	shalt  }
0x7b: {  	_ =	shalt  }
0x7c: {  	_ =	shalt  }
0x7d: {  	_ =	shalt  }
0x7e: {  	_ =	shalt  }
0x7f: {  	_ =	shalt  }
0x80: {  	_ =	shalt  }
0x81: {  	_ =	shalt  }
0x82: {  	_ =	shalt  }
0x83: {  	_ =	shalt  }
0x84: {  	_ =	shalt  }
0x85: {  	_ =	shalt  }
0x86: {  	_ =	shalt  }
0x87: {  	_ =	shalt  }
.Lfunc_end0:
.L_simem_size_0:
called_computation.1_lowered:
.L_overlay_start_0:
0x88: {  	s2 =	sld [smem:$0x3FD9]  }
0x89: {  	s3 =	sld [smem:$0x3FFE];
	_ =	sdelay $0x1  }
0x8a: {  	s1 =	srdreg.scid  }
0x8b: {  	s0 =	sand.u32 $0x1, s1  }
0x8c: {  	s16 =	sshll.u32 s0, $0xA;
	s2 =	sadd.s32 s3, s2  }
0x8d: {  	s2 =	sadd.s32 s2, s16  }
0x8e: {  	[smem:$0x3FBA] =	sst s2  }
0x8f: {  	_ = 	snop  }
0x90: {  	(tm) =	ssettm $0x1  }
0x91: {  	s17 =	sld [smem:$0x3FFB];
	_ =	sdelay $0x3  }
0x92: {  	_ =	strace s17  }
0x93: {  	s2 =	sld [smem:$0x3FFC];
	_ =	sdelay $0x3  }
0x94: {  	_ =	strace s2  }
0x95: {  	s2 =	sld [smem:$0x3FFD];
	_ =	sdelay $0x3  }
0x96: {  	_ =	strace s2  }
0x97: {  	_ =	strace $0x8FFFFFFF  }
0x98: {  	s18 =	sld [smem:$0x3FDB];
	_ =	sdelay $0x1  }
0x99: {  	s19 =	simm.s32 $_scs_section_size  }
0x9a: {  	s4 =	simm.s32 $_size__tile_overlayer_lowered;
	s5 =	simm.s32 $_tile_overlayer_lowered  }
0x9b: {  	s22 =	simm.s32 $0x1BFF;
	s21 =	sshll.u32 s5, $0x1;
	s2 =	sadd.s32 s19, s18  }
0x9c: {  	s6 =	simm.s32 $0x0;
	s20 =	sshll.u32 s4, $0x1;
	s4 =	sadd.s32 s21, s2  }
0x9d: {  	[timem:s6], [sflag:s22] =	dma.local [hbm:s4], s20  }
0x9e: {  	_ =	swait.ge [sflag:s22], s20  }
0x9f: {  	s3 =	ssub.s32 $0x0, s20;
	[sflag:s22] =	ssyncset.done $0x0  }
0xa0: {  	[sflag:s22] =	ssyncadd.s32 s3;
	_ =	sdelay $0x1  }
0xa1: {  	s23 =	simm.s32 $0x1B8B  }
0xa2: {  	_ =	swait.ge [sflag:s23], $0x1  }
0xa3: {  	[sflag:s23] =	ssyncset.done $0x0  }
0xa4: {  	s25 =	simm.s32 $0x1B8E;
	s24 =	sld [smem:$0x3FFE];
	[sflag:s23] =	ssyncadd.s32 $0xFFFFFFFF  }
0xa5: {  	s26 =	simm.s32 $execute0_lowered;
	[smem:$0x3FD2] =	sst s25  }
0xa6: {  	s4 =	sshll.u32 s26, $0x1;
	_ =	strace $0x80000049;
	[dreg:$0x1] =	wrdreg $0xFFFFFFFF  }
0xa7: {  	s28 =	simm.s32 $_size_execute0_lowered;
	s2 =	sadd.s32 s2, s4;
	[dreg:$0x0] =	wrdreg $0x0  }
0xa8: {  	s4 =	sshll.u32 s28, $0x1;
	[dreg:$0x2] =	wrdreg s2  }
0xa9: {  	[dreg:$0x3] =	wrdreg s4  }
0xaa: {  	[dreg:$0x4] =	wrdreg $0xC0  }
0xab: {  	_ =	task [dreg:s6], $0x5FFFF  }
0xac: {  	[dreg:$0x1] =	wrdreg $0xFFFFFFFF  }
0xad: {  	[dreg:$0x0] =	wrdreg $0x60  }
0xae: {  	[dreg:$0x2] =	wrdreg s24  }
0xaf: {  	[dreg:$0x3] =	wrdreg $0xA8000  }
0xb0: {  	[dreg:$0x4] =	wrdreg $0x9  }
0xb1: {  	_ =	task.clear_ibuf [dreg:s6], $0x5FFFF;
	_ =	strace $0x90000049  }
0xb2: {  	s29 =	simm.s32 $0x9;
	_ =	strace $0x8000004B  }
0xb3: {  	_ =	swait.ge [sflag:s29], $0x1  }
0xb4: {  	[sflag:s29] =	ssyncadd.s32 $0xFFFFFFFF  }
0xb5: {  	_ =	strace $0x9000004B  }
0xb6: {  	_ =	sfence  }
0xb7: {  	s30 =	sld [smem:$0x0];
	_ =	sdelay $0x2  }
0xb8: {  	s31 =	sshll.u32 s1, $0xD;
	s1 =	sshrl.u32 s1, $0x2  }
0xb9: {  	s3 =	sand.u32 $0x4000, s31;
	s1 =	sadd.s32 s1, s30  }
0xba: {  	s0 =	sor.u32 s3, s0;
	s1 =	sshll.u32 s1, $0x11  }
0xbb: {  	s0 =	sor.u32 s1, s0  }
0xbc: {  	s0 =	sadd.s32 $0x8F2B, s0  }
0xbd: {  	[sflag:s0] =	ssyncadd.remote.s32 $0x1  }
0xbe: {  	_ =	sfence.sel $0xFFFF  }
0xbf: {  	[dreg:$0x0] =	wrdreg $0xFFFFFFFF;
	(pc) =	sbr.abs _section_cstart, $3  }
0xc0: {  	[dreg:$0x1] =	wrdreg $0xFFFFFFFF  }
0xc1: {  	_ =	task.clear_ibuf [dreg:s6], $0x2FFFF;
	_ =	strace $0x9FFFFFFF  }
0xc2: {  	(tm) =	ssettm $0x7FFFFFFF  }
0xc3: {  	_ =	shalt  }
tec
execute0_lowered:
.L_overlay_start_1:
0x0: {  	(tag) =	ssettag $0x1  }
0x1: {  	s0 =	srdreg.scid;
	s1 =	rddreg [dreg:$0x0]  }
0x2: {  	s2 =	rddreg [dreg:$0x1];
	s26 =	stileid.u32  }
0x3: {  	s3 =	simm.s32 $0x0;
	s11 =	simm.s32 $0x1400;
	s12 =	simm.s32 $0x7D  }
0x4: {  	s13 =	simm.s32 $0x2800;
	s17 =	simm.s32 $0x6800;
	s18 =	simm.s32 $0x1  }
0x5: {  	s19 =	simm.s32 $0x2780;
	s28 =	simm.s32 $0x2;
	s29 =	simm.s32 $0x0  }
0x6: {  	s0 =	sand.u32 $0x1, s0;
	[smem:$0x7FF] =	sst s3;
	s9 =	smul.u32 $0x4E200, s26  }
0x7: {  	s8 =	sadd.s32 $0x17200, s1;
	s23 =	smul.u32 $0x4F000, s26;
	s20 =	sadd.s32 $0x8200, s1  }
0x8: {  	s31 =	sshll.u32 s26, $0x6;
	p0 =	seq.s32 s26, $0xF;
	s4 =	sshll.u32 s0, $0x4  }
0x9: {  	_ =	strace $0x8000004A;
	s7 =	smul.u32 $0x27100, s0;
	s0 =	ssub.s32 $0x2, s0  }
0xa: {  	[dreg:$0x3] =	wrdreg s8;
	s14 =	sor.u32 $0x1C05, s31;
	s4 =	sor.u32 s26, s4  }
0xb: {  	s22 =	sshrl.u32 s0, $0x1;
	s25 =	sshrl.u32 s9, $0x2;
	s30 =	sshrl.u32 s23, $0x2  }
0xc: {  	s23 =	sadd.s32 $0x128400, s2;
	s5 =	smul.u32 $0x280, s4;
	s4 =	sadd.s32 $0x19A00, s1  }
0xd: {  	s10 =	sadd.s32 s7, s1;
	s0 =	ssub.s32 s0, s22;
	s22 =	simm.s32 $0x3  }
0xe: {  	s23 =	sshrl.u32 @p0 s23, $0x3;
	s7 =	sadd.s32 $0x40C00, s10;
	s0 =	smax.u32 s0, $0x1  }
0xf: {  	s10 =	simm.s32 $0x5;
	s6 =	sadd.s32 s5, s1;
	s1 =	sadd.s32 $0x12200, s1  }
0x10: {  	[dreg:$0x6] =	wrdreg s0;
	s20 =	sadd.s32 s5, s20;
	s24 =	sadd.s32 $0x3200, s6  }
0x11: {  	s16 =	smov.u32 s7;
	s6 =	sadd.s32 $0xD200, s6;
	[dreg:$0x4] =	wrdreg s24  }
0x12: {  	s21 =	sadd.s32 s5, s1;
	[dreg:$0x5] =	wrdreg s6;
	s24 =	smul.u32 $0x2780, s26  }
0x13: {  	s6 =	sadd.s32 s25, s2;
	s25 =	sadd.s32 s30, s2;
	s26 =	simm.s32 $0x4  }
0x14: {  	s15 =	sshrl.u32 s6, $0x3;
	s25 =	sshrl.u32 @!p0 s25, $0x3;
	s24 =	sadd.s32 @!p0 s24, s7  }
.LBB2_1:
0x15: {  	s0 =	rddreg [dreg:$0x4]  }
0x16: {  	[tilespmem:s3], [sflag:$0x5] =	stream.linear.gather [hbm4b:s0+s3], $0x1400, $0x38;
	[tilespmem:$0x1E080] =	vst v63  }
0x17: {  	_ =	swait.ge [sflag:s10], $0x1400  }
0x18: {  	[sflag:s10] =	ssyncset.done $0x0  }
0x19: {  	s1 =	rddreg [dreg:$0x5];
	[sflag:s10] =	ssyncadd.s32 $0xFFFFEC00  }
0x1a: {  	[tilespmem:s11], [sflag:$0x5] =	stream.linear.gather [hbm4b:s1+s3], $0x1400, $0x38;
	[tilespmem:$0x1E080] =	vst v63  }
0x1b: {  	_ =	swait.ge [sflag:s10], $0x1400  }
0x1c: {  	[sflag:s10] =	ssyncset.done $0x0  }
0x1d: {  	s5 =	rddreg [dreg:$0x3];
	[sflag:s10] =	ssyncadd.s32 $0xFFFFEC00  }
0x1e: {  	[tilespmem:s13], [sflag:$0x1] =	stream.indirect.gather [hbm4b:s4+s12], $0x80, s3, s12, $0xb8;
	[tilespmem:$0x1E080] =	vst v63  }
0x1f: {  	[spmem:s15], [sflag:s14] =	dma.local [hbm:s5], $0x2710  }
0x20: {  	_ =	swait.ge [sflag:s10], $0x2710  }
0x21: {  	[sflag:s10] =	ssyncset.done $0x0  }
0x22: {  	[sflag:s10] =	ssyncadd.s32 $0xFFFFD8F0  }
0x23: {  	s6 =	simm.s32 $0x80;
	[bflag:$0x0] =	sbarrier.arrive $0xFFFF  }
0x24: {  	[tilespmem:s17], [sflag:$0x2] =	stream.indirect.gather [hbm4b:s4+s12], $0x80, s6, s12, $0xb8;
	[tilespmem:$0x1E080] =	vst v63  }
0x25: {  	s7 =	sand.u32 $0x1, s28;
	_ =	swait.ge [sflag:s18], $0x3E80  }
0x26: {  	s30 =	simm.s32 $0x1;
	s31 =	simm.s32 $0x3;
	[sflag:s18] =	ssyncset.done $0x0  }
0x27: {  	s0 =	sadd.s32 $0x1, s7;
	s1 =	sadd.s32 $0x3, s7;
	[sflag:s18] =	ssyncadd.s32 $0xFFFFC180  }
0x28: {  	[spmem:s2] =	stream.indirect.scatter.add.f32 [tilespmem:s13], [sflag:$0x3], $0x80, s11, s12, $0xb8;
	[tilespmem:$0x1E080] =	vst v63  }
0x29: {  	s5 =	sshll.u32 s7, $0xE;
	s7 =	sand.u32 $0x1, s30;
	_ =	swait.ge [sflag:s1], $0x3E80  }
0x2a: {  	s8 =	sor.u32 $0x2800, s5;
	s9 =	sshll.u32 s7, $0xE;
	[sflag:s1] =	ssyncset.done $0x0  }
0x2b: {  	s6 =	simm.s32 $0x100;
	[sflag:s1] =	ssyncadd.s32 $0xFFFFC180;
	s1 =	sadd.s32 $0x1, s7  }
0x2c: {  	[tilespmem:s8], [sflag:s0] =	stream.indirect.gather [hbm4b:s4+s12], $0x80, s6, s12, $0xb8;
	[tilespmem:$0x1E080] =	vst v63  }
0x2d: {  	s30 =	simm.s32 $0x1480;
	s5 =	sor.u32 $0x2800, s9;
	_ =	swait.ge [sflag:s1], $0x3E80  }
0x2e: {  	s6 =	sadd.s32 $0x3, s7;
	s0 =	simm.s32 $0x1480;
	[sflag:s1] =	ssyncset.done $0x0  }
.LBB2_2:
0x2f: {  	p1 =	sne.s32 s31, $0x27  }
0x30: {  	[sflag:s1] =	ssyncadd.s32 $0xFFFFC180;
	s30 =	sadd.s32 $0x80, s30;
	s1 =	smov.u32 s31  }
0x31: {  	[spmem:s2] =	stream.indirect.scatter.add.f32 [tilespmem:s5], [sflag:s6], $0x80, s0, s12, $0xb8;
	[tilespmem:$0x1E080] =	vst v63  }
0x32: {  	s31 =	sadd.s32 $0x1, s31;
	s5 =	sand.u32 $0x1, s1;
	s0 =	smov.u32 s30  }
0x33: {  	s6 =	sadd.s32 $0x3, s5;
	s7 =	sshll.u32 s5, $0xE  }
0x34: {  	s9 =	sadd.s32 $0xFFFFEC80, s30;
	s1 =	sadd.s32 $0xFFFFFFFF, s1;
	_ =	swait.ge [sflag:s6], $0x3E80  }
0x35: {  	s5 =	sadd.s32 $0x1, s5;
	s8 =	sand.u32 $0x1, s1;
	[sflag:s6] =	ssyncset.done $0x0  }
.Ltmp0:
0x36: {  	s1 =	sor.u32 $0x2800, s7;
	[sflag:s6] =	ssyncadd.s32 $0xFFFFC180;
	(pc) =	sbr.rel @p1 .LBB2_2-.Ltmp0, $4  }
0x37: {  	[tilespmem:s1], [sflag:s5] =	stream.indirect.gather [hbm4b:s4+s12], $0x80, s9, s12, $0xb8;
	[tilespmem:$0x1E080] =	vst v63  }
0x38: {  	s5 =	sshll.u32 s8, $0xE;
	s1 =	sadd.s32 $0x1, s8  }
0x39: {  	_ =	swait.ge [sflag:s1], $0x3E80  }
0x3a: {  	s6 =	sadd.s32 $0x3, s8;
	s5 =	sor.u32 $0x2800, s5;
	[sflag:s1] =	ssyncset.done $0x0  }
0x3b: {  	[sflag:s1] =	ssyncadd.s32 $0xFFFFC180;
	s9 =	simm.s32 $0x2  }
0x3c: {  	[spmem:s2] =	stream.indirect.scatter.add.f32 [tilespmem:s5], [sflag:s6], $0x80, s0, s12, $0xb8;
	[tilespmem:$0x1E080] =	vst v63  }
0x3d: {  	_ =	swait.ge [sflag:s9], $0x3E80  }
0x3e: {  	[sflag:s9] =	ssyncset.done $0x0  }
0x3f: {  	[sflag:s9] =	ssyncadd.s32 $0xFFFFC180  }
0x40: {  	[spmem:s2] =	stream.indirect.scatter.add.f32 [tilespmem:s17], [sflag:$0x4], $0x80, s19, s12, $0xb8;
	[tilespmem:$0x1E080] =	vst v63  }
0x41: {  	_ =	swait.ge [sflag:s22], $0x3E80  }
0x42: {  	[sflag:s22] =	ssyncset.done $0x0  }
0x43: {  	[sflag:s22] =	ssyncadd.s32 $0xFFFFC180  }
0x44: {  	_ =	swait.ge [sflag:s26], $0x3E80  }
0x45: {  	[sflag:s26] =	ssyncset.done $0x0  }
0x46: {  	[sflag:s26] =	ssyncadd.s32 $0xFFFFC180  }
0x47: {  	[tilespmem:s3], [sflag:$0x5] =	stream.linear.gather [hbm4b:s20+s3], $0x1400, $0x38;
	[tilespmem:$0x1E080] =	vst v63  }
0x48: {  	_ =	swait.ge [sflag:s10], $0x1400  }
0x49: {  	[sflag:s10] =	ssyncset.done $0x0  }
0x4a: {  	[sflag:s10] =	ssyncadd.s32 $0xFFFFEC00  }
0x4b: {  	[tilespmem:s11], [sflag:$0x5] =	stream.linear.gather [hbm4b:s21+s3], $0x1400, $0x38;
	[tilespmem:$0x1E080] =	vst v63  }
0x4c: {  	_ =	swait.ge [sflag:s10], $0x1400  }
0x4d: {  	[sflag:s10] =	ssyncset.done $0x0  }
0x4e: {  	[sflag:s10] =	ssyncadd.s32 $0xFFFFEC00  }
0x4f: {  	[tilespmem:s13], [sflag:$0x1] =	stream.indirect.gather [hbm4b:s4+s12], $0x80, s3, s12, $0xb8;
	[tilespmem:$0x1E080] =	vst v63  }
0x50: {  	s5 =	simm.s32 $0x80  }
0x51: {  	[tilespmem:s17], [sflag:$0x2] =	stream.indirect.gather [hbm4b:s4+s12], $0x80, s5, s12, $0xb8;
	[tilespmem:$0x1E080] =	vst v63  }
0x52: {  	s7 =	simm.s32 $0x1;
	_ =	swait.ge [sflag:s18], $0x3E80  }
0x53: {  	s30 =	simm.s32 $0x1480;
	s0 =	sand.u32 $0x1, s9;
	[sflag:s18] =	ssyncset.done $0x0  }
0x54: {  	s31 =	simm.s32 $0x3;
	s6 =	sadd.s32 $0x3, s0;
	[sflag:s18] =	ssyncadd.s32 $0xFFFFC180  }
0x55: {  	[spmem:s2] =	stream.indirect.scatter.add.f32 [tilespmem:s13], [sflag:$0x3], $0x80, s11, s12, $0xb8;
	[tilespmem:$0x1E080] =	vst v63  }
0x56: {  	s7 =	sand.u32 $0x1, s7;
	s8 =	sshll.u32 s0, $0xE;
	_ =	swait.ge [sflag:s6], $0x3E80  }
0x57: {  	s0 =	sadd.s32 $0x1, s0;
	s1 =	sadd.s32 $0x1, s7;
	[sflag:s6] =	ssyncset.done $0x0  }
0x58: {  	s8 =	sor.u32 $0x2800, s8;
	s9 =	simm.s32 $0x100;
	[sflag:s6] =	ssyncadd.s32 $0xFFFFC180  }
0x59: {  	[tilespmem:s8], [sflag:s0] =	stream.indirect.gather [hbm4b:s4+s12], $0x80, s9, s12, $0xb8;
	[tilespmem:$0x1E080] =	vst v63  }
0x5a: {  	s6 =	sadd.s32 $0x3, s7;
	s9 =	sshll.u32 s7, $0xE;
	_ =	swait.ge [sflag:s1], $0x3E80  }
0x5b: {  	s0 =	simm.s32 $0x1480;
	s5 =	sor.u32 $0x2800, s9;
	[sflag:s1] =	ssyncset.done $0x0  }
.LBB2_4:
0x5c: {  	p1 =	sne.s32 s31, $0x27  }
0x5d: {  	[sflag:s1] =	ssyncadd.s32 $0xFFFFC180;
	s30 =	sadd.s32 $0x80, s30;
	s1 =	smov.u32 s31  }
0x5e: {  	[spmem:s2] =	stream.indirect.scatter.add.f32 [tilespmem:s5], [sflag:s6], $0x80, s0, s12, $0xb8;
	[tilespmem:$0x1E080] =	vst v63  }
0x5f: {  	s31 =	sadd.s32 $0x1, s31;
	s5 =	sand.u32 $0x1, s1;
	s0 =	smov.u32 s30  }
0x60: {  	s6 =	sadd.s32 $0x3, s5;
	s7 =	sshll.u32 s5, $0xE  }
0x61: {  	s8 =	sadd.s32 $0xFFFFEC80, s30;
	s1 =	sadd.s32 $0xFFFFFFFF, s1;
	_ =	swait.ge [sflag:s6], $0x3E80  }
0x62: {  	s5 =	sadd.s32 $0x1, s5;
	s9 =	sand.u32 $0x1, s1;
	[sflag:s6] =	ssyncset.done $0x0  }
.Ltmp1:
0x63: {  	s1 =	sor.u32 $0x2800, s7;
	[sflag:s6] =	ssyncadd.s32 $0xFFFFC180;
	(pc) =	sbr.rel @p1 .LBB2_4-.Ltmp1, $4  }
0x64: {  	[tilespmem:s1], [sflag:s5] =	stream.indirect.gather [hbm4b:s4+s12], $0x80, s8, s12, $0xb8;
	[tilespmem:$0x1E080] =	vst v63  }
0x65: {  	s5 =	sshll.u32 s9, $0xE;
	s1 =	sadd.s32 $0x1, s9  }
0x66: {  	_ =	swait.ge [sflag:s1], $0x3E80  }
0x67: {  	s6 =	sadd.s32 $0x3, s9;
	s5 =	sor.u32 $0x2800, s5;
	[sflag:s1] =	ssyncset.done $0x0  }
0x68: {  	[sflag:s1] =	ssyncadd.s32 $0xFFFFC180  }
0x69: {  	[spmem:s2] =	stream.indirect.scatter.add.f32 [tilespmem:s5], [sflag:s6], $0x80, s0, s12, $0xb8;
	[tilespmem:$0x1E080] =	vst v63  }
0x6a: {  	_ =	swait.ge [sflag:s28], $0x3E80  }
0x6b: {  	[sflag:s28] =	ssyncset.done $0x0  }
0x6c: {  	[sflag:s28] =	ssyncadd.s32 $0xFFFFC180  }
0x6d: {  	[spmem:s2] =	stream.indirect.scatter.add.f32 [tilespmem:s17], [sflag:$0x4], $0x80, s19, s12, $0xb8;
	[tilespmem:$0x1E080] =	vst v63  }
0x6e: {  	_ =	swait.ge [sflag:s22], $0x3E80  }
0x6f: {  	[sflag:s22] =	ssyncset.done $0x0  }
0x70: {  	[sflag:s22] =	ssyncadd.s32 $0xFFFFC180  }
0x71: {  	_ =	swait.ge [sflag:s26], $0x3E80  }
0x72: {  	[sflag:s26] =	ssyncset.done $0x0  }
0x73: {  	[sflag:s26] =	ssyncadd.s32 $0xFFFFC180  }
0x74: {  	s0 =	sadd.s32 @p0 $0x25080, s16;
	[bflag:$0x0] =	sbarrier.arrive $0xFFFF  }
0x75: {  	[hbm:s0], [sflag:s14] =	dma.local @p0 [spmem:s23], $0x2080  }
0x76: {  	s0 =	simm.s32 @p0 $0x5  }
0x77: {  	_ =	swait.ge @p0 [sflag:s0], $0x2080  }
0x78: {  	[sflag:s0] =	ssyncset.done @p0 $0x0  }
0x79: {  	[sflag:s0] =	ssyncadd.s32 @p0 $0xFFFFDF80;
	s0 =	simm.s32 @!p0 $0x5  }
0x7a: {  	[hbm:s24], [sflag:s14] =	dma.local @!p0 [spmem:s25], $0x2780  }
0x7b: {  	_ =	swait.ge @!p0 [sflag:s0], $0x2780  }
0x7c: {  	s29 =	sadd.s32 $0x1, s29;
	s31 =	rddreg [dreg:$0x6]  }
0x7d: {  	p1 =	sne.s32 s29, s31  }
.Ltmp2:
0x7e: {  	_ = 	snop;
	(pc) =	sbr.rel @p1 .LBB2_1-.Ltmp2, $3  }
0x7f: {  	_ =	sdelay $0x1  }
0x80: {  	[sflag:s0] =	ssyncset.done @!p0 $0x0  }
0x81: {  	[sflag:s0] =	ssyncadd.s32 @!p0 $0xFFFFD880  }
0x82: {  	_ =	sfence.sel $0x180000  }
0x83: {  	[bflag:$0x0] =	sbarrier.arrive $0xFFFF  }
0x84: {  	_ =	strace $0x9000004A  }
0x85: {  	s0 =	stileid.u32;
	[bflag:$0x2] =	sbarrier.arrive $0xFFFF  }
0x86: {  	p0 =	sne.s32 s0, $0x0;
	s0 =	rddreg [dreg:$0x2]  }
0x87: {  	s0 =	sadd.s32 @!p0 $0x100000, s0  }
0x88: {  	[sflag:s0] =	ssyncadd.tile.s32 @!p0 $0x1;
	_ =	shalt  }
.Lfunc_end2:
_tile_overlayer_lowered:
.L_overlay_start_2:
0x89: {  	(tag) =	ssettag $0x2  }
0x8a: {  	s0 =	rddreg [dreg:$0x0];
	s2 =	stileid.u32  }
0x8b: {  	s1 =	rddreg [dreg:$0x1];
	p0 =	sne.s32 s2, $0x0  }
0x8c: {  	s3 =	rddreg [dreg:$0x2];
	[bflag:$0x3] =	sbarrier.arrive $0xFFFF;
	s2 =	simm.s32 @!p0 $0x1C05  }
0x8d: {  	[timem:s3], [sflag:s2] =	dma.local @!p0 [hbm:s0], s1  }
0x8e: {  	s0 =	simm.s32 @!p0 $0x5  }
0x8f: {  	_ =	swait.ge @!p0 [sflag:s0], s1  }
0x90: {  	s1 =	ssub.s32 @!p0 $0x0, s1;
	[sflag:s0] =	ssyncset.done @!p0 $0x0  }
0x91: {  	[sflag:s0] =	ssyncadd.s32 @!p0 s1  }
0x92: {  	[bflag:$0x3] =	sbarrier.arrive $0xFFFF  }
0x93: {  	_ =	shalt  }

// kernel: kernel.14.cloned.1.call-start
scs
__scs_entry_jumppad:
0x0: {  	(pc) =	sbr.rel $0x88, $3  }
0x1: {  	(tag) =	ssettag $0x0;
	lr =	simm.s32 $0x1  }
0x2: {  	[smem:$0x3F93] =	sst lr;
	_ =	strace $0xD0000000  }
0x3: {  	_ = 	snop  }
0x4: {  	_ = 	snop  }
0x5: {  	_ = 	snop  }
0x6: {  	_ = 	snop  }
0x7: {  	_ = 	snop  }
__scs_overlays_trampoline_lowered:
0x8: {  	[smem:$0x3FA2] =	sst s0  }
0x9: {  	[smem:$0x3FA3] =	sst s1  }
0xa: {  	[smem:$0x3FA4] =	sst s2  }
0xb: {  	[smem:$0x3FA5] =	sst s3  }
0xc: {  	[smem:$0x3FA6] =	sst s4  }
0xd: {  	[smem:$0x3FA7] =	sst s5  }
0xe: {  	[smem:$0x3FA8] =	sst s6  }
0xf: {  	[smem:$0x3FA9] =	sst s7  }
0x10: {  	[smem:$0x3FAA] =	sst s8  }
0x11: {  	[smem:$0x3FAB] =	sst s9;
	s0 =	simm.s32 @!p0 $0x0  }
0x12: {  	s1 =	sld [smem:$0x3F91];
	s0 =	simm.s32 @p0 $0x1  }
0x13: {  	[smem:$0x3FAC] =	sst s0;
	s0 =	simm.s32 @!p1 $0x0  }
0x14: {  	s2 =	sld [smem:$0x3F90];
	s0 =	simm.s32 @p1 $0x1  }
0x15: {  	[smem:$0x3FAD] =	sst s0;
	s0 =	simm.s32 @!p2 $0x0  }
0x16: {  	s3 =	sld [smem:$0x3FDB];
	s0 =	simm.s32 @p2 $0x1  }
0x17: {  	s4 =	simm.s32 $0x1BF5;
	[smem:$0x3FAF] =	sst s0  }
0x18: {  	s0 =	sld [smem:$0x3F92];
	_ =	swait.ge [sflag:s4], $0x0  }
0x19: {  	s7 =	sld [smem:$0x3F93]  }
0x1a: {  	s8 =	sadd.s32 $0xFFFFE003, lr  }
0x1b: {  	s9 =	sadd.s32 $0xFFFFFEF7, lr;
	s5 =	simm.s32 $0xFFFFFFFF;
	p2 =	slt.u32 s8, $0xFFFFF086  }
0x1c: {  	p1 =	slt.u32 s9, $0xF7A;
	s5 =	simm.s32 @!p2 $0x0  }
0x1d: {  	s5 =	simm.s32 @p1 $0x1;
	p0 =	seq.s32 s7, s2  }
0x1e: {  	s7 =	smul.u32 @!p0 $0xF7A, s2;
	p2 =	seq.s32 @!p0 s5, $0x0  }
0x1f: {  	s9 =	smul.u32 $0xF7A, s1;
	s8 =	simm.s32 @!p0 $0x1BF5;
	p2 =	por !p2, p0  }
0x20: {  	[sflag:s8] =	ssyncset.s32 @!p0 $0xFFFFF086;
	s6 =	sadd.s32 @!p0 s3, s7;
	s7 =	simm.s32 @!p0 $0x108  }
0x21: {  	s3 =	sadd.s32 s3, s9;
	s6 =	sadd.s32 @!p0 $0x88, s6;
	s7 =	simm.s32 @p2 $0x1082  }
0x22: {  	[simem:s7], [sflag:s8] =	dma.local @!p0 [hbm:s6], $0xF7A  }
0x23: {  	s9 =	sor.u32 $0xD0000000, s2;
	s6 =	simm.s32 $0x108;
	_ =	swait.ge @!p0 [sflag:s8], $0x0  }
0x24: {  	s3 =	sadd.s32 $0x88, s3;
	s6 =	simm.s32 @!p1 $0x1082;
	[sflag:s4] =	ssyncset.s32 $0xFFFFF086  }
0x25: {  	[simem:s6], [sflag:s4] =	dma.local [hbm:s3], $0xF7A  }
0x26: {  	[smem:$0x3F93] =	sst s1;
	(tag) =	ssettag s2;
	_ =	strace s9  }
0x27: {  	s1 =	sld [smem:$0x3FA3]  }
0x28: {  	s2 =	sld [smem:$0x3FA4]  }
0x29: {  	s4 =	sld [smem:$0x3FA6]  }
0x2a: {  	p0 =	seq.s32 s5, $0x0;
	s5 =	sld [smem:$0x3FA7]  }
0x2b: {  	s6 =	sld [smem:$0x3FA8]  }
0x2c: {  	s7 =	sld [smem:$0x3FA9]  }
0x2d: {  	s3 =	simm.s32 $0x108;
	s8 =	sld [smem:$0x3FAA]  }
0x2e: {  	s3 =	simm.s32 @!p0 $0x1082;
	s9 =	sld [smem:$0x3FAB]  }
0x2f: {  	lr =	sadd.s32 s0, s3;
	s0 =	sld [smem:$0x3FA2]  }
0x30: {  	s3 =	sld [smem:$0x3FA5]  }
0x31: {  	[smem:$0x3FAE] =	sst s10  }
0x32: {  	s10 =	sld [smem:$0x3FAC];
	_ =	sdelay $0x3  }
0x33: {  	p0 =	seq.s32 s10, $0x1;
	s10 =	sld [smem:$0x3FAE];
	_ =	sdelay $0x3  }
0x34: {  	[smem:$0x3FAE] =	sst s10  }
0x35: {  	s10 =	sld [smem:$0x3FAD];
	_ =	sdelay $0x3  }
0x36: {  	p1 =	seq.s32 s10, $0x1;
	s10 =	sld [smem:$0x3FAE];
	_ =	sdelay $0x3  }
0x37: {  	[smem:$0x3FAE] =	sst s10  }
0x38: {  	s10 =	sld [smem:$0x3FAF]  }
0x39: {  	_ = 	snop;
	(pc) =	sbr.ind lr, $3  }
0x3a: {  	_ = 	snop  }
0x3b: {  	_ = 	snop  }
0x3c: {  	p2 =	seq.s32 s10, $0x1;
	s10 =	sld [smem:$0x3FAE]  }
0x3d: {  	_ =	shalt  }
0x3e: {  	_ =	shalt  }
0x3f: {  	_ =	shalt  }
0x40: {  	_ =	shalt  }
0x41: {  	_ =	shalt  }
0x42: {  	_ =	shalt  }
0x43: {  	_ =	shalt  }
0x44: {  	_ =	shalt  }
0x45: {  	_ =	shalt  }
0x46: {  	_ =	shalt  }
0x47: {  	_ =	shalt  }
0x48: {  	_ =	shalt  }
0x49: {  	_ =	shalt  }
0x4a: {  	_ =	shalt  }
0x4b: {  	_ =	shalt  }
0x4c: {  	_ =	shalt  }
0x4d: {  	_ =	shalt  }
0x4e: {  	_ =	shalt  }
0x4f: {  	_ =	shalt  }
0x50: {  	_ =	shalt  }
0x51: {  	_ =	shalt  }
0x52: {  	_ =	shalt  }
0x53: {  	_ =	shalt  }
0x54: {  	_ =	shalt  }
0x55: {  	_ =	shalt  }
0x56: {  	_ =	shalt  }
0x57: {  	_ =	shalt  }
0x58: {  	_ =	shalt  }
0x59: {  	_ =	shalt  }
0x5a: {  	_ =	shalt  }
0x5b: {  	_ =	shalt  }
0x5c: {  	_ =	shalt  }
0x5d: {  	_ =	shalt  }
0x5e: {  	_ =	shalt  }
0x5f: {  	_ =	shalt  }
0x60: {  	_ =	shalt  }
0x61: {  	_ =	shalt  }
0x62: {  	_ =	shalt  }
0x63: {  	_ =	shalt  }
0x64: {  	_ =	shalt  }
0x65: {  	_ =	shalt  }
0x66: {  	_ =	shalt  }
0x67: {  	_ =	shalt  }
0x68: {  	_ =	shalt  }
0x69: {  	_ =	shalt  }
0x6a: {  	_ =	shalt  }
0x6b: {  	_ =	shalt  }
0x6c: {  	_ =	shalt  }
0x6d: {  	_ =	shalt  }
0x6e: {  	_ =	shalt  }
0x6f: {  	_ =	shalt  }
0x70: {  	_ =	shalt  }
0x71: {  	_ =	shalt  }
0x72: {  	_ =	shalt  }
0x73: {  	_ =	shalt  }
0x74: {  	_ =	shalt  }
0x75: {  	_ =	shalt  }
0x76: {  	_ =	shalt  }
0x77: {  	_ =	shalt  }
0x78: {  	_ =	shalt  }
0x79: {  	_ =	shalt  }
0x7a: {  	_ =	shalt  }
0x7b: {  	_ =	shalt  }
0x7c: {  	_ =	shalt  }
0x7d: {  	_ =	shalt  }
0x7e: {  	_ =	shalt  }
0x7f: {  	_ =	shalt  }
0x80: {  	_ =	shalt  }
0x81: {  	_ =	shalt  }
0x82: {  	_ =	shalt  }
0x83: {  	_ =	shalt  }
0x84: {  	_ =	shalt  }
0x85: {  	_ =	shalt  }
0x86: {  	_ =	shalt  }
0x87: {  	_ =	shalt  }
.Lfunc_end0:
.L_simem_size_0:
called_computation.2_lowered:
.L_overlay_start_0:
0x88: {  	s2 =	sld [smem:$0x3FD9]  }
0x89: {  	s3 =	sld [smem:$0x3FFE];
	_ =	sdelay $0x1  }
0x8a: {  	s1 =	srdreg.scid  }
0x8b: {  	s0 =	sand.u32 $0x1, s1  }
0x8c: {  	s16 =	sshll.u32 s0, $0xA;
	s2 =	sadd.s32 s3, s2  }
0x8d: {  	s2 =	sadd.s32 s2, s16  }
0x8e: {  	[smem:$0x3FBA] =	sst s2  }
0x8f: {  	_ = 	snop  }
0x90: {  	(tm) =	ssettm $0x1  }
0x91: {  	s17 =	sld [smem:$0x3FFB];
	_ =	sdelay $0x3  }
0x92: {  	_ =	strace s17  }
0x93: {  	s2 =	sld [smem:$0x3FFC];
	_ =	sdelay $0x3  }
0x94: {  	_ =	strace s2  }
0x95: {  	s2 =	sld [smem:$0x3FFD];
	_ =	sdelay $0x3  }
0x96: {  	_ =	strace s2  }
0x97: {  	_ =	strace $0x8FFFFFFF  }
0x98: {  	s18 =	sld [smem:$0x3FDB];
	_ =	sdelay $0x1  }
0x99: {  	s19 =	simm.s32 $_scs_section_size  }
0x9a: {  	s4 =	simm.s32 $_size__tile_overlayer_lowered;
	s5 =	simm.s32 $_tile_overlayer_lowered  }
0x9b: {  	s22 =	simm.s32 $0x1BFF;
	s21 =	sshll.u32 s5, $0x1;
	s2 =	sadd.s32 s19, s18  }
0x9c: {  	s6 =	simm.s32 $0x0;
	s20 =	sshll.u32 s4, $0x1;
	s4 =	sadd.s32 s21, s2  }
0x9d: {  	[timem:s6], [sflag:s22] =	dma.local [hbm:s4], s20  }
0x9e: {  	_ =	swait.ge [sflag:s22], s20  }
0x9f: {  	s3 =	ssub.s32 $0x0, s20;
	[sflag:s22] =	ssyncset.done $0x0  }
0xa0: {  	[sflag:s22] =	ssyncadd.s32 s3;
	_ =	sdelay $0x1  }
0xa1: {  	s23 =	simm.s32 $0x1B8B  }
0xa2: {  	_ =	swait.ge [sflag:s23], $0x1  }
0xa3: {  	[sflag:s23] =	ssyncset.done $0x0  }
0xa4: {  	s25 =	simm.s32 $0x1B8E;
	s24 =	sld [smem:$0x3FFE];
	[sflag:s23] =	ssyncadd.s32 $0xFFFFFFFF  }
0xa5: {  	s26 =	simm.s32 $execute0_lowered;
	[smem:$0x3FD2] =	sst s25  }
0xa6: {  	s4 =	sshll.u32 s26, $0x1;
	_ =	strace $0x8000004C;
	[dreg:$0x1] =	wrdreg $0xFFFFFFFF  }
0xa7: {  	s28 =	simm.s32 $_size_execute0_lowered;
	s2 =	sadd.s32 s2, s4;
	[dreg:$0x0] =	wrdreg $0x0  }
0xa8: {  	s4 =	sshll.u32 s28, $0x1;
	[dreg:$0x2] =	wrdreg s2  }
0xa9: {  	[dreg:$0x3] =	wrdreg s4  }
0xaa: {  	[dreg:$0x4] =	wrdreg $0xC0  }
0xab: {  	_ =	task [dreg:s6], $0x5FFFF  }
0xac: {  	[dreg:$0x1] =	wrdreg $0xFFFFFFFF  }
0xad: {  	[dreg:$0x0] =	wrdreg $0x60  }
0xae: {  	[dreg:$0x2] =	wrdreg s24  }
0xaf: {  	[dreg:$0x3] =	wrdreg $0xA8000  }
0xb0: {  	[dreg:$0x4] =	wrdreg $0x9  }
0xb1: {  	_ =	task.clear_ibuf [dreg:s6], $0x5FFFF;
	_ =	strace $0x9000004C  }
0xb2: {  	s29 =	simm.s32 $0x9;
	_ =	strace $0x8000004E  }
0xb3: {  	_ =	swait.ge [sflag:s29], $0x1  }
0xb4: {  	[sflag:s29] =	ssyncadd.s32 $0xFFFFFFFF  }
0xb5: {  	_ =	strace $0x9000004E  }
0xb6: {  	_ =	sfence  }
0xb7: {  	s30 =	sld [smem:$0x0];
	_ =	sdelay $0x2  }
0xb8: {  	s31 =	sshll.u32 s1, $0xD;
	s1 =	sshrl.u32 s1, $0x2  }
0xb9: {  	s3 =	sand.u32 $0x4000, s31;
	s1 =	sadd.s32 s1, s30  }
0xba: {  	s0 =	sor.u32 s3, s0;
	s1 =	sshll.u32 s1, $0x11  }
0xbb: {  	s0 =	sor.u32 s1, s0  }
0xbc: {  	s0 =	sadd.s32 $0x8F2B, s0  }
0xbd: {  	[sflag:s0] =	ssyncadd.remote.s32 $0x1  }
0xbe: {  	_ =	sfence.sel $0xFFFF  }
0xbf: {  	[dreg:$0x0] =	wrdreg $0xFFFFFFFF;
	(pc) =	sbr.abs _section_cstart, $3  }
0xc0: {  	[dreg:$0x1] =	wrdreg $0xFFFFFFFF  }
0xc1: {  	_ =	task.clear_ibuf [dreg:s6], $0x2FFFF;
	_ =	strace $0x9FFFFFFF  }
0xc2: {  	(tm) =	ssettm $0x7FFFFFFF  }
0xc3: {  	_ =	shalt  }
tec
execute0_lowered:
.L_overlay_start_1:
0x0: {  	(tag) =	ssettag $0x1  }
0x1: {  	s0 =	srdreg.scid;
	s1 =	rddreg [dreg:$0x0]  }
0x2: {  	s2 =	rddreg [dreg:$0x1];
	s26 =	stileid.u32  }
0x3: {  	s3 =	simm.s32 $0x0;
	s11 =	simm.s32 $0x1400;
	s12 =	simm.s32 $0x7D  }
0x4: {  	s13 =	simm.s32 $0x2800;
	s17 =	simm.s32 $0x6800;
	s18 =	simm.s32 $0x1  }
0x5: {  	s19 =	simm.s32 $0x2780;
	s28 =	simm.s32 $0x2;
	s29 =	simm.s32 $0x0  }
0x6: {  	s0 =	sand.u32 $0x1, s0;
	[smem:$0x7FF] =	sst s3;
	s9 =	smul.u32 $0x4E200, s26  }
0x7: {  	s8 =	sadd.s32 $0x17200, s1;
	s23 =	smul.u32 $0x4F000, s26;
	s20 =	sadd.s32 $0x8200, s1  }
0x8: {  	s31 =	sshll.u32 s26, $0x6;
	p0 =	seq.s32 s26, $0xF;
	s4 =	sshll.u32 s0, $0x4  }
0x9: {  	_ =	strace $0x8000004D;
	s7 =	smul.u32 $0x27100, s0;
	s0 =	ssub.s32 $0x2, s0  }
0xa: {  	[dreg:$0x3] =	wrdreg s8;
	s14 =	sor.u32 $0x1C05, s31;
	s4 =	sor.u32 s26, s4  }
0xb: {  	s22 =	sshrl.u32 s0, $0x1;
	s25 =	sshrl.u32 s9, $0x2;
	s30 =	sshrl.u32 s23, $0x2  }
0xc: {  	s23 =	sadd.s32 $0x128400, s2;
	s5 =	smul.u32 $0x280, s4;
	s4 =	sadd.s32 $0x19A00, s1  }
0xd: {  	s10 =	sadd.s32 s7, s1;
	s0 =	ssub.s32 s0, s22;
	s22 =	simm.s32 $0x3  }
0xe: {  	s23 =	sshrl.u32 @p0 s23, $0x3;
	s7 =	sadd.s32 $0x40C00, s10;
	s0 =	smax.u32 s0, $0x1  }
0xf: {  	s10 =	simm.s32 $0x5;
	s6 =	sadd.s32 s5, s1;
	s1 =	sadd.s32 $0x12200, s1  }
0x10: {  	[dreg:$0x6] =	wrdreg s0;
	s20 =	sadd.s32 s5, s20;
	s24 =	sadd.s32 $0x3200, s6  }
0x11: {  	s16 =	smov.u32 s7;
	s6 =	sadd.s32 $0xD200, s6;
	[dreg:$0x4] =	wrdreg s24  }
0x12: {  	s21 =	sadd.s32 s5, s1;
	[dreg:$0x5] =	wrdreg s6;
	s24 =	smul.u32 $0x2780, s26  }
0x13: {  	s6 =	sadd.s32 s25, s2;
	s25 =	sadd.s32 s30, s2;
	s26 =	simm.s32 $0x4  }
0x14: {  	s15 =	sshrl.u32 s6, $0x3;
	s25 =	sshrl.u32 @!p0 s25, $0x3;
	s24 =	sadd.s32 @!p0 s24, s7  }
.LBB2_1:
0x15: {  	s0 =	rddreg [dreg:$0x4]  }
0x16: {  	[tilespmem:s3], [sflag:$0x5] =	stream.linear.gather [hbm4b:s0+s3], $0x1400, $0x38;
	[tilespmem:$0x1E080] =	vst v63  }
0x17: {  	_ =	swait.ge [sflag:s10], $0x1400  }
0x18: {  	[sflag:s10] =	ssyncset.done $0x0  }
0x19: {  	s1 =	rddreg [dreg:$0x5];
	[sflag:s10] =	ssyncadd.s32 $0xFFFFEC00  }
0x1a: {  	[tilespmem:s11], [sflag:$0x5] =	stream.linear.gather [hbm4b:s1+s3], $0x1400, $0x38;
	[tilespmem:$0x1E080] =	vst v63  }
0x1b: {  	_ =	swait.ge [sflag:s10], $0x1400  }
0x1c: {  	[sflag:s10] =	ssyncset.done $0x0  }
0x1d: {  	s5 =	rddreg [dreg:$0x3];
	[sflag:s10] =	ssyncadd.s32 $0xFFFFEC00  }
0x1e: {  	[tilespmem:s13], [sflag:$0x1] =	stream.indirect.gather [hbm4b:s4+s12], $0x80, s3, s12, $0xb8;
	[tilespmem:$0x1E080] =	vst v63  }
0x1f: {  	[spmem:s15], [sflag:s14] =	dma.local [hbm:s5], $0x2710  }
0x20: {  	_ =	swait.ge [sflag:s10], $0x2710  }
0x21: {  	[sflag:s10] =	ssyncset.done $0x0  }
0x22: {  	[sflag:s10] =	ssyncadd.s32 $0xFFFFD8F0  }
0x23: {  	s6 =	simm.s32 $0x80;
	[bflag:$0x0] =	sbarrier.arrive $0xFFFF  }
0x24: {  	[tilespmem:s17], [sflag:$0x2] =	stream.indirect.gather [hbm4b:s4+s12], $0x80, s6, s12, $0xb8;
	[tilespmem:$0x1E080] =	vst v63  }
0x25: {  	s7 =	sand.u32 $0x1, s28;
	_ =	swait.ge [sflag:s18], $0x3E80  }
0x26: {  	s30 =	simm.s32 $0x1;
	s31 =	simm.s32 $0x3;
	[sflag:s18] =	ssyncset.done $0x0  }
0x27: {  	s0 =	sadd.s32 $0x1, s7;
	s1 =	sadd.s32 $0x3, s7;
	[sflag:s18] =	ssyncadd.s32 $0xFFFFC180  }
0x28: {  	[spmem:s2] =	stream.indirect.scatter.add.f32 [tilespmem:s13], [sflag:$0x3], $0x80, s11, s12, $0xb8;
	[tilespmem:$0x1E080] =	vst v63  }
0x29: {  	s5 =	sshll.u32 s7, $0xE;
	s7 =	sand.u32 $0x1, s30;
	_ =	swait.ge [sflag:s1], $0x3E80  }
0x2a: {  	s8 =	sor.u32 $0x2800, s5;
	s9 =	sshll.u32 s7, $0xE;
	[sflag:s1] =	ssyncset.done $0x0  }
0x2b: {  	s6 =	simm.s32 $0x100;
	[sflag:s1] =	ssyncadd.s32 $0xFFFFC180;
	s1 =	sadd.s32 $0x1, s7  }
0x2c: {  	[tilespmem:s8], [sflag:s0] =	stream.indirect.gather [hbm4b:s4+s12], $0x80, s6, s12, $0xb8;
	[tilespmem:$0x1E080] =	vst v63  }
0x2d: {  	s30 =	simm.s32 $0x1480;
	s5 =	sor.u32 $0x2800, s9;
	_ =	swait.ge [sflag:s1], $0x3E80  }
0x2e: {  	s6 =	sadd.s32 $0x3, s7;
	s0 =	simm.s32 $0x1480;
	[sflag:s1] =	ssyncset.done $0x0  }
.LBB2_2:
0x2f: {  	p1 =	sne.s32 s31, $0x27  }
0x30: {  	[sflag:s1] =	ssyncadd.s32 $0xFFFFC180;
	s30 =	sadd.s32 $0x80, s30;
	s1 =	smov.u32 s31  }
0x31: {  	[spmem:s2] =	stream.indirect.scatter.add.f32 [tilespmem:s5], [sflag:s6], $0x80, s0, s12, $0xb8;
	[tilespmem:$0x1E080] =	vst v63  }
0x32: {  	s31 =	sadd.s32 $0x1, s31;
	s5 =	sand.u32 $0x1, s1;
	s0 =	smov.u32 s30  }
0x33: {  	s6 =	sadd.s32 $0x3, s5;
	s7 =	sshll.u32 s5, $0xE  }
0x34: {  	s9 =	sadd.s32 $0xFFFFEC80, s30;
	s1 =	sadd.s32 $0xFFFFFFFF, s1;
	_ =	swait.ge [sflag:s6], $0x3E80  }
0x35: {  	s5 =	sadd.s32 $0x1, s5;
	s8 =	sand.u32 $0x1, s1;
	[sflag:s6] =	ssyncset.done $0x0  }
.Ltmp0:
0x36: {  	s1 =	sor.u32 $0x2800, s7;
	[sflag:s6] =	ssyncadd.s32 $0xFFFFC180;
	(pc) =	sbr.rel @p1 .LBB2_2-.Ltmp0, $4  }
0x37: {  	[tilespmem:s1], [sflag:s5] =	stream.indirect.gather [hbm4b:s4+s12], $0x80, s9, s12, $0xb8;
	[tilespmem:$0x1E080] =	vst v63  }
0x38: {  	s5 =	sshll.u32 s8, $0xE;
	s1 =	sadd.s32 $0x1, s8  }
0x39: {  	_ =	swait.ge [sflag:s1], $0x3E80  }
0x3a: {  	s6 =	sadd.s32 $0x3, s8;
	s5 =	sor.u32 $0x2800, s5;
	[sflag:s1] =	ssyncset.done $0x0  }
0x3b: {  	[sflag:s1] =	ssyncadd.s32 $0xFFFFC180;
	s9 =	simm.s32 $0x2  }
0x3c: {  	[spmem:s2] =	stream.indirect.scatter.add.f32 [tilespmem:s5], [sflag:s6], $0x80, s0, s12, $0xb8;
	[tilespmem:$0x1E080] =	vst v63  }
0x3d: {  	_ =	swait.ge [sflag:s9], $0x3E80  }
0x3e: {  	[sflag:s9] =	ssyncset.done $0x0  }
0x3f: {  	[sflag:s9] =	ssyncadd.s32 $0xFFFFC180  }
0x40: {  	[spmem:s2] =	stream.indirect.scatter.add.f32 [tilespmem:s17], [sflag:$0x4], $0x80, s19, s12, $0xb8;
	[tilespmem:$0x1E080] =	vst v63  }
0x41: {  	_ =	swait.ge [sflag:s22], $0x3E80  }
0x42: {  	[sflag:s22] =	ssyncset.done $0x0  }
0x43: {  	[sflag:s22] =	ssyncadd.s32 $0xFFFFC180  }
0x44: {  	_ =	swait.ge [sflag:s26], $0x3E80  }
0x45: {  	[sflag:s26] =	ssyncset.done $0x0  }
0x46: {  	[sflag:s26] =	ssyncadd.s32 $0xFFFFC180  }
0x47: {  	[tilespmem:s3], [sflag:$0x5] =	stream.linear.gather [hbm4b:s20+s3], $0x1400, $0x38;
	[tilespmem:$0x1E080] =	vst v63  }
0x48: {  	_ =	swait.ge [sflag:s10], $0x1400  }
0x49: {  	[sflag:s10] =	ssyncset.done $0x0  }
0x4a: {  	[sflag:s10] =	ssyncadd.s32 $0xFFFFEC00  }
0x4b: {  	[tilespmem:s11], [sflag:$0x5] =	stream.linear.gather [hbm4b:s21+s3], $0x1400, $0x38;
	[tilespmem:$0x1E080] =	vst v63  }
0x4c: {  	_ =	swait.ge [sflag:s10], $0x1400  }
0x4d: {  	[sflag:s10] =	ssyncset.done $0x0  }
0x4e: {  	[sflag:s10] =	ssyncadd.s32 $0xFFFFEC00  }
0x4f: {  	[tilespmem:s13], [sflag:$0x1] =	stream.indirect.gather [hbm4b:s4+s12], $0x80, s3, s12, $0xb8;
	[tilespmem:$0x1E080] =	vst v63  }
0x50: {  	s5 =	simm.s32 $0x80  }
0x51: {  	[tilespmem:s17], [sflag:$0x2] =	stream.indirect.gather [hbm4b:s4+s12], $0x80, s5, s12, $0xb8;
	[tilespmem:$0x1E080] =	vst v63  }
0x52: {  	s7 =	simm.s32 $0x1;
	_ =	swait.ge [sflag:s18], $0x3E80  }
0x53: {  	s30 =	simm.s32 $0x1480;
	s0 =	sand.u32 $0x1, s9;
	[sflag:s18] =	ssyncset.done $0x0  }
0x54: {  	s31 =	simm.s32 $0x3;
	s6 =	sadd.s32 $0x3, s0;
	[sflag:s18] =	ssyncadd.s32 $0xFFFFC180  }
0x55: {  	[spmem:s2] =	stream.indirect.scatter.add.f32 [tilespmem:s13], [sflag:$0x3], $0x80, s11, s12, $0xb8;
	[tilespmem:$0x1E080] =	vst v63  }
0x56: {  	s7 =	sand.u32 $0x1, s7;
	s8 =	sshll.u32 s0, $0xE;
	_ =	swait.ge [sflag:s6], $0x3E80  }
0x57: {  	s0 =	sadd.s32 $0x1, s0;
	s1 =	sadd.s32 $0x1, s7;
	[sflag:s6] =	ssyncset.done $0x0  }
0x58: {  	s8 =	sor.u32 $0x2800, s8;
	s9 =	simm.s32 $0x100;
	[sflag:s6] =	ssyncadd.s32 $0xFFFFC180  }
0x59: {  	[tilespmem:s8], [sflag:s0] =	stream.indirect.gather [hbm4b:s4+s12], $0x80, s9, s12, $0xb8;
	[tilespmem:$0x1E080] =	vst v63  }
0x5a: {  	s6 =	sadd.s32 $0x3, s7;
	s9 =	sshll.u32 s7, $0xE;
	_ =	swait.ge [sflag:s1], $0x3E80  }
0x5b: {  	s0 =	simm.s32 $0x1480;
	s5 =	sor.u32 $0x2800, s9;
	[sflag:s1] =	ssyncset.done $0x0  }
.LBB2_4:
0x5c: {  	p1 =	sne.s32 s31, $0x27  }
0x5d: {  	[sflag:s1] =	ssyncadd.s32 $0xFFFFC180;
	s30 =	sadd.s32 $0x80, s30;
	s1 =	smov.u32 s31  }
0x5e: {  	[spmem:s2] =	stream.indirect.scatter.add.f32 [tilespmem:s5], [sflag:s6], $0x80, s0, s12, $0xb8;
	[tilespmem:$0x1E080] =	vst v63  }
0x5f: {  	s31 =	sadd.s32 $0x1, s31;
	s5 =	sand.u32 $0x1, s1;
	s0 =	smov.u32 s30  }
0x60: {  	s6 =	sadd.s32 $0x3, s5;
	s7 =	sshll.u32 s5, $0xE  }
0x61: {  	s8 =	sadd.s32 $0xFFFFEC80, s30;
	s1 =	sadd.s32 $0xFFFFFFFF, s1;
	_ =	swait.ge [sflag:s6], $0x3E80  }
0x62: {  	s5 =	sadd.s32 $0x1, s5;
	s9 =	sand.u32 $0x1, s1;
	[sflag:s6] =	ssyncset.done $0x0  }
.Ltmp1:
0x63: {  	s1 =	sor.u32 $0x2800, s7;
	[sflag:s6] =	ssyncadd.s32 $0xFFFFC180;
	(pc) =	sbr.rel @p1 .LBB2_4-.Ltmp1, $4  }
0x64: {  	[tilespmem:s1], [sflag:s5] =	stream.indirect.gather [hbm4b:s4+s12], $0x80, s8, s12, $0xb8;
	[tilespmem:$0x1E080] =	vst v63  }
0x65: {  	s5 =	sshll.u32 s9, $0xE;
	s1 =	sadd.s32 $0x1, s9  }
0x66: {  	_ =	swait.ge [sflag:s1], $0x3E80  }
0x67: {  	s6 =	sadd.s32 $0x3, s9;
	s5 =	sor.u32 $0x2800, s5;
	[sflag:s1] =	ssyncset.done $0x0  }
0x68: {  	[sflag:s1] =	ssyncadd.s32 $0xFFFFC180  }
0x69: {  	[spmem:s2] =	stream.indirect.scatter.add.f32 [tilespmem:s5], [sflag:s6], $0x80, s0, s12, $0xb8;
	[tilespmem:$0x1E080] =	vst v63  }
0x6a: {  	_ =	swait.ge [sflag:s28], $0x3E80  }
0x6b: {  	[sflag:s28] =	ssyncset.done $0x0  }
0x6c: {  	[sflag:s28] =	ssyncadd.s32 $0xFFFFC180  }
0x6d: {  	[spmem:s2] =	stream.indirect.scatter.add.f32 [tilespmem:s17], [sflag:$0x4], $0x80, s19, s12, $0xb8;
	[tilespmem:$0x1E080] =	vst v63  }
0x6e: {  	_ =	swait.ge [sflag:s22], $0x3E80  }
0x6f: {  	[sflag:s22] =	ssyncset.done $0x0  }
0x70: {  	[sflag:s22] =	ssyncadd.s32 $0xFFFFC180  }
0x71: {  	_ =	swait.ge [sflag:s26], $0x3E80  }
0x72: {  	[sflag:s26] =	ssyncset.done $0x0  }
0x73: {  	[sflag:s26] =	ssyncadd.s32 $0xFFFFC180  }
0x74: {  	s0 =	sadd.s32 @p0 $0x25080, s16;
	[bflag:$0x0] =	sbarrier.arrive $0xFFFF  }
0x75: {  	[hbm:s0], [sflag:s14] =	dma.local @p0 [spmem:s23], $0x2080  }
0x76: {  	s0 =	simm.s32 @p0 $0x5  }
0x77: {  	_ =	swait.ge @p0 [sflag:s0], $0x2080  }
0x78: {  	[sflag:s0] =	ssyncset.done @p0 $0x0  }
0x79: {  	[sflag:s0] =	ssyncadd.s32 @p0 $0xFFFFDF80;
	s0 =	simm.s32 @!p0 $0x5  }
0x7a: {  	[hbm:s24], [sflag:s14] =	dma.local @!p0 [spmem:s25], $0x2780  }
0x7b: {  	_ =	swait.ge @!p0 [sflag:s0], $0x2780  }
0x7c: {  	s29 =	sadd.s32 $0x1, s29;
	s31 =	rddreg [dreg:$0x6]  }
0x7d: {  	p1 =	sne.s32 s29, s31  }
.Ltmp2:
0x7e: {  	_ = 	snop;
	(pc) =	sbr.rel @p1 .LBB2_1-.Ltmp2, $3  }
0x7f: {  	_ =	sdelay $0x1  }
0x80: {  	[sflag:s0] =	ssyncset.done @!p0 $0x0  }
0x81: {  	[sflag:s0] =	ssyncadd.s32 @!p0 $0xFFFFD880  }
0x82: {  	_ =	sfence.sel $0x180000  }
0x83: {  	[bflag:$0x0] =	sbarrier.arrive $0xFFFF  }
0x84: {  	_ =	strace $0x9000004D  }
0x85: {  	s0 =	stileid.u32;
	[bflag:$0x2] =	sbarrier.arrive $0xFFFF  }
0x86: {  	p0 =	sne.s32 s0, $0x0;
	s0 =	rddreg [dreg:$0x2]  }
0x87: {  	s0 =	sadd.s32 @!p0 $0x100000, s0  }
0x88: {  	[sflag:s0] =	ssyncadd.tile.s32 @!p0 $0x1;
	_ =	shalt  }
.Lfunc_end2:
_tile_overlayer_lowered:
.L_overlay_start_2:
0x89: {  	(tag) =	ssettag $0x2  }
0x8a: {  	s0 =	rddreg [dreg:$0x0];
	s2 =	stileid.u32  }
0x8b: {  	s1 =	rddreg [dreg:$0x1];
	p0 =	sne.s32 s2, $0x0  }
0x8c: {  	s3 =	rddreg [dreg:$0x2];
	[bflag:$0x3] =	sbarrier.arrive $0xFFFF;
	s2 =	simm.s32 @!p0 $0x1C05  }
0x8d: {  	[timem:s3], [sflag:s2] =	dma.local @!p0 [hbm:s0], s1  }
0x8e: {  	s0 =	simm.s32 @!p0 $0x5  }
0x8f: {  	_ =	swait.ge @!p0 [sflag:s0], s1  }
0x90: {  	s1 =	ssub.s32 @!p0 $0x0, s1;
	[sflag:s0] =	ssyncset.done @!p0 $0x0  }
0x91: {  	[sflag:s0] =	ssyncadd.s32 @!p0 s1  }
0x92: {  	[bflag:$0x3] =	sbarrier.arrive $0xFFFF  }
0x93: {  	_ =	shalt  }

// kernel: kernel.8.cloned.1.call-start
scs
__scs_entry_jumppad:
0x0: {  	(pc) =	sbr.rel $0x88, $3  }
0x1: {  	(tag) =	ssettag $0x0;
	lr =	simm.s32 $0x1  }
0x2: {  	[smem:$0x3F93] =	sst lr;
	_ =	strace $0xD0000000  }
0x3: {  	_ = 	snop  }
0x4: {  	_ = 	snop  }
0x5: {  	_ = 	snop  }
0x6: {  	_ = 	snop  }
0x7: {  	_ = 	snop  }
__scs_overlays_trampoline_lowered:
0x8: {  	[smem:$0x3FA2] =	sst s0  }
0x9: {  	[smem:$0x3FA3] =	sst s1  }
0xa: {  	[smem:$0x3FA4] =	sst s2  }
0xb: {  	[smem:$0x3FA5] =	sst s3  }
0xc: {  	[smem:$0x3FA6] =	sst s4  }
0xd: {  	[smem:$0x3FA7] =	sst s5  }
0xe: {  	[smem:$0x3FA8] =	sst s6  }
0xf: {  	[smem:$0x3FA9] =	sst s7  }
0x10: {  	[smem:$0x3FAA] =	sst s8  }
0x11: {  	[smem:$0x3FAB] =	sst s9;
	s0 =	simm.s32 @!p0 $0x0  }
0x12: {  	s1 =	sld [smem:$0x3F91];
	s0 =	simm.s32 @p0 $0x1  }
0x13: {  	[smem:$0x3FAC] =	sst s0;
	s0 =	simm.s32 @!p1 $0x0  }
0x14: {  	s2 =	sld [smem:$0x3F90];
	s0 =	simm.s32 @p1 $0x1  }
0x15: {  	[smem:$0x3FAD] =	sst s0;
	s0 =	simm.s32 @!p2 $0x0  }
0x16: {  	s3 =	sld [smem:$0x3FDB];
	s0 =	simm.s32 @p2 $0x1  }
0x17: {  	s4 =	simm.s32 $0x1BF5;
	[smem:$0x3FAF] =	sst s0  }
0x18: {  	s0 =	sld [smem:$0x3F92];
	_ =	swait.ge [sflag:s4], $0x0  }
0x19: {  	s7 =	sld [smem:$0x3F93]  }
0x1a: {  	s8 =	sadd.s32 $0xFFFFE003, lr  }
0x1b: {  	s9 =	sadd.s32 $0xFFFFFEF7, lr;
	s5 =	simm.s32 $0xFFFFFFFF;
	p2 =	slt.u32 s8, $0xFFFFF086  }
0x1c: {  	p1 =	slt.u32 s9, $0xF7A;
	s5 =	simm.s32 @!p2 $0x0  }
0x1d: {  	s5 =	simm.s32 @p1 $0x1;
	p0 =	seq.s32 s7, s2  }
0x1e: {  	s7 =	smul.u32 @!p0 $0xF7A, s2;
	p2 =	seq.s32 @!p0 s5, $0x0  }
0x1f: {  	s9 =	smul.u32 $0xF7A, s1;
	s8 =	simm.s32 @!p0 $0x1BF5;
	p2 =	por !p2, p0  }
0x20: {  	[sflag:s8] =	ssyncset.s32 @!p0 $0xFFFFF086;
	s6 =	sadd.s32 @!p0 s3, s7;
	s7 =	simm.s32 @!p0 $0x108  }
0x21: {  	s3 =	sadd.s32 s3, s9;
	s6 =	sadd.s32 @!p0 $0x88, s6;
	s7 =	simm.s32 @p2 $0x1082  }
0x22: {  	[simem:s7], [sflag:s8] =	dma.local @!p0 [hbm:s6], $0xF7A  }
0x23: {  	s9 =	sor.u32 $0xD0000000, s2;
	s6 =	simm.s32 $0x108;
	_ =	swait.ge @!p0 [sflag:s8], $0x0  }
0x24: {  	s3 =	sadd.s32 $0x88, s3;
	s6 =	simm.s32 @!p1 $0x1082;
	[sflag:s4] =	ssyncset.s32 $0xFFFFF086  }
0x25: {  	[simem:s6], [sflag:s4] =	dma.local [hbm:s3], $0xF7A  }
0x26: {  	[smem:$0x3F93] =	sst s1;
	(tag) =	ssettag s2;
	_ =	strace s9  }
0x27: {  	s1 =	sld [smem:$0x3FA3]  }
0x28: {  	s2 =	sld [smem:$0x3FA4]  }
0x29: {  	s4 =	sld [smem:$0x3FA6]  }
0x2a: {  	p0 =	seq.s32 s5, $0x0;
	s5 =	sld [smem:$0x3FA7]  }
0x2b: {  	s6 =	sld [smem:$0x3FA8]  }
0x2c: {  	s7 =	sld [smem:$0x3FA9]  }
0x2d: {  	s3 =	simm.s32 $0x108;
	s8 =	sld [smem:$0x3FAA]  }
0x2e: {  	s3 =	simm.s32 @!p0 $0x1082;
	s9 =	sld [smem:$0x3FAB]  }
0x2f: {  	lr =	sadd.s32 s0, s3;
	s0 =	sld [smem:$0x3FA2]  }
0x30: {  	s3 =	sld [smem:$0x3FA5]  }
0x31: {  	[smem:$0x3FAE] =	sst s10  }
0x32: {  	s10 =	sld [smem:$0x3FAC];
	_ =	sdelay $0x3  }
0x33: {  	p0 =	seq.s32 s10, $0x1;
	s10 =	sld [smem:$0x3FAE];
	_ =	sdelay $0x3  }
0x34: {  	[smem:$0x3FAE] =	sst s10  }
0x35: {  	s10 =	sld [smem:$0x3FAD];
	_ =	sdelay $0x3  }
0x36: {  	p1 =	seq.s32 s10, $0x1;
	s10 =	sld [smem:$0x3FAE];
	_ =	sdelay $0x3  }
0x37: {  	[smem:$0x3FAE] =	sst s10  }
0x38: {  	s10 =	sld [smem:$0x3FAF]  }
0x39: {  	_ = 	snop;
	(pc) =	sbr.ind lr, $3  }
0x3a: {  	_ = 	snop  }
0x3b: {  	_ = 	snop  }
0x3c: {  	p2 =	seq.s32 s10, $0x1;
	s10 =	sld [smem:$0x3FAE]  }
0x3d: {  	_ =	shalt  }
0x3e: {  	_ =	shalt  }
0x3f: {  	_ =	shalt  }
0x40: {  	_ =	shalt  }
0x41: {  	_ =	shalt  }
0x42: {  	_ =	shalt  }
0x43: {  	_ =	shalt  }
0x44: {  	_ =	shalt  }
0x45: {  	_ =	shalt  }
0x46: {  	_ =	shalt  }
0x47: {  	_ =	shalt  }
0x48: {  	_ =	shalt  }
0x49: {  	_ =	shalt  }
0x4a: {  	_ =	shalt  }
0x4b: {  	_ =	shalt  }
0x4c: {  	_ =	shalt  }
0x4d: {  	_ =	shalt  }
0x4e: {  	_ =	shalt  }
0x4f: {  	_ =	shalt  }
0x50: {  	_ =	shalt  }
0x51: {  	_ =	shalt  }
0x52: {  	_ =	shalt  }
0x53: {  	_ =	shalt  }
0x54: {  	_ =	shalt  }
0x55: {  	_ =	shalt  }
0x56: {  	_ =	shalt  }
0x57: {  	_ =	shalt  }
0x58: {  	_ =	shalt  }
0x59: {  	_ =	shalt  }
0x5a: {  	_ =	shalt  }
0x5b: {  	_ =	shalt  }
0x5c: {  	_ =	shalt  }
0x5d: {  	_ =	shalt  }
0x5e: {  	_ =	shalt  }
0x5f: {  	_ =	shalt  }
0x60: {  	_ =	shalt  }
0x61: {  	_ =	shalt  }
0x62: {  	_ =	shalt  }
0x63: {  	_ =	shalt  }
0x64: {  	_ =	shalt  }
0x65: {  	_ =	shalt  }
0x66: {  	_ =	shalt  }
0x67: {  	_ =	shalt  }
0x68: {  	_ =	shalt  }
0x69: {  	_ =	shalt  }
0x6a: {  	_ =	shalt  }
0x6b: {  	_ =	shalt  }
0x6c: {  	_ =	shalt  }
0x6d: {  	_ =	shalt  }
0x6e: {  	_ =	shalt  }
0x6f: {  	_ =	shalt  }
0x70: {  	_ =	shalt  }
0x71: {  	_ =	shalt  }
0x72: {  	_ =	shalt  }
0x73: {  	_ =	shalt  }
0x74: {  	_ =	shalt  }
0x75: {  	_ =	shalt  }
0x76: {  	_ =	shalt  }
0x77: {  	_ =	shalt  }
0x78: {  	_ =	shalt  }
0x79: {  	_ =	shalt  }
0x7a: {  	_ =	shalt  }
0x7b: {  	_ =	shalt  }
0x7c: {  	_ =	shalt  }
0x7d: {  	_ =	shalt  }
0x7e: {  	_ =	shalt  }
0x7f: {  	_ =	shalt  }
0x80: {  	_ =	shalt  }
0x81: {  	_ =	shalt  }
0x82: {  	_ =	shalt  }
0x83: {  	_ =	shalt  }
0x84: {  	_ =	shalt  }
0x85: {  	_ =	shalt  }
0x86: {  	_ =	shalt  }
0x87: {  	_ =	shalt  }
.Lfunc_end0:
.L_simem_size_0:
called_computation_lowered:
.L_overlay_start_0:
0x88: {  	s2 =	sld [smem:$0x3FD9]  }
0x89: {  	s3 =	sld [smem:$0x3FFE];
	_ =	sdelay $0x1  }
0x8a: {  	s1 =	srdreg.scid  }
0x8b: {  	s0 =	sand.u32 $0x1, s1  }
0x8c: {  	s17 =	sshll.u32 s0, $0xA;
	s2 =	sadd.s32 s3, s2  }
0x8d: {  	s2 =	sadd.s32 s2, s17  }
0x8e: {  	[smem:$0x3FBA] =	sst s2  }
0x8f: {  	_ = 	snop  }
0x90: {  	s2 =	sld [smem:$0x3FC9];
	(tm) =	ssettm $0x1  }
0x91: {  	s18 =	sld [smem:$0x3FFB];
	_ =	sdelay $0x3  }
0x92: {  	_ =	strace s18  }
0x93: {  	s3 =	sld [smem:$0x3FFC];
	_ =	sdelay $0x3  }
0x94: {  	_ =	strace s3  }
0x95: {  	s3 =	sld [smem:$0x3FFD];
	_ =	sdelay $0x3  }
0x96: {  	_ =	strace s3  }
0x97: {  	_ =	strace $0x8FFFFFFF  }
0x98: {  	s19 =	sld [smem:$0x3FDB];
	_ =	sdelay $0x1  }
0x99: {  	s4 =	simm.s32 $_scs_section_size  }
0x9a: {  	s5 =	simm.s32 $_size__tile_overlayer_lowered;
	s6 =	simm.s32 $_tile_overlayer_lowered  }
0x9b: {  	s22 =	simm.s32 $0x1BFF;
	s21 =	sshll.u32 s6, $0x1;
	s3 =	sadd.s32 s4, s19  }
0x9c: {  	s7 =	simm.s32 $0x0;
	s20 =	sshll.u32 s5, $0x1;
	s5 =	sadd.s32 s21, s3  }
0x9d: {  	[timem:s7], [sflag:s22] =	dma.local [hbm:s5], s20  }
0x9e: {  	_ =	swait.ge [sflag:s22], s20  }
0x9f: {  	s4 =	ssub.s32 $0x0, s20;
	[sflag:s22] =	ssyncset.done $0x0  }
0xa0: {  	[sflag:s22] =	ssyncadd.s32 s4;
	_ =	sdelay $0x1  }
0xa1: {  	s23 =	simm.s32 $0x1B8B  }
0xa2: {  	_ =	swait.ge [sflag:s23], $0x1  }
0xa3: {  	[sflag:s23] =	ssyncset.done $0x0  }
0xa4: {  	s25 =	simm.s32 $0x1B8E;
	s24 =	sld [smem:$0x3FFE];
	[sflag:s23] =	ssyncadd.s32 $0xFFFFFFFF  }
0xa5: {  	s26 =	simm.s32 $execute0_lowered;
	[smem:$0x3FD2] =	sst s25  }
0xa6: {  	s5 =	sshll.u32 s26, $0x1;
	_ =	strace $0x80000046;
	[dreg:$0x1] =	wrdreg $0xFFFFFFFF  }
0xa7: {  	s28 =	simm.s32 $_size_execute0_lowered;
	s3 =	sadd.s32 s3, s5;
	[dreg:$0x0] =	wrdreg $0x0  }
0xa8: {  	s5 =	sshll.u32 s28, $0x1;
	[dreg:$0x2] =	wrdreg s3  }
0xa9: {  	[dreg:$0x3] =	wrdreg s5  }
0xaa: {  	[dreg:$0x4] =	wrdreg $0xC0  }
0xab: {  	_ =	task [dreg:s7], $0x5FFFF  }
0xac: {  	[dreg:$0x1] =	wrdreg $0xFFFFFFFF  }
0xad: {  	[dreg:$0x0] =	wrdreg $0x60  }
0xae: {  	[dreg:$0x2] =	wrdreg s2  }
0xaf: {  	[dreg:$0x3] =	wrdreg s24  }
0xb0: {  	[dreg:$0x4] =	wrdreg $0xA8000  }
0xb1: {  	[dreg:$0x5] =	wrdreg $0x9  }
0xb2: {  	_ =	task.clear_ibuf [dreg:s7], $0x6FFFF;
	_ =	strace $0x90000046  }
0xb3: {  	s29 =	simm.s32 $0x9;
	_ =	strace $0x80000048  }
0xb4: {  	_ =	swait.ge [sflag:s29], $0x1  }
0xb5: {  	[sflag:s29] =	ssyncadd.s32 $0xFFFFFFFF  }
0xb6: {  	_ =	strace $0x90000048  }
0xb7: {  	_ =	sfence  }
0xb8: {  	s30 =	sld [smem:$0x0];
	_ =	sdelay $0x2  }
0xb9: {  	s31 =	sshll.u32 s1, $0xD;
	s1 =	sshrl.u32 s1, $0x2  }
0xba: {  	s3 =	sand.u32 $0x4000, s31;
	s1 =	sadd.s32 s1, s30  }
0xbb: {  	s0 =	sor.u32 s3, s0;
	s1 =	sshll.u32 s1, $0x11  }
0xbc: {  	s0 =	sor.u32 s1, s0  }
0xbd: {  	s0 =	sadd.s32 $0x8F2B, s0  }
0xbe: {  	[sflag:s0] =	ssyncadd.remote.s32 $0x1  }
0xbf: {  	_ =	sfence.sel $0xFFFF  }
0xc0: {  	[dreg:$0x0] =	wrdreg $0xFFFFFFFF;
	(pc) =	sbr.abs _section_cstart, $3  }
0xc1: {  	[dreg:$0x1] =	wrdreg $0xFFFFFFFF  }
0xc2: {  	_ =	task.clear_ibuf [dreg:s7], $0x2FFFF;
	_ =	strace $0x9FFFFFFF  }
0xc3: {  	(tm) =	ssettm $0x7FFFFFFF  }
tec
execute0_lowered:
.L_overlay_start_1:
0x0: {  	(tag) =	ssettag $0x1  }
0x1: {  	s0 =	rddreg [dreg:$0x0]  }
0x2: {  	s2 =	rddreg [dreg:$0x1]  }
0x3: {  	s1 =	srdreg.scid;
	s3 =	rddreg [dreg:$0x2]  }
0x4: {  	s26 =	stileid.u32;
	s4 =	simm.s32 $0x0;
	s11 =	simm.s32 $0x1400  }
0x5: {  	s12 =	simm.s32 $0x7D;
	s13 =	simm.s32 $0x2800;
	s17 =	simm.s32 $0x6800  }
0x6: {  	s18 =	simm.s32 $0x1;
	s19 =	simm.s32 $0x2780;
	s28 =	simm.s32 $0x2  }
0x7: {  	s29 =	simm.s32 $0x0;
	s1 =	sand.u32 $0x1, s1;
	s9 =	smul.u32 $0x4E200, s26  }
0x8: {  	[smem:$0x7FF] =	sst s4;
	s8 =	sadd.s32 $0x17200, s2;
	s23 =	smul.u32 $0x4F000, s26  }
0x9: {  	s20 =	sadd.s32 $0x8200, s2;
	s31 =	sshll.u32 s26, $0x6;
	p0 =	seq.s32 s26, $0xF  }
0xa: {  	s5 =	sshll.u32 s1, $0x4;
	_ =	strace $0x80000047;
	s7 =	smul.u32 $0x27100, s1  }
0xb: {  	s1 =	ssub.s32 $0x2, s1;
	[dreg:$0x4] =	wrdreg s8;
	s14 =	sor.u32 $0x1C05, s31  }
0xc: {  	s5 =	sor.u32 s26, s5;
	s22 =	sshrl.u32 s1, $0x1;
	s25 =	sshrl.u32 s9, $0x2  }
0xd: {  	s30 =	sshrl.u32 s23, $0x2;
	s23 =	sadd.s32 $0x128400, s3;
	s5 =	smul.u32 $0x280, s5  }
0xe: {  	s10 =	sadd.s32 s7, s2;
	s1 =	ssub.s32 s1, s22;
	s22 =	simm.s32 $0x3  }
0xf: {  	s23 =	sshrl.u32 @p0 s23, $0x3;
	s7 =	sadd.s32 $0x19A00, s10;
	s1 =	smax.u32 s1, $0x1  }
0x10: {  	s10 =	simm.s32 $0x5;
	s6 =	sadd.s32 s5, s2;
	s2 =	sadd.s32 $0x12200, s2  }
0x11: {  	[dreg:$0x7] =	wrdreg s1;
	s20 =	sadd.s32 s5, s20;
	s24 =	sadd.s32 $0x3200, s6  }
0x12: {  	s16 =	smov.u32 s7;
	s6 =	sadd.s32 $0xD200, s6;
	[dreg:$0x5] =	wrdreg s24  }
0x13: {  	s21 =	sadd.s32 s5, s2;
	[dreg:$0x6] =	wrdreg s6;
	s24 =	smul.u32 $0x2780, s26  }
0x14: {  	s6 =	sadd.s32 s25, s3;
	s25 =	sadd.s32 s30, s3;
	s26 =	simm.s32 $0x4  }
0x15: {  	s15 =	sshrl.u32 s6, $0x3;
	s25 =	sshrl.u32 @!p0 s25, $0x3;
	s24 =	sadd.s32 @!p0 s24, s7  }
.LBB2_1:
0x16: {  	s1 =	rddreg [dreg:$0x5]  }
0x17: {  	[tilespmem:s4], [sflag:$0x5] =	stream.linear.gather [hbm4b:s1+s4], $0x1400, $0x38;
	[tilespmem:$0x1E080] =	vst v63  }
0x18: {  	_ =	swait.ge [sflag:s10], $0x1400  }
0x19: {  	[sflag:s10] =	ssyncset.done $0x0  }
0x1a: {  	s2 =	rddreg [dreg:$0x6];
	[sflag:s10] =	ssyncadd.s32 $0xFFFFEC00  }
0x1b: {  	[tilespmem:s11], [sflag:$0x5] =	stream.linear.gather [hbm4b:s2+s4], $0x1400, $0x38;
	[tilespmem:$0x1E080] =	vst v63  }
0x1c: {  	_ =	swait.ge [sflag:s10], $0x1400  }
0x1d: {  	[sflag:s10] =	ssyncset.done $0x0  }
0x1e: {  	s5 =	rddreg [dreg:$0x4];
	[sflag:s10] =	ssyncadd.s32 $0xFFFFEC00  }
0x1f: {  	[tilespmem:s13], [sflag:$0x1] =	stream.indirect.gather [hbm4b:s0+s12], $0x80, s4, s12, $0xb8;
	[tilespmem:$0x1E080] =	vst v63  }
0x20: {  	[spmem:s15], [sflag:s14] =	dma.local [hbm:s5], $0x2710  }
0x21: {  	_ =	swait.ge [sflag:s10], $0x2710  }
0x22: {  	[sflag:s10] =	ssyncset.done $0x0  }
0x23: {  	[sflag:s10] =	ssyncadd.s32 $0xFFFFD8F0  }
0x24: {  	s6 =	simm.s32 $0x80;
	[bflag:$0x0] =	sbarrier.arrive $0xFFFF  }
0x25: {  	[tilespmem:s17], [sflag:$0x2] =	stream.indirect.gather [hbm4b:s0+s12], $0x80, s6, s12, $0xb8;
	[tilespmem:$0x1E080] =	vst v63  }
0x26: {  	s7 =	sand.u32 $0x1, s28;
	_ =	swait.ge [sflag:s18], $0x3E80  }
0x27: {  	s30 =	simm.s32 $0x1;
	s31 =	simm.s32 $0x3;
	[sflag:s18] =	ssyncset.done $0x0  }
0x28: {  	s1 =	sadd.s32 $0x1, s7;
	s2 =	sadd.s32 $0x3, s7;
	[sflag:s18] =	ssyncadd.s32 $0xFFFFC180  }
0x29: {  	[spmem:s3] =	stream.indirect.scatter.add.f32 [tilespmem:s13], [sflag:$0x3], $0x80, s11, s12, $0xb8;
	[tilespmem:$0x1E080] =	vst v63  }
0x2a: {  	s5 =	sshll.u32 s7, $0xE;
	s7 =	sand.u32 $0x1, s30;
	_ =	swait.ge [sflag:s2], $0x3E80  }
0x2b: {  	s8 =	sor.u32 $0x2800, s5;
	s9 =	sshll.u32 s7, $0xE;
	[sflag:s2] =	ssyncset.done $0x0  }
0x2c: {  	s6 =	simm.s32 $0x100;
	[sflag:s2] =	ssyncadd.s32 $0xFFFFC180;
	s2 =	sadd.s32 $0x1, s7  }
0x2d: {  	[tilespmem:s8], [sflag:s1] =	stream.indirect.gather [hbm4b:s0+s12], $0x80, s6, s12, $0xb8;
	[tilespmem:$0x1E080] =	vst v63  }
0x2e: {  	s30 =	simm.s32 $0x1480;
	s5 =	sor.u32 $0x2800, s9;
	_ =	swait.ge [sflag:s2], $0x3E80  }
0x2f: {  	s6 =	sadd.s32 $0x3, s7;
	s1 =	simm.s32 $0x1480;
	[sflag:s2] =	ssyncset.done $0x0  }
.LBB2_2:
0x30: {  	p1 =	sne.s32 s31, $0x27  }
0x31: {  	[sflag:s2] =	ssyncadd.s32 $0xFFFFC180;
	s30 =	sadd.s32 $0x80, s30;
	s2 =	smov.u32 s31  }
0x32: {  	[spmem:s3] =	stream.indirect.scatter.add.f32 [tilespmem:s5], [sflag:s6], $0x80, s1, s12, $0xb8;
	[tilespmem:$0x1E080] =	vst v63  }
0x33: {  	s31 =	sadd.s32 $0x1, s31;
	s5 =	sand.u32 $0x1, s2;
	s1 =	smov.u32 s30  }
0x34: {  	s6 =	sadd.s32 $0x3, s5;
	s7 =	sshll.u32 s5, $0xE  }
0x35: {  	s9 =	sadd.s32 $0xFFFFEC80, s30;
	s2 =	sadd.s32 $0xFFFFFFFF, s2;
	_ =	swait.ge [sflag:s6], $0x3E80  }
0x36: {  	s5 =	sadd.s32 $0x1, s5;
	s8 =	sand.u32 $0x1, s2;
	[sflag:s6] =	ssyncset.done $0x0  }
.Ltmp0:
0x37: {  	s2 =	sor.u32 $0x2800, s7;
	[sflag:s6] =	ssyncadd.s32 $0xFFFFC180;
	(pc) =	sbr.rel @p1 .LBB2_2-.Ltmp0, $4  }
0x38: {  	[tilespmem:s2], [sflag:s5] =	stream.indirect.gather [hbm4b:s0+s12], $0x80, s9, s12, $0xb8;
	[tilespmem:$0x1E080] =	vst v63  }
0x39: {  	s5 =	sshll.u32 s8, $0xE;
	s2 =	sadd.s32 $0x1, s8  }
0x3a: {  	_ =	swait.ge [sflag:s2], $0x3E80  }
0x3b: {  	s6 =	sadd.s32 $0x3, s8;
	s5 =	sor.u32 $0x2800, s5;
	[sflag:s2] =	ssyncset.done $0x0  }
0x3c: {  	[sflag:s2] =	ssyncadd.s32 $0xFFFFC180;
	s9 =	simm.s32 $0x2  }
0x3d: {  	[spmem:s3] =	stream.indirect.scatter.add.f32 [tilespmem:s5], [sflag:s6], $0x80, s1, s12, $0xb8;
	[tilespmem:$0x1E080] =	vst v63  }
0x3e: {  	_ =	swait.ge [sflag:s9], $0x3E80  }
0x3f: {  	[sflag:s9] =	ssyncset.done $0x0  }
0x40: {  	[sflag:s9] =	ssyncadd.s32 $0xFFFFC180  }
0x41: {  	[spmem:s3] =	stream.indirect.scatter.add.f32 [tilespmem:s17], [sflag:$0x4], $0x80, s19, s12, $0xb8;
	[tilespmem:$0x1E080] =	vst v63  }
0x42: {  	_ =	swait.ge [sflag:s22], $0x3E80  }
0x43: {  	[sflag:s22] =	ssyncset.done $0x0  }
0x44: {  	[sflag:s22] =	ssyncadd.s32 $0xFFFFC180  }
0x45: {  	_ =	swait.ge [sflag:s26], $0x3E80  }
0x46: {  	[sflag:s26] =	ssyncset.done $0x0  }
0x47: {  	[sflag:s26] =	ssyncadd.s32 $0xFFFFC180  }
0x48: {  	[tilespmem:s4], [sflag:$0x5] =	stream.linear.gather [hbm4b:s20+s4], $0x1400, $0x38;
	[tilespmem:$0x1E080] =	vst v63  }
0x49: {  	_ =	swait.ge [sflag:s10], $0x1400  }
0x4a: {  	[sflag:s10] =	ssyncset.done $0x0  }
0x4b: {  	[sflag:s10] =	ssyncadd.s32 $0xFFFFEC00  }
0x4c: {  	[tilespmem:s11], [sflag:$0x5] =	stream.linear.gather [hbm4b:s21+s4], $0x1400, $0x38;
	[tilespmem:$0x1E080] =	vst v63  }
0x4d: {  	_ =	swait.ge [sflag:s10], $0x1400  }
0x4e: {  	[sflag:s10] =	ssyncset.done $0x0  }
0x4f: {  	[sflag:s10] =	ssyncadd.s32 $0xFFFFEC00  }
0x50: {  	[tilespmem:s13], [sflag:$0x1] =	stream.indirect.gather [hbm4b:s0+s12], $0x80, s4, s12, $0xb8;
	[tilespmem:$0x1E080] =	vst v63  }
0x51: {  	s5 =	simm.s32 $0x80  }
0x52: {  	[tilespmem:s17], [sflag:$0x2] =	stream.indirect.gather [hbm4b:s0+s12], $0x80, s5, s12, $0xb8;
	[tilespmem:$0x1E080] =	vst v63  }
0x53: {  	s7 =	simm.s32 $0x1;
	_ =	swait.ge [sflag:s18], $0x3E80  }
0x54: {  	s30 =	simm.s32 $0x1480;
	s1 =	sand.u32 $0x1, s9;
	[sflag:s18] =	ssyncset.done $0x0  }
0x55: {  	s31 =	simm.s32 $0x3;
	s6 =	sadd.s32 $0x3, s1;
	[sflag:s18] =	ssyncadd.s32 $0xFFFFC180  }
0x56: {  	[spmem:s3] =	stream.indirect.scatter.add.f32 [tilespmem:s13], [sflag:$0x3], $0x80, s11, s12, $0xb8;
	[tilespmem:$0x1E080] =	vst v63  }
0x57: {  	s7 =	sand.u32 $0x1, s7;
	s8 =	sshll.u32 s1, $0xE;
	_ =	swait.ge [sflag:s6], $0x3E80  }
0x58: {  	s1 =	sadd.s32 $0x1, s1;
	s2 =	sadd.s32 $0x1, s7;
	[sflag:s6] =	ssyncset.done $0x0  }
0x59: {  	s8 =	sor.u32 $0x2800, s8;
	s9 =	simm.s32 $0x100;
	[sflag:s6] =	ssyncadd.s32 $0xFFFFC180  }
0x5a: {  	[tilespmem:s8], [sflag:s1] =	stream.indirect.gather [hbm4b:s0+s12], $0x80, s9, s12, $0xb8;
	[tilespmem:$0x1E080] =	vst v63  }
0x5b: {  	s6 =	sadd.s32 $0x3, s7;
	s9 =	sshll.u32 s7, $0xE;
	_ =	swait.ge [sflag:s2], $0x3E80  }
0x5c: {  	s1 =	simm.s32 $0x1480;
	s5 =	sor.u32 $0x2800, s9;
	[sflag:s2] =	ssyncset.done $0x0  }
.LBB2_4:
0x5d: {  	p1 =	sne.s32 s31, $0x27  }
0x5e: {  	[sflag:s2] =	ssyncadd.s32 $0xFFFFC180;
	s30 =	sadd.s32 $0x80, s30;
	s2 =	smov.u32 s31  }
0x5f: {  	[spmem:s3] =	stream.indirect.scatter.add.f32 [tilespmem:s5], [sflag:s6], $0x80, s1, s12, $0xb8;
	[tilespmem:$0x1E080] =	vst v63  }
0x60: {  	s31 =	sadd.s32 $0x1, s31;
	s5 =	sand.u32 $0x1, s2;
	s1 =	smov.u32 s30  }
0x61: {  	s6 =	sadd.s32 $0x3, s5;
	s7 =	sshll.u32 s5, $0xE  }
0x62: {  	s8 =	sadd.s32 $0xFFFFEC80, s30;
	s2 =	sadd.s32 $0xFFFFFFFF, s2;
	_ =	swait.ge [sflag:s6], $0x3E80  }
0x63: {  	s5 =	sadd.s32 $0x1, s5;
	s9 =	sand.u32 $0x1, s2;
	[sflag:s6] =	ssyncset.done $0x0  }
.Ltmp1:
0x64: {  	s2 =	sor.u32 $0x2800, s7;
	[sflag:s6] =	ssyncadd.s32 $0xFFFFC180;
	(pc) =	sbr.rel @p1 .LBB2_4-.Ltmp1, $4  }
0x65: {  	[tilespmem:s2], [sflag:s5] =	stream.indirect.gather [hbm4b:s0+s12], $0x80, s8, s12, $0xb8;
	[tilespmem:$0x1E080] =	vst v63  }
0x66: {  	s5 =	sshll.u32 s9, $0xE;
	s2 =	sadd.s32 $0x1, s9  }
0x67: {  	_ =	swait.ge [sflag:s2], $0x3E80  }
0x68: {  	s6 =	sadd.s32 $0x3, s9;
	s5 =	sor.u32 $0x2800, s5;
	[sflag:s2] =	ssyncset.done $0x0  }
0x69: {  	[sflag:s2] =	ssyncadd.s32 $0xFFFFC180  }
0x6a: {  	[spmem:s3] =	stream.indirect.scatter.add.f32 [tilespmem:s5], [sflag:s6], $0x80, s1, s12, $0xb8;
	[tilespmem:$0x1E080] =	vst v63  }
0x6b: {  	_ =	swait.ge [sflag:s28], $0x3E80  }
0x6c: {  	[sflag:s28] =	ssyncset.done $0x0  }
0x6d: {  	[sflag:s28] =	ssyncadd.s32 $0xFFFFC180  }
0x6e: {  	[spmem:s3] =	stream.indirect.scatter.add.f32 [tilespmem:s17], [sflag:$0x4], $0x80, s19, s12, $0xb8;
	[tilespmem:$0x1E080] =	vst v63  }
0x6f: {  	_ =	swait.ge [sflag:s22], $0x3E80  }
0x70: {  	[sflag:s22] =	ssyncset.done $0x0  }
0x71: {  	[sflag:s22] =	ssyncadd.s32 $0xFFFFC180  }
0x72: {  	_ =	swait.ge [sflag:s26], $0x3E80  }
0x73: {  	[sflag:s26] =	ssyncset.done $0x0  }
0x74: {  	[sflag:s26] =	ssyncadd.s32 $0xFFFFC180  }
0x75: {  	s1 =	sadd.s32 @p0 $0x25080, s16;
	[bflag:$0x0] =	sbarrier.arrive $0xFFFF  }
0x76: {  	[hbm:s1], [sflag:s14] =	dma.local @p0 [spmem:s23], $0x2080  }
0x77: {  	s1 =	simm.s32 @p0 $0x5  }
0x78: {  	_ =	swait.ge @p0 [sflag:s1], $0x2080  }
0x79: {  	[sflag:s1] =	ssyncset.done @p0 $0x0  }
0x7a: {  	[sflag:s1] =	ssyncadd.s32 @p0 $0xFFFFDF80;
	s1 =	simm.s32 @!p0 $0x5  }
0x7b: {  	[hbm:s24], [sflag:s14] =	dma.local @!p0 [spmem:s25], $0x2780  }
0x7c: {  	_ =	swait.ge @!p0 [sflag:s1], $0x2780  }
0x7d: {  	s29 =	sadd.s32 $0x1, s29;
	s31 =	rddreg [dreg:$0x7]  }
0x7e: {  	p1 =	sne.s32 s29, s31  }
.Ltmp2:
0x7f: {  	_ = 	snop;
	(pc) =	sbr.rel @p1 .LBB2_1-.Ltmp2, $3  }
0x80: {  	_ =	sdelay $0x1  }
0x81: {  	[sflag:s1] =	ssyncset.done @!p0 $0x0  }
0x82: {  	[sflag:s1] =	ssyncadd.s32 @!p0 $0xFFFFD880  }
0x83: {  	_ =	sfence.sel $0x180000  }
0x84: {  	[bflag:$0x0] =	sbarrier.arrive $0xFFFF  }
0x85: {  	_ =	strace $0x90000047  }
0x86: {  	s0 =	stileid.u32;
	[bflag:$0x2] =	sbarrier.arrive $0xFFFF  }
0x87: {  	p0 =	sne.s32 s0, $0x0;
	s0 =	rddreg [dreg:$0x3]  }
0x88: {  	s0 =	sadd.s32 @!p0 $0x100000, s0  }
0x89: {  	[sflag:s0] =	ssyncadd.tile.s32 @!p0 $0x1;
	_ =	shalt  }
.Lfunc_end2:
_tile_overlayer_lowered:
.L_overlay_start_2:
0x8a: {  	(tag) =	ssettag $0x2  }
0x8b: {  	s0 =	rddreg [dreg:$0x0];
	s2 =	stileid.u32  }
0x8c: {  	s1 =	rddreg [dreg:$0x1];
	p0 =	sne.s32 s2, $0x0  }
0x8d: {  	s3 =	rddreg [dreg:$0x2];
	[bflag:$0x3] =	sbarrier.arrive $0xFFFF;
	s2 =	simm.s32 @!p0 $0x1C05  }
0x8e: {  	[timem:s3], [sflag:s2] =	dma.local @!p0 [hbm:s0], s1  }
0x8f: {  	s0 =	simm.s32 @!p0 $0x5  }
0x90: {  	_ =	swait.ge @!p0 [sflag:s0], s1  }
0x91: {  	s1 =	ssub.s32 @!p0 $0x0, s1;
	[sflag:s0] =	ssyncset.done @!p0 $0x0  }
0x92: {  	[sflag:s0] =	ssyncadd.s32 @!p0 s1  }
0x93: {  	[bflag:$0x3] =	sbarrier.arrive $0xFFFF  }
0x94: {  	_ =	shalt  }

</sc_bundles>
